<compile_context>
chip_gen: v7x
topology: tpu7x:2x2x1
jax: 0.10.2.dev20260603
libtpu: 0.0.44.dev20260713+nightly
codegen_flags: <defaults>
</compile_context>

<pallas_src>
import jax
import jax.numpy as jnp
from jax import lax
from jax.experimental import pallas as pl
from jax.experimental.pallas import tpu as pltpu
from jax.experimental.pallas import tpu_sc as plsc

VOCAB = 1000000
EMB = 64
EMBP = 128
BATCH = 16384
HIST = 200
SCALE = EMB ** (-0.5)

NC = 2
NS = 16
NW = NC * NS

B = BATCH * HIST
ROWS_PER_W = BATCH // NW
CLOOK = HIST
NCHUNK = ROWS_PER_W
NBUF = 4
G_SPLIT = (128, HIST - 128)


def _pieces(b):
    off = b * CLOOK
    return [(off, G_SPLIT[0]), (off + G_SPLIT[0], G_SPLIT[1])]


def _sc_body(x_hbm, table_hbm, out_hbm, idx_v, rows_v,
             gs0, gs1, gs2, gs3, ss0, ss1, ss2, ss3):
    gs = [gs0, gs1, gs2, gs3]
    ss = [ss0, ss1, ss2, ss3]
    c = lax.axis_index("c")
    s = lax.axis_index("s")
    wid = s * NC + c
    row_base = wid * ROWS_PER_W

    def stage_and_fire_gather(g, b):
        pltpu.sync_copy(
            x_hbm.at[pl.ds((row_base + g) * HIST, CLOOK)],
            idx_v.at[pl.ds(b * CLOOK, CLOOK)])
        for off, ln in _pieces(b):
            pltpu.async_copy(
                table_hbm.at[idx_v.at[pl.ds(off, ln)]],
                rows_v.at[pl.ds(off, ln)],
                gs[b])

    def wait_gather(b):
        for off, ln in _pieces(b):
            pltpu.make_async_copy(
                table_hbm.at[idx_v.at[pl.ds(off, ln)]],
                rows_v.at[pl.ds(off, ln)],
                gs[b]).wait()

    def fire_scatter(g, b):
        pltpu.async_copy(rows_v.at[pl.ds(b * CLOOK, CLOOK)],
                         out_hbm.at[row_base + g, :, pl.ds(0, EMB)], ss[b])

    def wait_scatter(g, b):
        pltpu.make_async_copy(rows_v.at[pl.ds(b * CLOOK, CLOOK)],
                              out_hbm.at[row_base + g, :, pl.ds(0, EMB)],
                              ss[b]).wait()

    stage_and_fire_gather(0, 0)
    stage_and_fire_gather(1, 1)

    @pl.loop(0, NCHUNK // NBUF)
    def _outer(go):
        for b in range(NBUF):
            g = go * NBUF + b
            b2 = (b + 2) % NBUF

            @pl.when(g >= 2)
            def _():
                wait_scatter(g - 2, b2)

            @pl.when(g + 2 < NCHUNK)
            def _():
                stage_and_fire_gather(g + 2, b2)

            wait_gather(b)

            @pl.loop(0, CLOOK, unroll=8)
            def _scale(r):
                for jj in range(EMB // 16):
                    sl = pl.ds(jj * 16, 16)
                    rows_v[b * CLOOK + r, sl] = rows_v[b * CLOOK + r, sl] * SCALE

            fire_scatter(g, b)

    wait_scatter(NCHUNK - 2, (NCHUNK - 2) % NBUF)
    wait_scatter(NCHUNK - 1, (NCHUNK - 1) % NBUF)


@jax.jit
def _run(x_flat, table):
    mesh = plsc.VectorSubcoreMesh(core_axis_name="c", subcore_axis_name="s",
                                  num_cores=NC, num_subcores=NS)
    f = pl.kernel(
        _sc_body,
        out_type=jax.ShapeDtypeStruct((BATCH, HIST, EMBP), jnp.float32),
        mesh=mesh,
        compiler_params=pltpu.CompilerParams(use_tc_tiling_on_sc=False),
        scratch_types=[
            pltpu.VMEM((NBUF * CLOOK,), jnp.int32),
            pltpu.VMEM((NBUF * CLOOK, EMB), jnp.float32),
        ] + [pltpu.SemaphoreType.DMA] * (2 * NBUF),
    )
    return f(x_flat, table)


def kernel(x, table):
    x_flat = x.astype(jnp.int32).reshape(B)
    out = _run(x_flat, table)
    return out[:, :, :EMB]

# --- scband reference (transcript-rebuilt; emitter-appended) ---
"""Pipeline reference for scband-embedding-71511205478882 (READ-ONLY COPY).

The authoritative reference and input builder live on the scoring server;
editing this copy changes nothing except your own understanding.
"""

import jax, jax.numpy as jnp
import numpy as np

VOCAB = 1000000
EMB = 64
BATCH = 16384
HIST = 200

def setup_inputs(seed: int = 0) -> dict:
    key = jax.random.key(seed)
    k1, k2 = jax.random.split(key)
    x = jax.random.randint(k1, (BATCH, HIST), 0, VOCAB, dtype=jnp.int64)
    # learned embedding table per init_kwargs (vocab_size, embedding_size)
    table = jax.random.normal(k2, (VOCAB, EMB), dtype=jnp.float32)
    return {"x": x, "table": table}

def reference(x, table):
    # Embedding lookup followed by scaling by embedding_size ** -0.5
    scale_factor = EMB ** (-0.5)
    emb = jnp.take(table, x, axis=0)  # [BATCH, HIST, EMB]
    return scale_factor * emb

if __name__ == "__main__":
    import jax
    _d = setup_inputs()
    print(jax.jit(kernel)(*tuple(_d.values())))

</pallas_src>

<mosaic_0001>
#map = affine_map<(d0, d1) -> (0)>
#map1 = affine_map<(d0, d1) -> (0, 0)>
#map2 = affine_map<(d0, d1) -> (0, 0, 0)>
module attributes {stable_mosaic.version = 14 : i64} {
  func.func @_sc_body(%arg0: i32, %arg1: i32, %arg2: memref<3276800xi32, #tpu.memory_space<hbm>>, %arg3: memref<1000000x64xf32, #tpu.memory_space<hbm>>, %arg4: memref<16384x200x128xf32, #tpu.memory_space<hbm>>, %arg5: memref<800xi32, #tpu.memory_space<vmem>>, %arg6: memref<800x64xf32, #tpu.memory_space<vmem>>, %arg7: memref<!tpu.dma_semaphore, #tpu.memory_space<semaphore_mem>>, %arg8: memref<!tpu.dma_semaphore, #tpu.memory_space<semaphore_mem>>, %arg9: memref<!tpu.dma_semaphore, #tpu.memory_space<semaphore_mem>>, %arg10: memref<!tpu.dma_semaphore, #tpu.memory_space<semaphore_mem>>, %arg11: memref<!tpu.dma_semaphore, #tpu.memory_space<semaphore_mem>>, %arg12: memref<!tpu.dma_semaphore, #tpu.memory_space<semaphore_mem>>, %arg13: memref<!tpu.dma_semaphore, #tpu.memory_space<semaphore_mem>>, %arg14: memref<!tpu.dma_semaphore, #tpu.memory_space<semaphore_mem>>) attributes {dimension_semantics = [#tpu.dimension_semantics<core_parallel>, #tpu.dimension_semantics<subcore_parallel>], iteration_bounds = array<i64: 2, 16>, scalar_prefetch = 0 : i64, scratch_operands = 10 : i64, tpu.core_type = #tpu.core_type<sc_vector_subcore>, window_params = [{transform_indices = #map}, {transform_indices = #map1}, {transform_indices = #map2}]} {
    %mul3A = arith.constant 2 : i32
    %mul3A_0 = arith.muli %arg1, %mul3A : i32
    %add3A = arith.addi %mul3A_0, %arg0 : i32
    %mul3A_1 = arith.constant 512 : i32
    %mul3A_2 = arith.muli %add3A, %mul3A_1 : i32
    %add3A_3 = arith.constant 0 : i32
    %add3A_4 = arith.addi %mul3A_2, %add3A_3 : i32
    %mul3A_5 = arith.constant 200 : i32
    %mul3A_6 = arith.muli %add3A_4, %mul3A_5 : i32
    "tpu.region"() ({
      %run_scoped3A = tpu.sem_alloc : memref<!tpu.dma_semaphore, #tpu.memory_space<semaphore_mem>>
      %dma_start3A_77 = arith.constant 0 : i32
      %dma_start3A_78 = tpu.memref_slice %arg5[%dma_start3A_77] : memref<800xi32, #tpu.memory_space<vmem>> -> memref<200xi32, #tpu.memory_space<vmem>>
      %dma_start3A_79 = tpu.memref_slice %arg2[%mul3A_6] : memref<3276800xi32, #tpu.memory_space<hbm>> -> memref<200xi32, #tpu.memory_space<hbm>>
      %dma_start3A_80 = arith.constant 0 : i32
      %dma_start3A_81 = tpu.memref_slice %arg5[%dma_start3A_80] : memref<800xi32, #tpu.memory_space<vmem>> -> memref<200xi32, #tpu.memory_space<vmem>>
      %dma_start3A_82 = tpu.memref_slice %arg2[%mul3A_6] : memref<3276800xi32, #tpu.memory_space<hbm>> -> memref<200xi32, #tpu.memory_space<hbm>>
      tpu.enqueue_dma source(%dma_start3A_82 : memref<200xi32, #tpu.memory_space<hbm>>) target(%dma_start3A_81 : memref<200xi32, #tpu.memory_space<vmem>>) target_semaphore(%run_scoped3A : memref<!tpu.dma_semaphore, #tpu.memory_space<semaphore_mem>>)
      %dma_wait3A_83 = arith.constant 0 : i32
      %dma_wait3A_84 = tpu.memref_slice %arg5[%dma_wait3A_83] : memref<800xi32, #tpu.memory_space<vmem>> -> memref<200xi32, #tpu.memory_space<vmem>>
      %dma_wait3A_85 = tpu.memref_slice %arg2[%mul3A_6] : memref<3276800xi32, #tpu.memory_space<hbm>> -> memref<200xi32, #tpu.memory_space<hbm>>
      %dma_wait3A_86 = arith.constant 0 : i32
      %dma_wait3A_87 = tpu.memref_slice %arg5[%dma_wait3A_86] : memref<800xi32, #tpu.memory_space<vmem>> -> memref<200xi32, #tpu.memory_space<vmem>>
      %dma_wait3A_88 = tpu.memref_slice %arg2[%mul3A_6] : memref<3276800xi32, #tpu.memory_space<hbm>> -> memref<200xi32, #tpu.memory_space<hbm>>
      tpu.wait_dma2 semaphore(%run_scoped3A : memref<!tpu.dma_semaphore, #tpu.memory_space<semaphore_mem>>) src(%dma_wait3A_88 : memref<200xi32, #tpu.memory_space<hbm>>) dst(%dma_wait3A_87 : memref<200xi32, #tpu.memory_space<vmem>>)
      tpu.yield
    }) : () -> ()
    %dma_start3A = arith.constant 0 : i32
    %dma_start3A_7 = arith.constant 0 : i32
    %dma_start3A_8 = tpu.memref_slice %arg6[%dma_start3A, %dma_start3A_7] : memref<800x64xf32, #tpu.memory_space<vmem>> -> memref<128x64xf32, #tpu.memory_space<vmem>>
    %dma_start3A_9 = arith.constant 0 : i32
    %dma_start3A_10 = tpu.memref_slice %arg5[%dma_start3A_9] : memref<800xi32, #tpu.memory_space<vmem>> -> memref<128xi32, #tpu.memory_space<vmem>>
    %dma_start3A_11 = arith.constant 0 : i32
    %dma_start3A_12 = arith.constant 0 : i32
    %dma_start3A_13 = tpu.memref_slice %arg3[%dma_start3A_11, %dma_start3A_12] : memref<1000000x64xf32, #tpu.memory_space<hbm>> -> memref<1000000x64xf32, #tpu.memory_space<hbm>>
    tpu.enqueue_indirect_dma source(%dma_start3A_13 : memref<1000000x64xf32, #tpu.memory_space<hbm>>) target(%dma_start3A_8 : memref<128x64xf32, #tpu.memory_space<vmem>>) offsets(%dma_start3A_10 : memref<128xi32, #tpu.memory_space<vmem>>) semaphore(%arg7 : memref<!tpu.dma_semaphore, #tpu.memory_space<semaphore_mem>>)
    %dma_start3A_14 = arith.constant 128 : i32
    %dma_start3A_15 = arith.constant 0 : i32
    %dma_start3A_16 = tpu.memref_slice %arg6[%dma_start3A_14, %dma_start3A_15] : memref<800x64xf32, #tpu.memory_space<vmem>> -> memref<72x64xf32, #tpu.memory_space<vmem>>
    %dma_start3A_17 = arith.constant 128 : i32
    %dma_start3A_18 = tpu.memref_slice %arg5[%dma_start3A_17] : memref<800xi32, #tpu.memory_space<vmem>> -> memref<72xi32, #tpu.memory_space<vmem>>
    %dma_start3A_19 = arith.constant 0 : i32
    %dma_start3A_20 = arith.constant 0 : i32
    %dma_start3A_21 = tpu.memref_slice %arg3[%dma_start3A_19, %dma_start3A_20] : memref<1000000x64xf32, #tpu.memory_space<hbm>> -> memref<1000000x64xf32, #tpu.memory_space<hbm>>
    tpu.enqueue_indirect_dma source(%dma_start3A_21 : memref<1000000x64xf32, #tpu.memory_space<hbm>>) target(%dma_start3A_16 : memref<72x64xf32, #tpu.memory_space<vmem>>) offsets(%dma_start3A_18 : memref<72xi32, #tpu.memory_space<vmem>>) semaphore(%arg7 : memref<!tpu.dma_semaphore, #tpu.memory_space<semaphore_mem>>)
    %add3A_22 = arith.constant 1 : i32
    %add3A_23 = arith.addi %mul3A_2, %add3A_22 : i32
    %mul3A_24 = arith.constant 200 : i32
    %mul3A_25 = arith.muli %add3A_23, %mul3A_24 : i32
    "tpu.region"() ({
      %run_scoped3A = tpu.sem_alloc : memref<!tpu.dma_semaphore, #tpu.memory_space<semaphore_mem>>
      %dma_start3A_77 = arith.constant 200 : i32
      %dma_start3A_78 = tpu.memref_slice %arg5[%dma_start3A_77] : memref<800xi32, #tpu.memory_space<vmem>> -> memref<200xi32, #tpu.memory_space<vmem>>
      %dma_start3A_79 = tpu.memref_slice %arg2[%mul3A_25] : memref<3276800xi32, #tpu.memory_space<hbm>> -> memref<200xi32, #tpu.memory_space<hbm>>
      %dma_start3A_80 = arith.constant 200 : i32
      %dma_start3A_81 = tpu.memref_slice %arg5[%dma_start3A_80] : memref<800xi32, #tpu.memory_space<vmem>> -> memref<200xi32, #tpu.memory_space<vmem>>
      %dma_start3A_82 = tpu.memref_slice %arg2[%mul3A_25] : memref<3276800xi32, #tpu.memory_space<hbm>> -> memref<200xi32, #tpu.memory_space<hbm>>
      tpu.enqueue_dma source(%dma_start3A_82 : memref<200xi32, #tpu.memory_space<hbm>>) target(%dma_start3A_81 : memref<200xi32, #tpu.memory_space<vmem>>) target_semaphore(%run_scoped3A : memref<!tpu.dma_semaphore, #tpu.memory_space<semaphore_mem>>)
      %dma_wait3A_83 = arith.constant 200 : i32
      %dma_wait3A_84 = tpu.memref_slice %arg5[%dma_wait3A_83] : memref<800xi32, #tpu.memory_space<vmem>> -> memref<200xi32, #tpu.memory_space<vmem>>
      %dma_wait3A_85 = tpu.memref_slice %arg2[%mul3A_25] : memref<3276800xi32, #tpu.memory_space<hbm>> -> memref<200xi32, #tpu.memory_space<hbm>>
      %dma_wait3A_86 = arith.constant 200 : i32
      %dma_wait3A_87 = tpu.memref_slice %arg5[%dma_wait3A_86] : memref<800xi32, #tpu.memory_space<vmem>> -> memref<200xi32, #tpu.memory_space<vmem>>
      %dma_wait3A_88 = tpu.memref_slice %arg2[%mul3A_25] : memref<3276800xi32, #tpu.memory_space<hbm>> -> memref<200xi32, #tpu.memory_space<hbm>>
      tpu.wait_dma2 semaphore(%run_scoped3A : memref<!tpu.dma_semaphore, #tpu.memory_space<semaphore_mem>>) src(%dma_wait3A_88 : memref<200xi32, #tpu.memory_space<hbm>>) dst(%dma_wait3A_87 : memref<200xi32, #tpu.memory_space<vmem>>)
      tpu.yield
    }) : () -> ()
    %dma_start3A_26 = arith.constant 200 : i32
    %dma_start3A_27 = arith.constant 0 : i32
    %dma_start3A_28 = tpu.memref_slice %arg6[%dma_start3A_26, %dma_start3A_27] : memref<800x64xf32, #tpu.memory_space<vmem>> -> memref<128x64xf32, #tpu.memory_space<vmem>>
    %dma_start3A_29 = arith.constant 200 : i32
    %dma_start3A_30 = tpu.memref_slice %arg5[%dma_start3A_29] : memref<800xi32, #tpu.memory_space<vmem>> -> memref<128xi32, #tpu.memory_space<vmem>>
    %dma_start3A_31 = arith.constant 0 : i32
    %dma_start3A_32 = arith.constant 0 : i32
    %dma_start3A_33 = tpu.memref_slice %arg3[%dma_start3A_31, %dma_start3A_32] : memref<1000000x64xf32, #tpu.memory_space<hbm>> -> memref<1000000x64xf32, #tpu.memory_space<hbm>>
    tpu.enqueue_indirect_dma source(%dma_start3A_33 : memref<1000000x64xf32, #tpu.memory_space<hbm>>) target(%dma_start3A_28 : memref<128x64xf32, #tpu.memory_space<vmem>>) offsets(%dma_start3A_30 : memref<128xi32, #tpu.memory_space<vmem>>) semaphore(%arg8 : memref<!tpu.dma_semaphore, #tpu.memory_space<semaphore_mem>>)
    %dma_start3A_34 = arith.constant 328 : i32
    %dma_start3A_35 = arith.constant 0 : i32
    %dma_start3A_36 = tpu.memref_slice %arg6[%dma_start3A_34, %dma_start3A_35] : memref<800x64xf32, #tpu.memory_space<vmem>> -> memref<72x64xf32, #tpu.memory_space<vmem>>
    %dma_start3A_37 = arith.constant 328 : i32
    %dma_start3A_38 = tpu.memref_slice %arg5[%dma_start3A_37] : memref<800xi32, #tpu.memory_space<vmem>> -> memref<72xi32, #tpu.memory_space<vmem>>
    %dma_start3A_39 = arith.constant 0 : i32
    %dma_start3A_40 = arith.constant 0 : i32
    %dma_start3A_41 = tpu.memref_slice %arg3[%dma_start3A_39, %dma_start3A_40] : memref<1000000x64xf32, #tpu.memory_space<hbm>> -> memref<1000000x64xf32, #tpu.memory_space<hbm>>
    tpu.enqueue_indirect_dma source(%dma_start3A_41 : memref<1000000x64xf32, #tpu.memory_space<hbm>>) target(%dma_start3A_36 : memref<72x64xf32, #tpu.memory_space<vmem>>) offsets(%dma_start3A_38 : memref<72xi32, #tpu.memory_space<vmem>>) semaphore(%arg8 : memref<!tpu.dma_semaphore, #tpu.memory_space<semaphore_mem>>)
    %scan3A = arith.constant 0 : i32
    %scan3A_42 = arith.constant 128 : i32
    %scan3A_43 = arith.addi %scan3A, %scan3A_42 : i32
    %scan3A_44 = arith.constant 1 : i32
    scf.for %scan3A_77 = %scan3A to %scan3A_43 step %scan3A_44  : i32 {
      %mul3A_78 = arith.constant 1 : i32
      %mul3A_79 = arith.muli %scan3A_77, %mul3A_78 : i32
      %add3A_80 = arith.constant 0 : i32
      %add3A_81 = arith.addi %add3A_80, %mul3A_79 : i32
      %mul3A_82 = arith.constant 4 : i32
      %mul3A_83 = arith.muli %add3A_81, %mul3A_82 : i32
      %add3A_84 = arith.constant 0 : i32
      %add3A_85 = arith.addi %mul3A_83, %add3A_84 : i32
      %ge3A = arith.constant 2 : i32
      %ge3A_86 = arith.cmpi sge, %add3A_85, %ge3A : i32
      %convert_element_type3A = arith.extui %ge3A_86 : i1 to i32
      %cond3A = arith.constant 0 : i32
      %cond3A_87 = arith.cmpi ne, %convert_element_type3A, %cond3A : i32
      scf.if %cond3A_87 {
        %sub3A = arith.constant 2 : i32
        %sub3A_286 = arith.subi %add3A_85, %sub3A : i32
        %add3A_287 = arith.addi %mul3A_2, %sub3A_286 : i32
        %dma_wait3A_288 = arith.constant 400 : i32
        %dma_wait3A_289 = arith.constant 0 : i32
        %dma_wait3A_290 = tpu.memref_slice %arg6[%dma_wait3A_288, %dma_wait3A_289] : memref<800x64xf32, #tpu.memory_space<vmem>> -> memref<200x64xf32, #tpu.memory_space<vmem>>
        %dma_wait3A_291 = arith.constant 0 : i32
        %dma_wait3A_292 = arith.constant 0 : i32
        %dma_wait3A_293 = tpu.memref_slice %arg4[%add3A_287, %dma_wait3A_291, %dma_wait3A_292] : memref<16384x200x128xf32, #tpu.memory_space<hbm>> -> memref<1x200x64xf32, #tpu.memory_space<hbm>>
        %dma_wait3A_294 = tpu.memref_squeeze %dma_wait3A_293 : memref<1x200x64xf32, #tpu.memory_space<hbm>> -> memref<200x64xf32, #tpu.memory_space<hbm>>
        %dma_wait3A_295 = arith.constant 0 : i32
        %dma_wait3A_296 = arith.constant 0 : i32
        %dma_wait3A_297 = tpu.memref_slice %arg4[%add3A_287, %dma_wait3A_295, %dma_wait3A_296] : memref<16384x200x128xf32, #tpu.memory_space<hbm>> -> memref<1x200x64xf32, #tpu.memory_space<hbm>>
        %dma_wait3A_298 = tpu.memref_squeeze %dma_wait3A_297 : memref<1x200x64xf32, #tpu.memory_space<hbm>> -> memref<200x64xf32, #tpu.memory_space<hbm>>
        %dma_wait3A_299 = arith.constant 400 : i32
        %dma_wait3A_300 = arith.constant 0 : i32
        %dma_wait3A_301 = tpu.memref_slice %arg6[%dma_wait3A_299, %dma_wait3A_300] : memref<800x64xf32, #tpu.memory_space<vmem>> -> memref<200x64xf32, #tpu.memory_space<vmem>>
        tpu.wait_dma2 semaphore(%arg13 : memref<!tpu.dma_semaphore, #tpu.memory_space<semaphore_mem>>) src(%dma_wait3A_301 : memref<200x64xf32, #tpu.memory_space<vmem>>) dst(%dma_wait3A_298 : memref<200x64xf32, #tpu.memory_space<hbm>>)
      } else {
      }
      %add3A_88 = arith.constant 2 : i32
      %add3A_89 = arith.addi %add3A_85, %add3A_88 : i32
      %lt3A = arith.constant 512 : i32
      %lt3A_90 = arith.cmpi slt, %add3A_89, %lt3A : i32
      %convert_element_type3A_91 = arith.extui %lt3A_90 : i1 to i32
      %cond3A_92 = arith.constant 0 : i32
      %cond3A_93 = arith.cmpi ne, %convert_element_type3A_91, %cond3A_92 : i32
      scf.if %cond3A_93 {
        %add3A_286 = arith.constant 2 : i32
        %add3A_287 = arith.addi %add3A_85, %add3A_286 : i32
        %add3A_288 = arith.addi %mul3A_2, %add3A_287 : i32
        %mul3A_289 = arith.constant 200 : i32
        %mul3A_290 = arith.muli %add3A_288, %mul3A_289 : i32
        "tpu.region"() ({
          %run_scoped3A = tpu.sem_alloc : memref<!tpu.dma_semaphore, #tpu.memory_space<semaphore_mem>>
          %dma_start3A_307 = arith.constant 400 : i32
          %dma_start3A_308 = tpu.memref_slice %arg5[%dma_start3A_307] : memref<800xi32, #tpu.memory_space<vmem>> -> memref<200xi32, #tpu.memory_space<vmem>>
          %dma_start3A_309 = tpu.memref_slice %arg2[%mul3A_290] : memref<3276800xi32, #tpu.memory_space<hbm>> -> memref<200xi32, #tpu.memory_space<hbm>>
          %dma_start3A_310 = arith.constant 400 : i32
          %dma_start3A_311 = tpu.memref_slice %arg5[%dma_start3A_310] : memref<800xi32, #tpu.memory_space<vmem>> -> memref<200xi32, #tpu.memory_space<vmem>>
          %dma_start3A_312 = tpu.memref_slice %arg2[%mul3A_290] : memref<3276800xi32, #tpu.memory_space<hbm>> -> memref<200xi32, #tpu.memory_space<hbm>>
          tpu.enqueue_dma source(%dma_start3A_312 : memref<200xi32, #tpu.memory_space<hbm>>) target(%dma_start3A_311 : memref<200xi32, #tpu.memory_space<vmem>>) target_semaphore(%run_scoped3A : memref<!tpu.dma_semaphore, #tpu.memory_space<semaphore_mem>>)
          %dma_wait3A_313 = arith.constant 400 : i32
          %dma_wait3A_314 = tpu.memref_slice %arg5[%dma_wait3A_313] : memref<800xi32, #tpu.memory_space<vmem>> -> memref<200xi32, #tpu.memory_space<vmem>>
          %dma_wait3A_315 = tpu.memref_slice %arg2[%mul3A_290] : memref<3276800xi32, #tpu.memory_space<hbm>> -> memref<200xi32, #tpu.memory_space<hbm>>
          %dma_wait3A_316 = arith.constant 400 : i32
          %dma_wait3A_317 = tpu.memref_slice %arg5[%dma_wait3A_316] : memref<800xi32, #tpu.memory_space<vmem>> -> memref<200xi32, #tpu.memory_space<vmem>>
          %dma_wait3A_318 = tpu.memref_slice %arg2[%mul3A_290] : memref<3276800xi32, #tpu.memory_space<hbm>> -> memref<200xi32, #tpu.memory_space<hbm>>
          tpu.wait_dma2 semaphore(%run_scoped3A : memref<!tpu.dma_semaphore, #tpu.memory_space<semaphore_mem>>) src(%dma_wait3A_318 : memref<200xi32, #tpu.memory_space<hbm>>) dst(%dma_wait3A_317 : memref<200xi32, #tpu.memory_space<vmem>>)
          tpu.yield
        }) : () -> ()
        %dma_start3A_291 = arith.constant 400 : i32
        %dma_start3A_292 = arith.constant 0 : i32
        %dma_start3A_293 = tpu.memref_slice %arg6[%dma_start3A_291, %dma_start3A_292] : memref<800x64xf32, #tpu.memory_space<vmem>> -> memref<128x64xf32, #tpu.memory_space<vmem>>
        %dma_start3A_294 = arith.constant 400 : i32
        %dma_start3A_295 = tpu.memref_slice %arg5[%dma_start3A_294] : memref<800xi32, #tpu.memory_space<vmem>> -> memref<128xi32, #tpu.memory_space<vmem>>
        %dma_start3A_296 = arith.constant 0 : i32
        %dma_start3A_297 = arith.constant 0 : i32
        %dma_start3A_298 = tpu.memref_slice %arg3[%dma_start3A_296, %dma_start3A_297] : memref<1000000x64xf32, #tpu.memory_space<hbm>> -> memref<1000000x64xf32, #tpu.memory_space<hbm>>
        tpu.enqueue_indirect_dma source(%dma_start3A_298 : memref<1000000x64xf32, #tpu.memory_space<hbm>>) target(%dma_start3A_293 : memref<128x64xf32, #tpu.memory_space<vmem>>) offsets(%dma_start3A_295 : memref<128xi32, #tpu.memory_space<vmem>>) semaphore(%arg9 : memref<!tpu.dma_semaphore, #tpu.memory_space<semaphore_mem>>)
        %dma_start3A_299 = arith.constant 528 : i32
        %dma_start3A_300 = arith.constant 0 : i32
        %dma_start3A_301 = tpu.memref_slice %arg6[%dma_start3A_299, %dma_start3A_300] : memref<800x64xf32, #tpu.memory_space<vmem>> -> memref<72x64xf32, #tpu.memory_space<vmem>>
        %dma_start3A_302 = arith.constant 528 : i32
        %dma_start3A_303 = tpu.memref_slice %arg5[%dma_start3A_302] : memref<800xi32, #tpu.memory_space<vmem>> -> memref<72xi32, #tpu.memory_space<vmem>>
        %dma_start3A_304 = arith.constant 0 : i32
        %dma_start3A_305 = arith.constant 0 : i32
        %dma_start3A_306 = tpu.memref_slice %arg3[%dma_start3A_304, %dma_start3A_305] : memref<1000000x64xf32, #tpu.memory_space<hbm>> -> memref<1000000x64xf32, #tpu.memory_space<hbm>>
        tpu.enqueue_indirect_dma source(%dma_start3A_306 : memref<1000000x64xf32, #tpu.memory_space<hbm>>) target(%dma_start3A_301 : memref<72x64xf32, #tpu.memory_space<vmem>>) offsets(%dma_start3A_303 : memref<72xi32, #tpu.memory_space<vmem>>) semaphore(%arg9 : memref<!tpu.dma_semaphore, #tpu.memory_space<semaphore_mem>>)
      } else {
      }
      %dma_wait3A_94 = arith.constant 0 : i32
      %dma_wait3A_95 = arith.constant 0 : i32
      %dma_wait3A_96 = tpu.memref_slice %arg6[%dma_wait3A_94, %dma_wait3A_95] : memref<800x64xf32, #tpu.memory_space<vmem>> -> memref<128x64xf32, #tpu.memory_space<vmem>>
      %dma_wait3A_97 = arith.constant 0 : i32
      %dma_wait3A_98 = tpu.memref_slice %arg5[%dma_wait3A_97] : memref<800xi32, #tpu.memory_space<vmem>> -> memref<128xi32, #tpu.memory_space<vmem>>
      %dma_wait3A_99 = arith.constant 0 : i32
      %dma_wait3A_100 = arith.constant 0 : i32
      %dma_wait3A_101 = tpu.memref_slice %arg3[%dma_wait3A_99, %dma_wait3A_100] : memref<1000000x64xf32, #tpu.memory_space<hbm>> -> memref<1000000x64xf32, #tpu.memory_space<hbm>>
      tpu.wait_indirect_dma semaphore(%arg7 : memref<!tpu.dma_semaphore, #tpu.memory_space<semaphore_mem>>) src(%dma_wait3A_101 : memref<1000000x64xf32, #tpu.memory_space<hbm>>) dst(%dma_wait3A_96 : memref<128x64xf32, #tpu.memory_space<vmem>>)
      %dma_wait3A_102 = arith.constant 128 : i32
      %dma_wait3A_103 = arith.constant 0 : i32
      %dma_wait3A_104 = tpu.memref_slice %arg6[%dma_wait3A_102, %dma_wait3A_103] : memref<800x64xf32, #tpu.memory_space<vmem>> -> memref<72x64xf32, #tpu.memory_space<vmem>>
      %dma_wait3A_105 = arith.constant 128 : i32
      %dma_wait3A_106 = tpu.memref_slice %arg5[%dma_wait3A_105] : memref<800xi32, #tpu.memory_space<vmem>> -> memref<72xi32, #tpu.memory_space<vmem>>
      %dma_wait3A_107 = arith.constant 0 : i32
      %dma_wait3A_108 = arith.constant 0 : i32
      %dma_wait3A_109 = tpu.memref_slice %arg3[%dma_wait3A_107, %dma_wait3A_108] : memref<1000000x64xf32, #tpu.memory_space<hbm>> -> memref<1000000x64xf32, #tpu.memory_space<hbm>>
      tpu.wait_indirect_dma semaphore(%arg7 : memref<!tpu.dma_semaphore, #tpu.memory_space<semaphore_mem>>) src(%dma_wait3A_109 : memref<1000000x64xf32, #tpu.memory_space<hbm>>) dst(%dma_wait3A_104 : memref<72x64xf32, #tpu.memory_space<vmem>>)
      %scan3A_110 = arith.constant 0 : i32
      %scan3A_111 = arith.constant 200 : i32
      %scan3A_112 = arith.addi %scan3A_110, %scan3A_111 : i32
      %scan3A_113 = arith.constant 8 : i32
      scf.for %scan3A_286 = %scan3A_110 to %scan3A_112 step %scan3A_113  : i32 {
        %mul3A_287 = arith.constant 1 : i32
        %mul3A_288 = arith.muli %scan3A_286, %mul3A_287 : i32
        %add3A_289 = arith.constant 0 : i32
        %add3A_290 = arith.addi %add3A_289, %mul3A_288 : i32
        %add3A_291 = arith.constant 0 : i32
        %add3A_292 = arith.addi %add3A_291, %add3A_290 : i32
        %get3A = arith.index_cast %add3A_292 : i32 to index
        %get3A_293 = arith.constant 0 : index
        %get3A_294 = tpu.vector_load %arg6[%get3A, %get3A_293] {strides = array<i32>} : memref<800x64xf32, #tpu.memory_space<vmem>>, vector<1x16xf32>,
        %get3A_295 = vector.shape_cast %get3A_294 : vector<1x16xf32> to vector<16xf32>
        %mul3A_296 = arith.constant 1.250000e-01 : f32
        %mul3A_297 = vector.broadcast %mul3A_296 : f32 to vector<16xf32>
        %mul3A_298 = arith.mulf %get3A_295, %mul3A_297 : vector<16xf32>
        %add3A_299 = arith.constant 0 : i32
        %add3A_300 = arith.addi %add3A_299, %add3A_290 : i32
        %swap3A = arith.index_cast %add3A_300 : i32 to index
        %swap3A_301 = arith.constant 0 : index
        %swap3A_302 = tpu.vector_load %arg6[%swap3A, %swap3A_301] {strides = array<i32>} : memref<800x64xf32, #tpu.memory_space<vmem>>, vector<1x16xf32>,
        %swap3A_303 = vector.shape_cast %swap3A_302 : vector<1x16xf32> to vector<16xf32>
        %swap3A_304 = vector.shape_cast %mul3A_298 : vector<16xf32> to vector<1x16xf32>
        tpu.vector_store %arg6[%swap3A, %swap3A_301], %swap3A_304 {strides = array<i32>} : memref<800x64xf32, #tpu.memory_space<vmem>>, vector<1x16xf32>,
        %add3A_305 = arith.constant 0 : i32
        %add3A_306 = arith.addi %add3A_305, %add3A_290 : i32
        %get3A_307 = arith.index_cast %add3A_306 : i32 to index
        %get3A_308 = arith.constant 16 : index
        %get3A_309 = tpu.vector_load %arg6[%get3A_307, %get3A_308] {strides = array<i32>} : memref<800x64xf32, #tpu.memory_space<vmem>>, vector<1x16xf32>,
        %get3A_310 = vector.shape_cast %get3A_309 : vector<1x16xf32> to vector<16xf32>
        %mul3A_311 = arith.constant 1.250000e-01 : f32
        %mul3A_312 = vector.broadcast %mul3A_311 : f32 to vector<16xf32>
        %mul3A_313 = arith.mulf %get3A_310, %mul3A_312 : vector<16xf32>
        %add3A_314 = arith.constant 0 : i32
        %add3A_315 = arith.addi %add3A_314, %add3A_290 : i32
        %swap3A_316 = arith.index_cast %add3A_315 : i32 to index
        %swap3A_317 = arith.constant 16 : index
        %swap3A_318 = tpu.vector_load %arg6[%swap3A_316, %swap3A_317] {strides = array<i32>} : memref<800x64xf32, #tpu.memory_space<vmem>>, vector<1x16xf32>,
        %swap3A_319 = vector.shape_cast %swap3A_318 : vector<1x16xf32> to vector<16xf32>
        %swap3A_320 = vector.shape_cast %mul3A_313 : vector<16xf32> to vector<1x16xf32>
        tpu.vector_store %arg6[%swap3A_316, %swap3A_317], %swap3A_320 {strides = array<i32>} : memref<800x64xf32, #tpu.memory_space<vmem>>, vector<1x16xf32>,
        %add3A_321 = arith.constant 0 : i32
        %add3A_322 = arith.addi %add3A_321, %add3A_290 : i32
        %get3A_323 = arith.index_cast %add3A_322 : i32 to index
        %get3A_324 = arith.constant 32 : index
        %get3A_325 = tpu.vector_load %arg6[%get3A_323, %get3A_324] {strides = array<i32>} : memref<800x64xf32, #tpu.memory_space<vmem>>, vector<1x16xf32>,
        %get3A_326 = vector.shape_cast %get3A_325 : vector<1x16xf32> to vector<16xf32>
        %mul3A_327 = arith.constant 1.250000e-01 : f32
        %mul3A_328 = vector.broadcast %mul3A_327 : f32 to vector<16xf32>
        %mul3A_329 = arith.mulf %get3A_326, %mul3A_328 : vector<16xf32>
        %add3A_330 = arith.constant 0 : i32
        %add3A_331 = arith.addi %add3A_330, %add3A_290 : i32
        %swap3A_332 = arith.index_cast %add3A_331 : i32 to index
        %swap3A_333 = arith.constant 32 : index
        %swap3A_334 = tpu.vector_load %arg6[%swap3A_332, %swap3A_333] {strides = array<i32>} : memref<800x64xf32, #tpu.memory_space<vmem>>, vector<1x16xf32>,
        %swap3A_335 = vector.shape_cast %swap3A_334 : vector<1x16xf32> to vector<16xf32>
        %swap3A_336 = vector.shape_cast %mul3A_329 : vector<16xf32> to vector<1x16xf32>
        tpu.vector_store %arg6[%swap3A_332, %swap3A_333], %swap3A_336 {strides = array<i32>} : memref<800x64xf32, #tpu.memory_space<vmem>>, vector<1x16xf32>,
        %add3A_337 = arith.constant 0 : i32
        %add3A_338 = arith.addi %add3A_337, %add3A_290 : i32
        %get3A_339 = arith.index_cast %add3A_338 : i32 to index
        %get3A_340 = arith.constant 48 : index
        %get3A_341 = tpu.vector_load %arg6[%get3A_339, %get3A_340] {strides = array<i32>} : memref<800x64xf32, #tpu.memory_space<vmem>>, vector<1x16xf32>,
        %get3A_342 = vector.shape_cast %get3A_341 : vector<1x16xf32> to vector<16xf32>
        %mul3A_343 = arith.constant 1.250000e-01 : f32
        %mul3A_344 = vector.broadcast %mul3A_343 : f32 to vector<16xf32>
        %mul3A_345 = arith.mulf %get3A_342, %mul3A_344 : vector<16xf32>
        %add3A_346 = arith.constant 0 : i32
        %add3A_347 = arith.addi %add3A_346, %add3A_290 : i32
        %swap3A_348 = arith.index_cast %add3A_347 : i32 to index
        %swap3A_349 = arith.constant 48 : index
        %swap3A_350 = tpu.vector_load %arg6[%swap3A_348, %swap3A_349] {strides = array<i32>} : memref<800x64xf32, #tpu.memory_space<vmem>>, vector<1x16xf32>,
        %swap3A_351 = vector.shape_cast %swap3A_350 : vector<1x16xf32> to vector<16xf32>
        %swap3A_352 = vector.shape_cast %mul3A_345 : vector<16xf32> to vector<1x16xf32>
        tpu.vector_store %arg6[%swap3A_348, %swap3A_349], %swap3A_352 {strides = array<i32>} : memref<800x64xf32, #tpu.memory_space<vmem>>, vector<1x16xf32>,
        %scan3A_353 = arith.constant 1 : i32
        %scan3A_354 = arith.addi %scan3A_286, %scan3A_353 : i32
        %mul3A_355 = arith.constant 1 : i32
        %mul3A_356 = arith.muli %scan3A_354, %mul3A_355 : i32
        %add3A_357 = arith.constant 0 : i32
        %add3A_358 = arith.addi %add3A_357, %mul3A_356 : i32
        %add3A_359 = arith.constant 0 : i32
        %add3A_360 = arith.addi %add3A_359, %add3A_358 : i32
        %get3A_361 = arith.index_cast %add3A_360 : i32 to index
        %get3A_362 = arith.constant 0 : index
        %get3A_363 = tpu.vector_load %arg6[%get3A_361, %get3A_362] {strides = array<i32>} : memref<800x64xf32, #tpu.memory_space<vmem>>, vector<1x16xf32>,
        %get3A_364 = vector.shape_cast %get3A_363 : vector<1x16xf32> to vector<16xf32>
        %mul3A_365 = arith.constant 1.250000e-01 : f32
        %mul3A_366 = vector.broadcast %mul3A_365 : f32 to vector<16xf32>
        %mul3A_367 = arith.mulf %get3A_364, %mul3A_366 : vector<16xf32>
        %add3A_368 = arith.constant 0 : i32
        %add3A_369 = arith.addi %add3A_368, %add3A_358 : i32
        %swap3A_370 = arith.index_cast %add3A_369 : i32 to index
        %swap3A_371 = arith.constant 0 : index
        %swap3A_372 = tpu.vector_load %arg6[%swap3A_370, %swap3A_371] {strides = array<i32>} : memref<800x64xf32, #tpu.memory_space<vmem>>, vector<1x16xf32>,
        %swap3A_373 = vector.shape_cast %swap3A_372 : vector<1x16xf32> to vector<16xf32>
        %swap3A_374 = vector.shape_cast %mul3A_367 : vector<16xf32> to vector<1x16xf32>
        tpu.vector_store %arg6[%swap3A_370, %swap3A_371], %swap3A_374 {strides = array<i32>} : memref<800x64xf32, #tpu.memory_space<vmem>>, vector<1x16xf32>,
        %add3A_375 = arith.constant 0 : i32
        %add3A_376 = arith.addi %add3A_375, %add3A_358 : i32
        %get3A_377 = arith.index_cast %add3A_376 : i32 to index
        %get3A_378 = arith.constant 16 : index
        %get3A_379 = tpu.vector_load %arg6[%get3A_377, %get3A_378] {strides = array<i32>} : memref<800x64xf32, #tpu.memory_space<vmem>>, vector<1x16xf32>,
        %get3A_380 = vector.shape_cast %get3A_379 : vector<1x16xf32> to vector<16xf32>
        %mul3A_381 = arith.constant 1.250000e-01 : f32
        %mul3A_382 = vector.broadcast %mul3A_381 : f32 to vector<16xf32>
        %mul3A_383 = arith.mulf %get3A_380, %mul3A_382 : vector<16xf32>
        %add3A_384 = arith.constant 0 : i32
        %add3A_385 = arith.addi %add3A_384, %add3A_358 : i32
        %swap3A_386 = arith.index_cast %add3A_385 : i32 to index
        %swap3A_387 = arith.constant 16 : index
        %swap3A_388 = tpu.vector_load %arg6[%swap3A_386, %swap3A_387] {strides = array<i32>} : memref<800x64xf32, #tpu.memory_space<vmem>>, vector<1x16xf32>,
        %swap3A_389 = vector.shape_cast %swap3A_388 : vector<1x16xf32> to vector<16xf32>
        %swap3A_390 = vector.shape_cast %mul3A_383 : vector<16xf32> to vector<1x16xf32>
        tpu.vector_store %arg6[%swap3A_386, %swap3A_387], %swap3A_390 {strides = array<i32>} : memref<800x64xf32, #tpu.memory_space<vmem>>, vector<1x16xf32>,
        %add3A_391 = arith.constant 0 : i32
        %add3A_392 = arith.addi %add3A_391, %add3A_358 : i32
        %get3A_393 = arith.index_cast %add3A_392 : i32 to index
        %get3A_394 = arith.constant 32 : index
        %get3A_395 = tpu.vector_load %arg6[%get3A_393, %get3A_394] {strides = array<i32>} : memref<800x64xf32, #tpu.memory_space<vmem>>, vector<1x16xf32>,
        %get3A_396 = vector.shape_cast %get3A_395 : vector<1x16xf32> to vector<16xf32>
        %mul3A_397 = arith.constant 1.250000e-01 : f32
        %mul3A_398 = vector.broadcast %mul3A_397 : f32 to vector<16xf32>
        %mul3A_399 = arith.mulf %get3A_396, %mul3A_398 : vector<16xf32>
        %add3A_400 = arith.constant 0 : i32
        %add3A_401 = arith.addi %add3A_400, %add3A_358 : i32
        %swap3A_402 = arith.index_cast %add3A_401 : i32 to index
        %swap3A_403 = arith.constant 32 : index
        %swap3A_404 = tpu.vector_load %arg6[%swap3A_402, %swap3A_403] {strides = array<i32>} : memref<800x64xf32, #tpu.memory_space<vmem>>, vector<1x16xf32>,
        %swap3A_405 = vector.shape_cast %swap3A_404 : vector<1x16xf32> to vector<16xf32>
        %swap3A_406 = vector.shape_cast %mul3A_399 : vector<16xf32> to vector<1x16xf32>
        tpu.vector_store %arg6[%swap3A_402, %swap3A_403], %swap3A_406 {strides = array<i32>} : memref<800x64xf32, #tpu.memory_space<vmem>>, vector<1x16xf32>,
        %add3A_407 = arith.constant 0 : i32
        %add3A_408 = arith.addi %add3A_407, %add3A_358 : i32
        %get3A_409 = arith.index_cast %add3A_408 : i32 to index
        %get3A_410 = arith.constant 48 : index
        %get3A_411 = tpu.vector_load %arg6[%get3A_409, %get3A_410] {strides = array<i32>} : memref<800x64xf32, #tpu.memory_space<vmem>>, vector<1x16xf32>,
        %get3A_412 = vector.shape_cast %get3A_411 : vector<1x16xf32> to vector<16xf32>
        %mul3A_413 = arith.constant 1.250000e-01 : f32
        %mul3A_414 = vector.broadcast %mul3A_413 : f32 to vector<16xf32>
        %mul3A_415 = arith.mulf %get3A_412, %mul3A_414 : vector<16xf32>
        %add3A_416 = arith.constant 0 : i32
        %add3A_417 = arith.addi %add3A_416, %add3A_358 : i32
        %swap3A_418 = arith.index_cast %add3A_417 : i32 to index
        %swap3A_419 = arith.constant 48 : index
        %swap3A_420 = tpu.vector_load %arg6[%swap3A_418, %swap3A_419] {strides = array<i32>} : memref<800x64xf32, #tpu.memory_space<vmem>>, vector<1x16xf32>,
        %swap3A_421 = vector.shape_cast %swap3A_420 : vector<1x16xf32> to vector<16xf32>
        %swap3A_422 = vector.shape_cast %mul3A_415 : vector<16xf32> to vector<1x16xf32>
        tpu.vector_store %arg6[%swap3A_418, %swap3A_419], %swap3A_422 {strides = array<i32>} : memref<800x64xf32, #tpu.memory_space<vmem>>, vector<1x16xf32>,
        %scan3A_423 = arith.constant 2 : i32
        %scan3A_424 = arith.addi %scan3A_286, %scan3A_423 : i32
        %mul3A_425 = arith.constant 1 : i32
        %mul3A_426 = arith.muli %scan3A_424, %mul3A_425 : i32
        %add3A_427 = arith.constant 0 : i32
        %add3A_428 = arith.addi %add3A_427, %mul3A_426 : i32
        %add3A_429 = arith.constant 0 : i32
        %add3A_430 = arith.addi %add3A_429, %add3A_428 : i32
        %get3A_431 = arith.index_cast %add3A_430 : i32 to index
        %get3A_432 = arith.constant 0 : index
        %get3A_433 = tpu.vector_load %arg6[%get3A_431, %get3A_432] {strides = array<i32>} : memref<800x64xf32, #tpu.memory_space<vmem>>, vector<1x16xf32>,
        %get3A_434 = vector.shape_cast %get3A_433 : vector<1x16xf32> to vector<16xf32>
        %mul3A_435 = arith.constant 1.250000e-01 : f32
        %mul3A_436 = vector.broadcast %mul3A_435 : f32 to vector<16xf32>
        %mul3A_437 = arith.mulf %get3A_434, %mul3A_436 : vector<16xf32>
        %add3A_438 = arith.constant 0 : i32
        %add3A_439 = arith.addi %add3A_438, %add3A_428 : i32
        %swap3A_440 = arith.index_cast %add3A_439 : i32 to index
        %swap3A_441 = arith.constant 0 : index
        %swap3A_442 = tpu.vector_load %arg6[%swap3A_440, %swap3A_441] {strides = array<i32>} : memref<800x64xf32, #tpu.memory_space<vmem>>, vector<1x16xf32>,
        %swap3A_443 = vector.shape_cast %swap3A_442 : vector<1x16xf32> to vector<16xf32>
        %swap3A_444 = vector.shape_cast %mul3A_437 : vector<16xf32> to vector<1x16xf32>
        tpu.vector_store %arg6[%swap3A_440, %swap3A_441], %swap3A_444 {strides = array<i32>} : memref<800x64xf32, #tpu.memory_space<vmem>>, vector<1x16xf32>,
        %add3A_445 = arith.constant 0 : i32
        %add3A_446 = arith.addi %add3A_445, %add3A_428 : i32
        %get3A_447 = arith.index_cast %add3A_446 : i32 to index
        %get3A_448 = arith.constant 16 : index
        %get3A_449 = tpu.vector_load %arg6[%get3A_447, %get3A_448] {strides = array<i32>} : memref<800x64xf32, #tpu.memory_space<vmem>>, vector<1x16xf32>,
        %get3A_450 = vector.shape_cast %get3A_449 : vector<1x16xf32> to vector<16xf32>
        %mul3A_451 = arith.constant 1.250000e-01 : f32
        %mul3A_452 = vector.broadcast %mul3A_451 : f32 to vector<16xf32>
        %mul3A_453 = arith.mulf %get3A_450, %mul3A_452 : vector<16xf32>
        %add3A_454 = arith.constant 0 : i32
        %add3A_455 = arith.addi %add3A_454, %add3A_428 : i32
        %swap3A_456 = arith.index_cast %add3A_455 : i32 to index
        %swap3A_457 = arith.constant 16 : index
        %swap3A_458 = tpu.vector_load %arg6[%swap3A_456, %swap3A_457] {strides = array<i32>} : memref<800x64xf32, #tpu.memory_space<vmem>>, vector<1x16xf32>,
        %swap3A_459 = vector.shape_cast %swap3A_458 : vector<1x16xf32> to vector<16xf32>
        %swap3A_460 = vector.shape_cast %mul3A_453 : vector<16xf32> to vector<1x16xf32>
        tpu.vector_store %arg6[%swap3A_456, %swap3A_457], %swap3A_460 {strides = array<i32>} : memref<800x64xf32, #tpu.memory_space<vmem>>, vector<1x16xf32>,
        %add3A_461 = arith.constant 0 : i32
        %add3A_462 = arith.addi %add3A_461, %add3A_428 : i32
        %get3A_463 = arith.index_cast %add3A_462 : i32 to index
        %get3A_464 = arith.constant 32 : index
        %get3A_465 = tpu.vector_load %arg6[%get3A_463, %get3A_464] {strides = array<i32>} : memref<800x64xf32, #tpu.memory_space<vmem>>, vector<1x16xf32>,
        %get3A_466 = vector.shape_cast %get3A_465 : vector<1x16xf32> to vector<16xf32>
        %mul3A_467 = arith.constant 1.250000e-01 : f32
        %mul3A_468 = vector.broadcast %mul3A_467 : f32 to vector<16xf32>
        %mul3A_469 = arith.mulf %get3A_466, %mul3A_468 : vector<16xf32>
        %add3A_470 = arith.constant 0 : i32
        %add3A_471 = arith.addi %add3A_470, %add3A_428 : i32
        %swap3A_472 = arith.index_cast %add3A_471 : i32 to index
        %swap3A_473 = arith.constant 32 : index
        %swap3A_474 = tpu.vector_load %arg6[%swap3A_472, %swap3A_473] {strides = array<i32>} : memref<800x64xf32, #tpu.memory_space<vmem>>, vector<1x16xf32>,
        %swap3A_475 = vector.shape_cast %swap3A_474 : vector<1x16xf32> to vector<16xf32>
        %swap3A_476 = vector.shape_cast %mul3A_469 : vector<16xf32> to vector<1x16xf32>
        tpu.vector_store %arg6[%swap3A_472, %swap3A_473], %swap3A_476 {strides = array<i32>} : memref<800x64xf32, #tpu.memory_space<vmem>>, vector<1x16xf32>,
        %add3A_477 = arith.constant 0 : i32
        %add3A_478 = arith.addi %add3A_477, %add3A_428 : i32
        %get3A_479 = arith.index_cast %add3A_478 : i32 to index
        %get3A_480 = arith.constant 48 : index
        %get3A_481 = tpu.vector_load %arg6[%get3A_479, %get3A_480] {strides = array<i32>} : memref<800x64xf32, #tpu.memory_space<vmem>>, vector<1x16xf32>,
        %get3A_482 = vector.shape_cast %get3A_481 : vector<1x16xf32> to vector<16xf32>
        %mul3A_483 = arith.constant 1.250000e-01 : f32
        %mul3A_484 = vector.broadcast %mul3A_483 : f32 to vector<16xf32>
        %mul3A_485 = arith.mulf %get3A_482, %mul3A_484 : vector<16xf32>
        %add3A_486 = arith.constant 0 : i32
        %add3A_487 = arith.addi %add3A_486, %add3A_428 : i32
        %swap3A_488 = arith.index_cast %add3A_487 : i32 to index
        %swap3A_489 = arith.constant 48 : index
        %swap3A_490 = tpu.vector_load %arg6[%swap3A_488, %swap3A_489] {strides = array<i32>} : memref<800x64xf32, #tpu.memory_space<vmem>>, vector<1x16xf32>,
        %swap3A_491 = vector.shape_cast %swap3A_490 : vector<1x16xf32> to vector<16xf32>
        %swap3A_492 = vector.shape_cast %mul3A_485 : vector<16xf32> to vector<1x16xf32>
        tpu.vector_store %arg6[%swap3A_488, %swap3A_489], %swap3A_492 {strides = array<i32>} : memref<800x64xf32, #tpu.memory_space<vmem>>, vector<1x16xf32>,
        %scan3A_493 = arith.constant 3 : i32
        %scan3A_494 = arith.addi %scan3A_286, %scan3A_493 : i32
        %mul3A_495 = arith.constant 1 : i32
        %mul3A_496 = arith.muli %scan3A_494, %mul3A_495 : i32
        %add3A_497 = arith.constant 0 : i32
        %add3A_498 = arith.addi %add3A_497, %mul3A_496 : i32
        %add3A_499 = arith.constant 0 : i32
        %add3A_500 = arith.addi %add3A_499, %add3A_498 : i32
        %get3A_501 = arith.index_cast %add3A_500 : i32 to index
        %get3A_502 = arith.constant 0 : index
        %get3A_503 = tpu.vector_load %arg6[%get3A_501, %get3A_502] {strides = array<i32>} : memref<800x64xf32, #tpu.memory_space<vmem>>, vector<1x16xf32>,
        %get3A_504 = vector.shape_cast %get3A_503 : vector<1x16xf32> to vector<16xf32>
        %mul3A_505 = arith.constant 1.250000e-01 : f32
        %mul3A_506 = vector.broadcast %mul3A_505 : f32 to vector<16xf32>
        %mul3A_507 = arith.mulf %get3A_504, %mul3A_506 : vector<16xf32>
        %add3A_508 = arith.constant 0 : i32
        %add3A_509 = arith.addi %add3A_508, %add3A_498 : i32
        %swap3A_510 = arith.index_cast %add3A_509 : i32 to index
        %swap3A_511 = arith.constant 0 : index
        %swap3A_512 = tpu.vector_load %arg6[%swap3A_510, %swap3A_511] {strides = array<i32>} : memref<800x64xf32, #tpu.memory_space<vmem>>, vector<1x16xf32>,
        %swap3A_513 = vector.shape_cast %swap3A_512 : vector<1x16xf32> to vector<16xf32>
        %swap3A_514 = vector.shape_cast %mul3A_507 : vector<16xf32> to vector<1x16xf32>
        tpu.vector_store %arg6[%swap3A_510, %swap3A_511], %swap3A_514 {strides = array<i32>} : memref<800x64xf32, #tpu.memory_space<vmem>>, vector<1x16xf32>,
        %add3A_515 = arith.constant 0 : i32
        %add3A_516 = arith.addi %add3A_515, %add3A_498 : i32
        %get3A_517 = arith.index_cast %add3A_516 : i32 to index
        %get3A_518 = arith.constant 16 : index
        %get3A_519 = tpu.vector_load %arg6[%get3A_517, %get3A_518] {strides = array<i32>} : memref<800x64xf32, #tpu.memory_space<vmem>>, vector<1x16xf32>,
        %get3A_520 = vector.shape_cast %get3A_519 : vector<1x16xf32> to vector<16xf32>
        %mul3A_521 = arith.constant 1.250000e-01 : f32
        %mul3A_522 = vector.broadcast %mul3A_521 : f32 to vector<16xf32>
        %mul3A_523 = arith.mulf %get3A_520, %mul3A_522 : vector<16xf32>
        %add3A_524 = arith.constant 0 : i32
        %add3A_525 = arith.addi %add3A_524, %add3A_498 : i32
        %swap3A_526 = arith.index_cast %add3A_525 : i32 to index
        %swap3A_527 = arith.constant 16 : index
        %swap3A_528 = tpu.vector_load %arg6[%swap3A_526, %swap3A_527] {strides = array<i32>} : memref<800x64xf32, #tpu.memory_space<vmem>>, vector<1x16xf32>,
        %swap3A_529 = vector.shape_cast %swap3A_528 : vector<1x16xf32> to vector<16xf32>
        %swap3A_530 = vector.shape_cast %mul3A_523 : vector<16xf32> to vector<1x16xf32>
        tpu.vector_store %arg6[%swap3A_526, %swap3A_527], %swap3A_530 {strides = array<i32>} : memref<800x64xf32, #tpu.memory_space<vmem>>, vector<1x16xf32>,
        %add3A_531 = arith.constant 0 : i32
        %add3A_532 = arith.addi %add3A_531, %add3A_498 : i32
        %get3A_533 = arith.index_cast %add3A_532 : i32 to index
        %get3A_534 = arith.constant 32 : index
        %get3A_535 = tpu.vector_load %arg6[%get3A_533, %get3A_534] {strides = array<i32>} : memref<800x64xf32, #tpu.memory_space<vmem>>, vector<1x16xf32>,
        %get3A_536 = vector.shape_cast %get3A_535 : vector<1x16xf32> to vector<16xf32>
        %mul3A_537 = arith.constant 1.250000e-01 : f32
        %mul3A_538 = vector.broadcast %mul3A_537 : f32 to vector<16xf32>
        %mul3A_539 = arith.mulf %get3A_536, %mul3A_538 : vector<16xf32>
        %add3A_540 = arith.constant 0 : i32
        %add3A_541 = arith.addi %add3A_540, %add3A_498 : i32
        %swap3A_542 = arith.index_cast %add3A_541 : i32 to index
        %swap3A_543 = arith.constant 32 : index
        %swap3A_544 = tpu.vector_load %arg6[%swap3A_542, %swap3A_543] {strides = array<i32>} : memref<800x64xf32, #tpu.memory_space<vmem>>, vector<1x16xf32>,
        %swap3A_545 = vector.shape_cast %swap3A_544 : vector<1x16xf32> to vector<16xf32>
        %swap3A_546 = vector.shape_cast %mul3A_539 : vector<16xf32> to vector<1x16xf32>
        tpu.vector_store %arg6[%swap3A_542, %swap3A_543], %swap3A_546 {strides = array<i32>} : memref<800x64xf32, #tpu.memory_space<vmem>>, vector<1x16xf32>,
        %add3A_547 = arith.constant 0 : i32
        %add3A_548 = arith.addi %add3A_547, %add3A_498 : i32
        %get3A_549 = arith.index_cast %add3A_548 : i32 to index
        %get3A_550 = arith.constant 48 : index
        %get3A_551 = tpu.vector_load %arg6[%get3A_549, %get3A_550] {strides = array<i32>} : memref<800x64xf32, #tpu.memory_space<vmem>>, vector<1x16xf32>,
        %get3A_552 = vector.shape_cast %get3A_551 : vector<1x16xf32> to vector<16xf32>
        %mul3A_553 = arith.constant 1.250000e-01 : f32
        %mul3A_554 = vector.broadcast %mul3A_553 : f32 to vector<16xf32>
        %mul3A_555 = arith.mulf %get3A_552, %mul3A_554 : vector<16xf32>
        %add3A_556 = arith.constant 0 : i32
        %add3A_557 = arith.addi %add3A_556, %add3A_498 : i32
        %swap3A_558 = arith.index_cast %add3A_557 : i32 to index
        %swap3A_559 = arith.constant 48 : index
        %swap3A_560 = tpu.vector_load %arg6[%swap3A_558, %swap3A_559] {strides = array<i32>} : memref<800x64xf32, #tpu.memory_space<vmem>>, vector<1x16xf32>,
        %swap3A_561 = vector.shape_cast %swap3A_560 : vector<1x16xf32> to vector<16xf32>
        %swap3A_562 = vector.shape_cast %mul3A_555 : vector<16xf32> to vector<1x16xf32>
        tpu.vector_store %arg6[%swap3A_558, %swap3A_559], %swap3A_562 {strides = array<i32>} : memref<800x64xf32, #tpu.memory_space<vmem>>, vector<1x16xf32>,
        %scan3A_563 = arith.constant 4 : i32
        %scan3A_564 = arith.addi %scan3A_286, %scan3A_563 : i32
        %mul3A_565 = arith.constant 1 : i32
        %mul3A_566 = arith.muli %scan3A_564, %mul3A_565 : i32
        %add3A_567 = arith.constant 0 : i32
        %add3A_568 = arith.addi %add3A_567, %mul3A_566 : i32
        %add3A_569 = arith.constant 0 : i32
        %add3A_570 = arith.addi %add3A_569, %add3A_568 : i32
        %get3A_571 = arith.index_cast %add3A_570 : i32 to index
        %get3A_572 = arith.constant 0 : index
        %get3A_573 = tpu.vector_load %arg6[%get3A_571, %get3A_572] {strides = array<i32>} : memref<800x64xf32, #tpu.memory_space<vmem>>, vector<1x16xf32>,
        %get3A_574 = vector.shape_cast %get3A_573 : vector<1x16xf32> to vector<16xf32>
        %mul3A_575 = arith.constant 1.250000e-01 : f32
        %mul3A_576 = vector.broadcast %mul3A_575 : f32 to vector<16xf32>
        %mul3A_577 = arith.mulf %get3A_574, %mul3A_576 : vector<16xf32>
        %add3A_578 = arith.constant 0 : i32
        %add3A_579 = arith.addi %add3A_578, %add3A_568 : i32
        %swap3A_580 = arith.index_cast %add3A_579 : i32 to index
        %swap3A_581 = arith.constant 0 : index
        %swap3A_582 = tpu.vector_load %arg6[%swap3A_580, %swap3A_581] {strides = array<i32>} : memref<800x64xf32, #tpu.memory_space<vmem>>, vector<1x16xf32>,
        %swap3A_583 = vector.shape_cast %swap3A_582 : vector<1x16xf32> to vector<16xf32>
        %swap3A_584 = vector.shape_cast %mul3A_577 : vector<16xf32> to vector<1x16xf32>
        tpu.vector_store %arg6[%swap3A_580, %swap3A_581], %swap3A_584 {strides = array<i32>} : memref<800x64xf32, #tpu.memory_space<vmem>>, vector<1x16xf32>,
        %add3A_585 = arith.constant 0 : i32
        %add3A_586 = arith.addi %add3A_585, %add3A_568 : i32
        %get3A_587 = arith.index_cast %add3A_586 : i32 to index
        %get3A_588 = arith.constant 16 : index
        %get3A_589 = tpu.vector_load %arg6[%get3A_587, %get3A_588] {strides = array<i32>} : memref<800x64xf32, #tpu.memory_space<vmem>>, vector<1x16xf32>,
        %get3A_590 = vector.shape_cast %get3A_589 : vector<1x16xf32> to vector<16xf32>
        %mul3A_591 = arith.constant 1.250000e-01 : f32
        %mul3A_592 = vector.broadcast %mul3A_591 : f32 to vector<16xf32>
        %mul3A_593 = arith.mulf %get3A_590, %mul3A_592 : vector<16xf32>
        %add3A_594 = arith.constant 0 : i32
        %add3A_595 = arith.addi %add3A_594, %add3A_568 : i32
        %swap3A_596 = arith.index_cast %add3A_595 : i32 to index
        %swap3A_597 = arith.constant 16 : index
        %swap3A_598 = tpu.vector_load %arg6[%swap3A_596, %swap3A_597] {strides = array<i32>} : memref<800x64xf32, #tpu.memory_space<vmem>>, vector<1x16xf32>,
        %swap3A_599 = vector.shape_cast %swap3A_598 : vector<1x16xf32> to vector<16xf32>
        %swap3A_600 = vector.shape_cast %mul3A_593 : vector<16xf32> to vector<1x16xf32>
        tpu.vector_store %arg6[%swap3A_596, %swap3A_597], %swap3A_600 {strides = array<i32>} : memref<800x64xf32, #tpu.memory_space<vmem>>, vector<1x16xf32>,
        %add3A_601 = arith.constant 0 : i32
        %add3A_602 = arith.addi %add3A_601, %add3A_568 : i32
        %get3A_603 = arith.index_cast %add3A_602 : i32 to index
        %get3A_604 = arith.constant 32 : index
        %get3A_605 = tpu.vector_load %arg6[%get3A_603, %get3A_604] {strides = array<i32>} : memref<800x64xf32, #tpu.memory_space<vmem>>, vector<1x16xf32>,
        %get3A_606 = vector.shape_cast %get3A_605 : vector<1x16xf32> to vector<16xf32>
        %mul3A_607 = arith.constant 1.250000e-01 : f32
        %mul3A_608 = vector.broadcast %mul3A_607 : f32 to vector<16xf32>
        %mul3A_609 = arith.mulf %get3A_606, %mul3A_608 : vector<16xf32>
        %add3A_610 = arith.constant 0 : i32
        %add3A_611 = arith.addi %add3A_610, %add3A_568 : i32
        %swap3A_612 = arith.index_cast %add3A_611 : i32 to index
        %swap3A_613 = arith.constant 32 : index
        %swap3A_614 = tpu.vector_load %arg6[%swap3A_612, %swap3A_613] {strides = array<i32>} : memref<800x64xf32, #tpu.memory_space<vmem>>, vector<1x16xf32>,
        %swap3A_615 = vector.shape_cast %swap3A_614 : vector<1x16xf32> to vector<16xf32>
        %swap3A_616 = vector.shape_cast %mul3A_609 : vector<16xf32> to vector<1x16xf32>
        tpu.vector_store %arg6[%swap3A_612, %swap3A_613], %swap3A_616 {strides = array<i32>} : memref<800x64xf32, #tpu.memory_space<vmem>>, vector<1x16xf32>,
        %add3A_617 = arith.constant 0 : i32
        %add3A_618 = arith.addi %add3A_617, %add3A_568 : i32
        %get3A_619 = arith.index_cast %add3A_618 : i32 to index
        %get3A_620 = arith.constant 48 : index
        %get3A_621 = tpu.vector_load %arg6[%get3A_619, %get3A_620] {strides = array<i32>} : memref<800x64xf32, #tpu.memory_space<vmem>>, vector<1x16xf32>,
        %get3A_622 = vector.shape_cast %get3A_621 : vector<1x16xf32> to vector<16xf32>
        %mul3A_623 = arith.constant 1.250000e-01 : f32
        %mul3A_624 = vector.broadcast %mul3A_623 : f32 to vector<16xf32>
        %mul3A_625 = arith.mulf %get3A_622, %mul3A_624 : vector<16xf32>
        %add3A_626 = arith.constant 0 : i32
        %add3A_627 = arith.addi %add3A_626, %add3A_568 : i32
        %swap3A_628 = arith.index_cast %add3A_627 : i32 to index
        %swap3A_629 = arith.constant 48 : index
        %swap3A_630 = tpu.vector_load %arg6[%swap3A_628, %swap3A_629] {strides = array<i32>} : memref<800x64xf32, #tpu.memory_space<vmem>>, vector<1x16xf32>,
        %swap3A_631 = vector.shape_cast %swap3A_630 : vector<1x16xf32> to vector<16xf32>
        %swap3A_632 = vector.shape_cast %mul3A_625 : vector<16xf32> to vector<1x16xf32>
        tpu.vector_store %arg6[%swap3A_628, %swap3A_629], %swap3A_632 {strides = array<i32>} : memref<800x64xf32, #tpu.memory_space<vmem>>, vector<1x16xf32>,
        %scan3A_633 = arith.constant 5 : i32
        %scan3A_634 = arith.addi %scan3A_286, %scan3A_633 : i32
        %mul3A_635 = arith.constant 1 : i32
        %mul3A_636 = arith.muli %scan3A_634, %mul3A_635 : i32
        %add3A_637 = arith.constant 0 : i32
        %add3A_638 = arith.addi %add3A_637, %mul3A_636 : i32
        %add3A_639 = arith.constant 0 : i32
        %add3A_640 = arith.addi %add3A_639, %add3A_638 : i32
        %get3A_641 = arith.index_cast %add3A_640 : i32 to index
        %get3A_642 = arith.constant 0 : index
        %get3A_643 = tpu.vector_load %arg6[%get3A_641, %get3A_642] {strides = array<i32>} : memref<800x64xf32, #tpu.memory_space<vmem>>, vector<1x16xf32>,
        %get3A_644 = vector.shape_cast %get3A_643 : vector<1x16xf32> to vector<16xf32>
        %mul3A_645 = arith.constant 1.250000e-01 : f32
        %mul3A_646 = vector.broadcast %mul3A_645 : f32 to vector<16xf32>
        %mul3A_647 = arith.mulf %get3A_644, %mul3A_646 : vector<16xf32>
        %add3A_648 = arith.constant 0 : i32
        %add3A_649 = arith.addi %add3A_648, %add3A_638 : i32
        %swap3A_650 = arith.index_cast %add3A_649 : i32 to index
        %swap3A_651 = arith.constant 0 : index
        %swap3A_652 = tpu.vector_load %arg6[%swap3A_650, %swap3A_651] {strides = array<i32>} : memref<800x64xf32, #tpu.memory_space<vmem>>, vector<1x16xf32>,
        %swap3A_653 = vector.shape_cast %swap3A_652 : vector<1x16xf32> to vector<16xf32>
        %swap3A_654 = vector.shape_cast %mul3A_647 : vector<16xf32> to vector<1x16xf32>
        tpu.vector_store %arg6[%swap3A_650, %swap3A_651], %swap3A_654 {strides = array<i32>} : memref<800x64xf32, #tpu.memory_space<vmem>>, vector<1x16xf32>,
        %add3A_655 = arith.constant 0 : i32
        %add3A_656 = arith.addi %add3A_655, %add3A_638 : i32
        %get3A_657 = arith.index_cast %add3A_656 : i32 to index
        %get3A_658 = arith.constant 16 : index
        %get3A_659 = tpu.vector_load %arg6[%get3A_657, %get3A_658] {strides = array<i32>} : memref<800x64xf32, #tpu.memory_space<vmem>>, vector<1x16xf32>,
        %get3A_660 = vector.shape_cast %get3A_659 : vector<1x16xf32> to vector<16xf32>
        %mul3A_661 = arith.constant 1.250000e-01 : f32
        %mul3A_662 = vector.broadcast %mul3A_661 : f32 to vector<16xf32>
        %mul3A_663 = arith.mulf %get3A_660, %mul3A_662 : vector<16xf32>
        %add3A_664 = arith.constant 0 : i32
        %add3A_665 = arith.addi %add3A_664, %add3A_638 : i32
        %swap3A_666 = arith.index_cast %add3A_665 : i32 to index
        %swap3A_667 = arith.constant 16 : index
        %swap3A_668 = tpu.vector_load %arg6[%swap3A_666, %swap3A_667] {strides = array<i32>} : memref<800x64xf32, #tpu.memory_space<vmem>>, vector<1x16xf32>,
        %swap3A_669 = vector.shape_cast %swap3A_668 : vector<1x16xf32> to vector<16xf32>
        %swap3A_670 = vector.shape_cast %mul3A_663 : vector<16xf32> to vector<1x16xf32>
        tpu.vector_store %arg6[%swap3A_666, %swap3A_667], %swap3A_670 {strides = array<i32>} : memref<800x64xf32, #tpu.memory_space<vmem>>, vector<1x16xf32>,
        %add3A_671 = arith.constant 0 : i32
        %add3A_672 = arith.addi %add3A_671, %add3A_638 : i32
        %get3A_673 = arith.index_cast %add3A_672 : i32 to index
        %get3A_674 = arith.constant 32 : index
        %get3A_675 = tpu.vector_load %arg6[%get3A_673, %get3A_674] {strides = array<i32>} : memref<800x64xf32, #tpu.memory_space<vmem>>, vector<1x16xf32>,
        %get3A_676 = vector.shape_cast %get3A_675 : vector<1x16xf32> to vector<16xf32>
        %mul3A_677 = arith.constant 1.250000e-01 : f32
        %mul3A_678 = vector.broadcast %mul3A_677 : f32 to vector<16xf32>
        %mul3A_679 = arith.mulf %get3A_676, %mul3A_678 : vector<16xf32>
        %add3A_680 = arith.constant 0 : i32
        %add3A_681 = arith.addi %add3A_680, %add3A_638 : i32
        %swap3A_682 = arith.index_cast %add3A_681 : i32 to index
        %swap3A_683 = arith.constant 32 : index
        %swap3A_684 = tpu.vector_load %arg6[%swap3A_682, %swap3A_683] {strides = array<i32>} : memref<800x64xf32, #tpu.memory_space<vmem>>, vector<1x16xf32>,
        %swap3A_685 = vector.shape_cast %swap3A_684 : vector<1x16xf32> to vector<16xf32>
        %swap3A_686 = vector.shape_cast %mul3A_679 : vector<16xf32> to vector<1x16xf32>
        tpu.vector_store %arg6[%swap3A_682, %swap3A_683], %swap3A_686 {strides = array<i32>} : memref<800x64xf32, #tpu.memory_space<vmem>>, vector<1x16xf32>,
        %add3A_687 = arith.constant 0 : i32
        %add3A_688 = arith.addi %add3A_687, %add3A_638 : i32
        %get3A_689 = arith.index_cast %add3A_688 : i32 to index
        %get3A_690 = arith.constant 48 : index
        %get3A_691 = tpu.vector_load %arg6[%get3A_689, %get3A_690] {strides = array<i32>} : memref<800x64xf32, #tpu.memory_space<vmem>>, vector<1x16xf32>,
        %get3A_692 = vector.shape_cast %get3A_691 : vector<1x16xf32> to vector<16xf32>
        %mul3A_693 = arith.constant 1.250000e-01 : f32
        %mul3A_694 = vector.broadcast %mul3A_693 : f32 to vector<16xf32>
        %mul3A_695 = arith.mulf %get3A_692, %mul3A_694 : vector<16xf32>
        %add3A_696 = arith.constant 0 : i32
        %add3A_697 = arith.addi %add3A_696, %add3A_638 : i32
        %swap3A_698 = arith.index_cast %add3A_697 : i32 to index
        %swap3A_699 = arith.constant 48 : index
        %swap3A_700 = tpu.vector_load %arg6[%swap3A_698, %swap3A_699] {strides = array<i32>} : memref<800x64xf32, #tpu.memory_space<vmem>>, vector<1x16xf32>,
        %swap3A_701 = vector.shape_cast %swap3A_700 : vector<1x16xf32> to vector<16xf32>
        %swap3A_702 = vector.shape_cast %mul3A_695 : vector<16xf32> to vector<1x16xf32>
        tpu.vector_store %arg6[%swap3A_698, %swap3A_699], %swap3A_702 {strides = array<i32>} : memref<800x64xf32, #tpu.memory_space<vmem>>, vector<1x16xf32>,
        %scan3A_703 = arith.constant 6 : i32
        %scan3A_704 = arith.addi %scan3A_286, %scan3A_703 : i32
        %mul3A_705 = arith.constant 1 : i32
        %mul3A_706 = arith.muli %scan3A_704, %mul3A_705 : i32
        %add3A_707 = arith.constant 0 : i32
        %add3A_708 = arith.addi %add3A_707, %mul3A_706 : i32
        %add3A_709 = arith.constant 0 : i32
        %add3A_710 = arith.addi %add3A_709, %add3A_708 : i32
        %get3A_711 = arith.index_cast %add3A_710 : i32 to index
        %get3A_712 = arith.constant 0 : index
        %get3A_713 = tpu.vector_load %arg6[%get3A_711, %get3A_712] {strides = array<i32>} : memref<800x64xf32, #tpu.memory_space<vmem>>, vector<1x16xf32>,
        %get3A_714 = vector.shape_cast %get3A_713 : vector<1x16xf32> to vector<16xf32>
        %mul3A_715 = arith.constant 1.250000e-01 : f32
        %mul3A_716 = vector.broadcast %mul3A_715 : f32 to vector<16xf32>
        %mul3A_717 = arith.mulf %get3A_714, %mul3A_716 : vector<16xf32>
        %add3A_718 = arith.constant 0 : i32
        %add3A_719 = arith.addi %add3A_718, %add3A_708 : i32
        %swap3A_720 = arith.index_cast %add3A_719 : i32 to index
        %swap3A_721 = arith.constant 0 : index
        %swap3A_722 = tpu.vector_load %arg6[%swap3A_720, %swap3A_721] {strides = array<i32>} : memref<800x64xf32, #tpu.memory_space<vmem>>, vector<1x16xf32>,
        %swap3A_723 = vector.shape_cast %swap3A_722 : vector<1x16xf32> to vector<16xf32>
        %swap3A_724 = vector.shape_cast %mul3A_717 : vector<16xf32> to vector<1x16xf32>
        tpu.vector_store %arg6[%swap3A_720, %swap3A_721], %swap3A_724 {strides = array<i32>} : memref<800x64xf32, #tpu.memory_space<vmem>>, vector<1x16xf32>,
        %add3A_725 = arith.constant 0 : i32
        %add3A_726 = arith.addi %add3A_725, %add3A_708 : i32
        %get3A_727 = arith.index_cast %add3A_726 : i32 to index
        %get3A_728 = arith.constant 16 : index
        %get3A_729 = tpu.vector_load %arg6[%get3A_727, %get3A_728] {strides = array<i32>} : memref<800x64xf32, #tpu.memory_space<vmem>>, vector<1x16xf32>,
        %get3A_730 = vector.shape_cast %get3A_729 : vector<1x16xf32> to vector<16xf32>
        %mul3A_731 = arith.constant 1.250000e-01 : f32
        %mul3A_732 = vector.broadcast %mul3A_731 : f32 to vector<16xf32>
        %mul3A_733 = arith.mulf %get3A_730, %mul3A_732 : vector<16xf32>
        %add3A_734 = arith.constant 0 : i32
        %add3A_735 = arith.addi %add3A_734, %add3A_708 : i32
        %swap3A_736 = arith.index_cast %add3A_735 : i32 to index
        %swap3A_737 = arith.constant 16 : index
        %swap3A_738 = tpu.vector_load %arg6[%swap3A_736, %swap3A_737] {strides = array<i32>} : memref<800x64xf32, #tpu.memory_space<vmem>>, vector<1x16xf32>,
        %swap3A_739 = vector.shape_cast %swap3A_738 : vector<1x16xf32> to vector<16xf32>
        %swap3A_740 = vector.shape_cast %mul3A_733 : vector<16xf32> to vector<1x16xf32>
        tpu.vector_store %arg6[%swap3A_736, %swap3A_737], %swap3A_740 {strides = array<i32>} : memref<800x64xf32, #tpu.memory_space<vmem>>, vector<1x16xf32>,
        %add3A_741 = arith.constant 0 : i32
        %add3A_742 = arith.addi %add3A_741, %add3A_708 : i32
        %get3A_743 = arith.index_cast %add3A_742 : i32 to index
        %get3A_744 = arith.constant 32 : index
        %get3A_745 = tpu.vector_load %arg6[%get3A_743, %get3A_744] {strides = array<i32>} : memref<800x64xf32, #tpu.memory_space<vmem>>, vector<1x16xf32>,
        %get3A_746 = vector.shape_cast %get3A_745 : vector<1x16xf32> to vector<16xf32>
        %mul3A_747 = arith.constant 1.250000e-01 : f32
        %mul3A_748 = vector.broadcast %mul3A_747 : f32 to vector<16xf32>
        %mul3A_749 = arith.mulf %get3A_746, %mul3A_748 : vector<16xf32>
        %add3A_750 = arith.constant 0 : i32
        %add3A_751 = arith.addi %add3A_750, %add3A_708 : i32
        %swap3A_752 = arith.index_cast %add3A_751 : i32 to index
        %swap3A_753 = arith.constant 32 : index
        %swap3A_754 = tpu.vector_load %arg6[%swap3A_752, %swap3A_753] {strides = array<i32>} : memref<800x64xf32, #tpu.memory_space<vmem>>, vector<1x16xf32>,
        %swap3A_755 = vector.shape_cast %swap3A_754 : vector<1x16xf32> to vector<16xf32>
        %swap3A_756 = vector.shape_cast %mul3A_749 : vector<16xf32> to vector<1x16xf32>
        tpu.vector_store %arg6[%swap3A_752, %swap3A_753], %swap3A_756 {strides = array<i32>} : memref<800x64xf32, #tpu.memory_space<vmem>>, vector<1x16xf32>,
        %add3A_757 = arith.constant 0 : i32
        %add3A_758 = arith.addi %add3A_757, %add3A_708 : i32
        %get3A_759 = arith.index_cast %add3A_758 : i32 to index
        %get3A_760 = arith.constant 48 : index
        %get3A_761 = tpu.vector_load %arg6[%get3A_759, %get3A_760] {strides = array<i32>} : memref<800x64xf32, #tpu.memory_space<vmem>>, vector<1x16xf32>,
        %get3A_762 = vector.shape_cast %get3A_761 : vector<1x16xf32> to vector<16xf32>
        %mul3A_763 = arith.constant 1.250000e-01 : f32
        %mul3A_764 = vector.broadcast %mul3A_763 : f32 to vector<16xf32>
        %mul3A_765 = arith.mulf %get3A_762, %mul3A_764 : vector<16xf32>
        %add3A_766 = arith.constant 0 : i32
        %add3A_767 = arith.addi %add3A_766, %add3A_708 : i32
        %swap3A_768 = arith.index_cast %add3A_767 : i32 to index
        %swap3A_769 = arith.constant 48 : index
        %swap3A_770 = tpu.vector_load %arg6[%swap3A_768, %swap3A_769] {strides = array<i32>} : memref<800x64xf32, #tpu.memory_space<vmem>>, vector<1x16xf32>,
        %swap3A_771 = vector.shape_cast %swap3A_770 : vector<1x16xf32> to vector<16xf32>
        %swap3A_772 = vector.shape_cast %mul3A_765 : vector<16xf32> to vector<1x16xf32>
        tpu.vector_store %arg6[%swap3A_768, %swap3A_769], %swap3A_772 {strides = array<i32>} : memref<800x64xf32, #tpu.memory_space<vmem>>, vector<1x16xf32>,
        %scan3A_773 = arith.constant 7 : i32
        %scan3A_774 = arith.addi %scan3A_286, %scan3A_773 : i32
        %mul3A_775 = arith.constant 1 : i32
        %mul3A_776 = arith.muli %scan3A_774, %mul3A_775 : i32
        %add3A_777 = arith.constant 0 : i32
        %add3A_778 = arith.addi %add3A_777, %mul3A_776 : i32
        %add3A_779 = arith.constant 0 : i32
        %add3A_780 = arith.addi %add3A_779, %add3A_778 : i32
        %get3A_781 = arith.index_cast %add3A_780 : i32 to index
        %get3A_782 = arith.constant 0 : index
        %get3A_783 = tpu.vector_load %arg6[%get3A_781, %get3A_782] {strides = array<i32>} : memref<800x64xf32, #tpu.memory_space<vmem>>, vector<1x16xf32>,
        %get3A_784 = vector.shape_cast %get3A_783 : vector<1x16xf32> to vector<16xf32>
        %mul3A_785 = arith.constant 1.250000e-01 : f32
        %mul3A_786 = vector.broadcast %mul3A_785 : f32 to vector<16xf32>
        %mul3A_787 = arith.mulf %get3A_784, %mul3A_786 : vector<16xf32>
        %add3A_788 = arith.constant 0 : i32
        %add3A_789 = arith.addi %add3A_788, %add3A_778 : i32
        %swap3A_790 = arith.index_cast %add3A_789 : i32 to index
        %swap3A_791 = arith.constant 0 : index
        %swap3A_792 = tpu.vector_load %arg6[%swap3A_790, %swap3A_791] {strides = array<i32>} : memref<800x64xf32, #tpu.memory_space<vmem>>, vector<1x16xf32>,
        %swap3A_793 = vector.shape_cast %swap3A_792 : vector<1x16xf32> to vector<16xf32>
        %swap3A_794 = vector.shape_cast %mul3A_787 : vector<16xf32> to vector<1x16xf32>
        tpu.vector_store %arg6[%swap3A_790, %swap3A_791], %swap3A_794 {strides = array<i32>} : memref<800x64xf32, #tpu.memory_space<vmem>>, vector<1x16xf32>,
        %add3A_795 = arith.constant 0 : i32
        %add3A_796 = arith.addi %add3A_795, %add3A_778 : i32
        %get3A_797 = arith.index_cast %add3A_796 : i32 to index
        %get3A_798 = arith.constant 16 : index
        %get3A_799 = tpu.vector_load %arg6[%get3A_797, %get3A_798] {strides = array<i32>} : memref<800x64xf32, #tpu.memory_space<vmem>>, vector<1x16xf32>,
        %get3A_800 = vector.shape_cast %get3A_799 : vector<1x16xf32> to vector<16xf32>
        %mul3A_801 = arith.constant 1.250000e-01 : f32
        %mul3A_802 = vector.broadcast %mul3A_801 : f32 to vector<16xf32>
        %mul3A_803 = arith.mulf %get3A_800, %mul3A_802 : vector<16xf32>
        %add3A_804 = arith.constant 0 : i32
        %add3A_805 = arith.addi %add3A_804, %add3A_778 : i32
        %swap3A_806 = arith.index_cast %add3A_805 : i32 to index
        %swap3A_807 = arith.constant 16 : index
        %swap3A_808 = tpu.vector_load %arg6[%swap3A_806, %swap3A_807] {strides = array<i32>} : memref<800x64xf32, #tpu.memory_space<vmem>>, vector<1x16xf32>,
        %swap3A_809 = vector.shape_cast %swap3A_808 : vector<1x16xf32> to vector<16xf32>
        %swap3A_810 = vector.shape_cast %mul3A_803 : vector<16xf32> to vector<1x16xf32>
        tpu.vector_store %arg6[%swap3A_806, %swap3A_807], %swap3A_810 {strides = array<i32>} : memref<800x64xf32, #tpu.memory_space<vmem>>, vector<1x16xf32>,
        %add3A_811 = arith.constant 0 : i32
        %add3A_812 = arith.addi %add3A_811, %add3A_778 : i32
        %get3A_813 = arith.index_cast %add3A_812 : i32 to index
        %get3A_814 = arith.constant 32 : index
        %get3A_815 = tpu.vector_load %arg6[%get3A_813, %get3A_814] {strides = array<i32>} : memref<800x64xf32, #tpu.memory_space<vmem>>, vector<1x16xf32>,
        %get3A_816 = vector.shape_cast %get3A_815 : vector<1x16xf32> to vector<16xf32>
        %mul3A_817 = arith.constant 1.250000e-01 : f32
        %mul3A_818 = vector.broadcast %mul3A_817 : f32 to vector<16xf32>
        %mul3A_819 = arith.mulf %get3A_816, %mul3A_818 : vector<16xf32>
        %add3A_820 = arith.constant 0 : i32
        %add3A_821 = arith.addi %add3A_820, %add3A_778 : i32
        %swap3A_822 = arith.index_cast %add3A_821 : i32 to index
        %swap3A_823 = arith.constant 32 : index
        %swap3A_824 = tpu.vector_load %arg6[%swap3A_822, %swap3A_823] {strides = array<i32>} : memref<800x64xf32, #tpu.memory_space<vmem>>, vector<1x16xf32>,
        %swap3A_825 = vector.shape_cast %swap3A_824 : vector<1x16xf32> to vector<16xf32>
        %swap3A_826 = vector.shape_cast %mul3A_819 : vector<16xf32> to vector<1x16xf32>
        tpu.vector_store %arg6[%swap3A_822, %swap3A_823], %swap3A_826 {strides = array<i32>} : memref<800x64xf32, #tpu.memory_space<vmem>>, vector<1x16xf32>,
        %add3A_827 = arith.constant 0 : i32
        %add3A_828 = arith.addi %add3A_827, %add3A_778 : i32
        %get3A_829 = arith.index_cast %add3A_828 : i32 to index
        %get3A_830 = arith.constant 48 : index
        %get3A_831 = tpu.vector_load %arg6[%get3A_829, %get3A_830] {strides = array<i32>} : memref<800x64xf32, #tpu.memory_space<vmem>>, vector<1x16xf32>,
        %get3A_832 = vector.shape_cast %get3A_831 : vector<1x16xf32> to vector<16xf32>
        %mul3A_833 = arith.constant 1.250000e-01 : f32
        %mul3A_834 = vector.broadcast %mul3A_833 : f32 to vector<16xf32>
        %mul3A_835 = arith.mulf %get3A_832, %mul3A_834 : vector<16xf32>
        %add3A_836 = arith.constant 0 : i32
        %add3A_837 = arith.addi %add3A_836, %add3A_778 : i32
        %swap3A_838 = arith.index_cast %add3A_837 : i32 to index
        %swap3A_839 = arith.constant 48 : index
        %swap3A_840 = tpu.vector_load %arg6[%swap3A_838, %swap3A_839] {strides = array<i32>} : memref<800x64xf32, #tpu.memory_space<vmem>>, vector<1x16xf32>,
        %swap3A_841 = vector.shape_cast %swap3A_840 : vector<1x16xf32> to vector<16xf32>
        %swap3A_842 = vector.shape_cast %mul3A_835 : vector<16xf32> to vector<1x16xf32>
        tpu.vector_store %arg6[%swap3A_838, %swap3A_839], %swap3A_842 {strides = array<i32>} : memref<800x64xf32, #tpu.memory_space<vmem>>, vector<1x16xf32>,
      }
      %scan3A_114 = arith.constant 200 : i32
      %add3A_115 = arith.addi %mul3A_2, %add3A_85 : i32
      %dma_start3A_116 = arith.constant 0 : i32
      %dma_start3A_117 = arith.constant 0 : i32
      %dma_start3A_118 = tpu.memref_slice %arg6[%dma_start3A_116, %dma_start3A_117] : memref<800x64xf32, #tpu.memory_space<vmem>> -> memref<200x64xf32, #tpu.memory_space<vmem>>
      %dma_start3A_119 = arith.constant 0 : i32
      %dma_start3A_120 = arith.constant 0 : i32
      %dma_start3A_121 = tpu.memref_slice %arg4[%add3A_115, %dma_start3A_119, %dma_start3A_120] : memref<16384x200x128xf32, #tpu.memory_space<hbm>> -> memref<1x200x64xf32, #tpu.memory_space<hbm>>
      %dma_start3A_122 = tpu.memref_squeeze %dma_start3A_121 : memref<1x200x64xf32, #tpu.memory_space<hbm>> -> memref<200x64xf32, #tpu.memory_space<hbm>>
      %dma_start3A_123 = arith.constant 0 : i32
      %dma_start3A_124 = arith.constant 0 : i32
      %dma_start3A_125 = tpu.memref_slice %arg4[%add3A_115, %dma_start3A_123, %dma_start3A_124] : memref<16384x200x128xf32, #tpu.memory_space<hbm>> -> memref<1x200x64xf32, #tpu.memory_space<hbm>>
      %dma_start3A_126 = tpu.memref_squeeze %dma_start3A_125 : memref<1x200x64xf32, #tpu.memory_space<hbm>> -> memref<200x64xf32, #tpu.memory_space<hbm>>
      %dma_start3A_127 = arith.constant 0 : i32
      %dma_start3A_128 = arith.constant 0 : i32
      %dma_start3A_129 = tpu.memref_slice %arg6[%dma_start3A_127, %dma_start3A_128] : memref<800x64xf32, #tpu.memory_space<vmem>> -> memref<200x64xf32, #tpu.memory_space<vmem>>
      tpu.enqueue_dma source(%dma_start3A_129 : memref<200x64xf32, #tpu.memory_space<vmem>>) target(%dma_start3A_126 : memref<200x64xf32, #tpu.memory_space<hbm>>) target_semaphore(%arg11 : memref<!tpu.dma_semaphore, #tpu.memory_space<semaphore_mem>>)
      %mul3A_130 = arith.constant 4 : i32
      %mul3A_131 = arith.muli %add3A_81, %mul3A_130 : i32
      %add3A_132 = arith.constant 1 : i32
      %add3A_133 = arith.addi %mul3A_131, %add3A_132 : i32
      %ge3A_134 = arith.constant 2 : i32
      %ge3A_135 = arith.cmpi sge, %add3A_133, %ge3A_134 : i32
      %convert_element_type3A_136 = arith.extui %ge3A_135 : i1 to i32
      %cond3A_137 = arith.constant 0 : i32
      %cond3A_138 = arith.cmpi ne, %convert_element_type3A_136, %cond3A_137 : i32
      scf.if %cond3A_138 {
        %sub3A = arith.constant 2 : i32
        %sub3A_286 = arith.subi %add3A_133, %sub3A : i32
        %add3A_287 = arith.addi %mul3A_2, %sub3A_286 : i32
        %dma_wait3A_288 = arith.constant 600 : i32
        %dma_wait3A_289 = arith.constant 0 : i32
        %dma_wait3A_290 = tpu.memref_slice %arg6[%dma_wait3A_288, %dma_wait3A_289] : memref<800x64xf32, #tpu.memory_space<vmem>> -> memref<200x64xf32, #tpu.memory_space<vmem>>
        %dma_wait3A_291 = arith.constant 0 : i32
        %dma_wait3A_292 = arith.constant 0 : i32
        %dma_wait3A_293 = tpu.memref_slice %arg4[%add3A_287, %dma_wait3A_291, %dma_wait3A_292] : memref<16384x200x128xf32, #tpu.memory_space<hbm>> -> memref<1x200x64xf32, #tpu.memory_space<hbm>>
        %dma_wait3A_294 = tpu.memref_squeeze %dma_wait3A_293 : memref<1x200x64xf32, #tpu.memory_space<hbm>> -> memref<200x64xf32, #tpu.memory_space<hbm>>
        %dma_wait3A_295 = arith.constant 0 : i32
        %dma_wait3A_296 = arith.constant 0 : i32
        %dma_wait3A_297 = tpu.memref_slice %arg4[%add3A_287, %dma_wait3A_295, %dma_wait3A_296] : memref<16384x200x128xf32, #tpu.memory_space<hbm>> -> memref<1x200x64xf32, #tpu.memory_space<hbm>>
        %dma_wait3A_298 = tpu.memref_squeeze %dma_wait3A_297 : memref<1x200x64xf32, #tpu.memory_space<hbm>> -> memref<200x64xf32, #tpu.memory_space<hbm>>
        %dma_wait3A_299 = arith.constant 600 : i32
        %dma_wait3A_300 = arith.constant 0 : i32
        %dma_wait3A_301 = tpu.memref_slice %arg6[%dma_wait3A_299, %dma_wait3A_300] : memref<800x64xf32, #tpu.memory_space<vmem>> -> memref<200x64xf32, #tpu.memory_space<vmem>>
        tpu.wait_dma2 semaphore(%arg14 : memref<!tpu.dma_semaphore, #tpu.memory_space<semaphore_mem>>) src(%dma_wait3A_301 : memref<200x64xf32, #tpu.memory_space<vmem>>) dst(%dma_wait3A_298 : memref<200x64xf32, #tpu.memory_space<hbm>>)
      } else {
      }
      %add3A_139 = arith.constant 2 : i32
      %add3A_140 = arith.addi %add3A_133, %add3A_139 : i32
      %lt3A_141 = arith.constant 512 : i32
      %lt3A_142 = arith.cmpi slt, %add3A_140, %lt3A_141 : i32
      %convert_element_type3A_143 = arith.extui %lt3A_142 : i1 to i32
      %cond3A_144 = arith.constant 0 : i32
      %cond3A_145 = arith.cmpi ne, %convert_element_type3A_143, %cond3A_144 : i32
      scf.if %cond3A_145 {
        %add3A_286 = arith.constant 2 : i32
        %add3A_287 = arith.addi %add3A_133, %add3A_286 : i32
        %add3A_288 = arith.addi %mul3A_2, %add3A_287 : i32
        %mul3A_289 = arith.constant 200 : i32
        %mul3A_290 = arith.muli %add3A_288, %mul3A_289 : i32
        "tpu.region"() ({
          %run_scoped3A = tpu.sem_alloc : memref<!tpu.dma_semaphore, #tpu.memory_space<semaphore_mem>>
          %dma_start3A_307 = arith.constant 600 : i32
          %dma_start3A_308 = tpu.memref_slice %arg5[%dma_start3A_307] : memref<800xi32, #tpu.memory_space<vmem>> -> memref<200xi32, #tpu.memory_space<vmem>>
          %dma_start3A_309 = tpu.memref_slice %arg2[%mul3A_290] : memref<3276800xi32, #tpu.memory_space<hbm>> -> memref<200xi32, #tpu.memory_space<hbm>>
          %dma_start3A_310 = arith.constant 600 : i32
          %dma_start3A_311 = tpu.memref_slice %arg5[%dma_start3A_310] : memref<800xi32, #tpu.memory_space<vmem>> -> memref<200xi32, #tpu.memory_space<vmem>>
          %dma_start3A_312 = tpu.memref_slice %arg2[%mul3A_290] : memref<3276800xi32, #tpu.memory_space<hbm>> -> memref<200xi32, #tpu.memory_space<hbm>>
          tpu.enqueue_dma source(%dma_start3A_312 : memref<200xi32, #tpu.memory_space<hbm>>) target(%dma_start3A_311 : memref<200xi32, #tpu.memory_space<vmem>>) target_semaphore(%run_scoped3A : memref<!tpu.dma_semaphore, #tpu.memory_space<semaphore_mem>>)
          %dma_wait3A_313 = arith.constant 600 : i32
          %dma_wait3A_314 = tpu.memref_slice %arg5[%dma_wait3A_313] : memref<800xi32, #tpu.memory_space<vmem>> -> memref<200xi32, #tpu.memory_space<vmem>>
          %dma_wait3A_315 = tpu.memref_slice %arg2[%mul3A_290] : memref<3276800xi32, #tpu.memory_space<hbm>> -> memref<200xi32, #tpu.memory_space<hbm>>
          %dma_wait3A_316 = arith.constant 600 : i32
          %dma_wait3A_317 = tpu.memref_slice %arg5[%dma_wait3A_316] : memref<800xi32, #tpu.memory_space<vmem>> -> memref<200xi32, #tpu.memory_space<vmem>>
          %dma_wait3A_318 = tpu.memref_slice %arg2[%mul3A_290] : memref<3276800xi32, #tpu.memory_space<hbm>> -> memref<200xi32, #tpu.memory_space<hbm>>
          tpu.wait_dma2 semaphore(%run_scoped3A : memref<!tpu.dma_semaphore, #tpu.memory_space<semaphore_mem>>) src(%dma_wait3A_318 : memref<200xi32, #tpu.memory_space<hbm>>) dst(%dma_wait3A_317 : memref<200xi32, #tpu.memory_space<vmem>>)
          tpu.yield
        }) : () -> ()
        %dma_start3A_291 = arith.constant 600 : i32
        %dma_start3A_292 = arith.constant 0 : i32
        %dma_start3A_293 = tpu.memref_slice %arg6[%dma_start3A_291, %dma_start3A_292] : memref<800x64xf32, #tpu.memory_space<vmem>> -> memref<128x64xf32, #tpu.memory_space<vmem>>
        %dma_start3A_294 = arith.constant 600 : i32
        %dma_start3A_295 = tpu.memref_slice %arg5[%dma_start3A_294] : memref<800xi32, #tpu.memory_space<vmem>> -> memref<128xi32, #tpu.memory_space<vmem>>
        %dma_start3A_296 = arith.constant 0 : i32
        %dma_start3A_297 = arith.constant 0 : i32
        %dma_start3A_298 = tpu.memref_slice %arg3[%dma_start3A_296, %dma_start3A_297] : memref<1000000x64xf32, #tpu.memory_space<hbm>> -> memref<1000000x64xf32, #tpu.memory_space<hbm>>
        tpu.enqueue_indirect_dma source(%dma_start3A_298 : memref<1000000x64xf32, #tpu.memory_space<hbm>>) target(%dma_start3A_293 : memref<128x64xf32, #tpu.memory_space<vmem>>) offsets(%dma_start3A_295 : memref<128xi32, #tpu.memory_space<vmem>>) semaphore(%arg10 : memref<!tpu.dma_semaphore, #tpu.memory_space<semaphore_mem>>)
        %dma_start3A_299 = arith.constant 728 : i32
        %dma_start3A_300 = arith.constant 0 : i32
        %dma_start3A_301 = tpu.memref_slice %arg6[%dma_start3A_299, %dma_start3A_300] : memref<800x64xf32, #tpu.memory_space<vmem>> -> memref<72x64xf32, #tpu.memory_space<vmem>>
        %dma_start3A_302 = arith.constant 728 : i32
        %dma_start3A_303 = tpu.memref_slice %arg5[%dma_start3A_302] : memref<800xi32, #tpu.memory_space<vmem>> -> memref<72xi32, #tpu.memory_space<vmem>>
        %dma_start3A_304 = arith.constant 0 : i32
        %dma_start3A_305 = arith.constant 0 : i32
        %dma_start3A_306 = tpu.memref_slice %arg3[%dma_start3A_304, %dma_start3A_305] : memref<1000000x64xf32, #tpu.memory_space<hbm>> -> memref<1000000x64xf32, #tpu.memory_space<hbm>>
        tpu.enqueue_indirect_dma source(%dma_start3A_306 : memref<1000000x64xf32, #tpu.memory_space<hbm>>) target(%dma_start3A_301 : memref<72x64xf32, #tpu.memory_space<vmem>>) offsets(%dma_start3A_303 : memref<72xi32, #tpu.memory_space<vmem>>) semaphore(%arg10 : memref<!tpu.dma_semaphore, #tpu.memory_space<semaphore_mem>>)
      } else {
      }
      %dma_wait3A_146 = arith.constant 200 : i32
      %dma_wait3A_147 = arith.constant 0 : i32
      %dma_wait3A_148 = tpu.memref_slice %arg6[%dma_wait3A_146, %dma_wait3A_147] : memref<800x64xf32, #tpu.memory_space<vmem>> -> memref<128x64xf32, #tpu.memory_space<vmem>>
      %dma_wait3A_149 = arith.constant 200 : i32
      %dma_wait3A_150 = tpu.memref_slice %arg5[%dma_wait3A_149] : memref<800xi32, #tpu.memory_space<vmem>> -> memref<128xi32, #tpu.memory_space<vmem>>
      %dma_wait3A_151 = arith.constant 0 : i32
      %dma_wait3A_152 = arith.constant 0 : i32
      %dma_wait3A_153 = tpu.memref_slice %arg3[%dma_wait3A_151, %dma_wait3A_152] : memref<1000000x64xf32, #tpu.memory_space<hbm>> -> memref<1000000x64xf32, #tpu.memory_space<hbm>>
      tpu.wait_indirect_dma semaphore(%arg8 : memref<!tpu.dma_semaphore, #tpu.memory_space<semaphore_mem>>) src(%dma_wait3A_153 : memref<1000000x64xf32, #tpu.memory_space<hbm>>) dst(%dma_wait3A_148 : memref<128x64xf32, #tpu.memory_space<vmem>>)
      %dma_wait3A_154 = arith.constant 328 : i32
      %dma_wait3A_155 = arith.constant 0 : i32
      %dma_wait3A_156 = tpu.memref_slice %arg6[%dma_wait3A_154, %dma_wait3A_155] : memref<800x64xf32, #tpu.memory_space<vmem>> -> memref<72x64xf32, #tpu.memory_space<vmem>>
      %dma_wait3A_157 = arith.constant 328 : i32
      %dma_wait3A_158 = tpu.memref_slice %arg5[%dma_wait3A_157] : memref<800xi32, #tpu.memory_space<vmem>> -> memref<72xi32, #tpu.memory_space<vmem>>
      %dma_wait3A_159 = arith.constant 0 : i32
      %dma_wait3A_160 = arith.constant 0 : i32
      %dma_wait3A_161 = tpu.memref_slice %arg3[%dma_wait3A_159, %dma_wait3A_160] : memref<1000000x64xf32, #tpu.memory_space<hbm>> -> memref<1000000x64xf32, #tpu.memory_space<hbm>>
      tpu.wait_indirect_dma semaphore(%arg8 : memref<!tpu.dma_semaphore, #tpu.memory_space<semaphore_mem>>) src(%dma_wait3A_161 : memref<1000000x64xf32, #tpu.memory_space<hbm>>) dst(%dma_wait3A_156 : memref<72x64xf32, #tpu.memory_space<vmem>>)
      %scan3A_162 = arith.constant 0 : i32
      %scan3A_163 = arith.constant 200 : i32
      %scan3A_164 = arith.addi %scan3A_162, %scan3A_163 : i32
      %scan3A_165 = arith.constant 8 : i32
      scf.for %scan3A_286 = %scan3A_162 to %scan3A_164 step %scan3A_165  : i32 {
        %mul3A_287 = arith.constant 1 : i32
        %mul3A_288 = arith.muli %scan3A_286, %mul3A_287 : i32
        %add3A_289 = arith.constant 0 : i32
        %add3A_290 = arith.addi %add3A_289, %mul3A_288 : i32
        %add3A_291 = arith.constant 200 : i32
        %add3A_292 = arith.addi %add3A_291, %add3A_290 : i32
        %get3A = arith.index_cast %add3A_292 : i32 to index
        %get3A_293 = arith.constant 0 : index
        %get3A_294 = tpu.vector_load %arg6[%get3A, %get3A_293] {strides = array<i32>} : memref<800x64xf32, #tpu.memory_space<vmem>>, vector<1x16xf32>,
        %get3A_295 = vector.shape_cast %get3A_294 : vector<1x16xf32> to vector<16xf32>
        %mul3A_296 = arith.constant 1.250000e-01 : f32
        %mul3A_297 = vector.broadcast %mul3A_296 : f32 to vector<16xf32>
        %mul3A_298 = arith.mulf %get3A_295, %mul3A_297 : vector<16xf32>
        %add3A_299 = arith.constant 200 : i32
        %add3A_300 = arith.addi %add3A_299, %add3A_290 : i32
        %swap3A = arith.index_cast %add3A_300 : i32 to index
        %swap3A_301 = arith.constant 0 : index
        %swap3A_302 = tpu.vector_load %arg6[%swap3A, %swap3A_301] {strides = array<i32>} : memref<800x64xf32, #tpu.memory_space<vmem>>, vector<1x16xf32>,
        %swap3A_303 = vector.shape_cast %swap3A_302 : vector<1x16xf32> to vector<16xf32>
        %swap3A_304 = vector.shape_cast %mul3A_298 : vector<16xf32> to vector<1x16xf32>
        tpu.vector_store %arg6[%swap3A, %swap3A_301], %swap3A_304 {strides = array<i32>} : memref<800x64xf32, #tpu.memory_space<vmem>>, vector<1x16xf32>,
        %add3A_305 = arith.constant 200 : i32
        %add3A_306 = arith.addi %add3A_305, %add3A_290 : i32
        %get3A_307 = arith.index_cast %add3A_306 : i32 to index
        %get3A_308 = arith.constant 16 : index
        %get3A_309 = tpu.vector_load %arg6[%get3A_307, %get3A_308] {strides = array<i32>} : memref<800x64xf32, #tpu.memory_space<vmem>>, vector<1x16xf32>,
        %get3A_310 = vector.shape_cast %get3A_309 : vector<1x16xf32> to vector<16xf32>
        %mul3A_311 = arith.constant 1.250000e-01 : f32
        %mul3A_312 = vector.broadcast %mul3A_311 : f32 to vector<16xf32>
        %mul3A_313 = arith.mulf %get3A_310, %mul3A_312 : vector<16xf32>
        %add3A_314 = arith.constant 200 : i32
        %add3A_315 = arith.addi %add3A_314, %add3A_290 : i32
        %swap3A_316 = arith.index_cast %add3A_315 : i32 to index
        %swap3A_317 = arith.constant 16 : index
        %swap3A_318 = tpu.vector_load %arg6[%swap3A_316, %swap3A_317] {strides = array<i32>} : memref<800x64xf32, #tpu.memory_space<vmem>>, vector<1x16xf32>,
        %swap3A_319 = vector.shape_cast %swap3A_318 : vector<1x16xf32> to vector<16xf32>
        %swap3A_320 = vector.shape_cast %mul3A_313 : vector<16xf32> to vector<1x16xf32>
        tpu.vector_store %arg6[%swap3A_316, %swap3A_317], %swap3A_320 {strides = array<i32>} : memref<800x64xf32, #tpu.memory_space<vmem>>, vector<1x16xf32>,
        %add3A_321 = arith.constant 200 : i32
        %add3A_322 = arith.addi %add3A_321, %add3A_290 : i32
        %get3A_323 = arith.index_cast %add3A_322 : i32 to index
        %get3A_324 = arith.constant 32 : index
        %get3A_325 = tpu.vector_load %arg6[%get3A_323, %get3A_324] {strides = array<i32>} : memref<800x64xf32, #tpu.memory_space<vmem>>, vector<1x16xf32>,
        %get3A_326 = vector.shape_cast %get3A_325 : vector<1x16xf32> to vector<16xf32>
        %mul3A_327 = arith.constant 1.250000e-01 : f32
        %mul3A_328 = vector.broadcast %mul3A_327 : f32 to vector<16xf32>
        %mul3A_329 = arith.mulf %get3A_326, %mul3A_328 : vector<16xf32>
        %add3A_330 = arith.constant 200 : i32
        %add3A_331 = arith.addi %add3A_330, %add3A_290 : i32
        %swap3A_332 = arith.index_cast %add3A_331 : i32 to index
        %swap3A_333 = arith.constant 32 : index
        %swap3A_334 = tpu.vector_load %arg6[%swap3A_332, %swap3A_333] {strides = array<i32>} : memref<800x64xf32, #tpu.memory_space<vmem>>, vector<1x16xf32>,
        %swap3A_335 = vector.shape_cast %swap3A_334 : vector<1x16xf32> to vector<16xf32>
        %swap3A_336 = vector.shape_cast %mul3A_329 : vector<16xf32> to vector<1x16xf32>
        tpu.vector_store %arg6[%swap3A_332, %swap3A_333], %swap3A_336 {strides = array<i32>} : memref<800x64xf32, #tpu.memory_space<vmem>>, vector<1x16xf32>,
        %add3A_337 = arith.constant 200 : i32
        %add3A_338 = arith.addi %add3A_337, %add3A_290 : i32
        %get3A_339 = arith.index_cast %add3A_338 : i32 to index
        %get3A_340 = arith.constant 48 : index
        %get3A_341 = tpu.vector_load %arg6[%get3A_339, %get3A_340] {strides = array<i32>} : memref<800x64xf32, #tpu.memory_space<vmem>>, vector<1x16xf32>,
        %get3A_342 = vector.shape_cast %get3A_341 : vector<1x16xf32> to vector<16xf32>
        %mul3A_343 = arith.constant 1.250000e-01 : f32
        %mul3A_344 = vector.broadcast %mul3A_343 : f32 to vector<16xf32>
        %mul3A_345 = arith.mulf %get3A_342, %mul3A_344 : vector<16xf32>
        %add3A_346 = arith.constant 200 : i32
        %add3A_347 = arith.addi %add3A_346, %add3A_290 : i32
        %swap3A_348 = arith.index_cast %add3A_347 : i32 to index
        %swap3A_349 = arith.constant 48 : index
        %swap3A_350 = tpu.vector_load %arg6[%swap3A_348, %swap3A_349] {strides = array<i32>} : memref<800x64xf32, #tpu.memory_space<vmem>>, vector<1x16xf32>,
        %swap3A_351 = vector.shape_cast %swap3A_350 : vector<1x16xf32> to vector<16xf32>
        %swap3A_352 = vector.shape_cast %mul3A_345 : vector<16xf32> to vector<1x16xf32>
        tpu.vector_store %arg6[%swap3A_348, %swap3A_349], %swap3A_352 {strides = array<i32>} : memref<800x64xf32, #tpu.memory_space<vmem>>, vector<1x16xf32>,
        %scan3A_353 = arith.constant 1 : i32
        %scan3A_354 = arith.addi %scan3A_286, %scan3A_353 : i32
        %mul3A_355 = arith.constant 1 : i32
        %mul3A_356 = arith.muli %scan3A_354, %mul3A_355 : i32
        %add3A_357 = arith.constant 0 : i32
        %add3A_358 = arith.addi %add3A_357, %mul3A_356 : i32
        %add3A_359 = arith.constant 200 : i32
        %add3A_360 = arith.addi %add3A_359, %add3A_358 : i32
        %get3A_361 = arith.index_cast %add3A_360 : i32 to index
        %get3A_362 = arith.constant 0 : index
        %get3A_363 = tpu.vector_load %arg6[%get3A_361, %get3A_362] {strides = array<i32>} : memref<800x64xf32, #tpu.memory_space<vmem>>, vector<1x16xf32>,
        %get3A_364 = vector.shape_cast %get3A_363 : vector<1x16xf32> to vector<16xf32>
        %mul3A_365 = arith.constant 1.250000e-01 : f32
        %mul3A_366 = vector.broadcast %mul3A_365 : f32 to vector<16xf32>
        %mul3A_367 = arith.mulf %get3A_364, %mul3A_366 : vector<16xf32>
        %add3A_368 = arith.constant 200 : i32
        %add3A_369 = arith.addi %add3A_368, %add3A_358 : i32
        %swap3A_370 = arith.index_cast %add3A_369 : i32 to index
        %swap3A_371 = arith.constant 0 : index
        %swap3A_372 = tpu.vector_load %arg6[%swap3A_370, %swap3A_371] {strides = array<i32>} : memref<800x64xf32, #tpu.memory_space<vmem>>, vector<1x16xf32>,
        %swap3A_373 = vector.shape_cast %swap3A_372 : vector<1x16xf32> to vector<16xf32>
        %swap3A_374 = vector.shape_cast %mul3A_367 : vector<16xf32> to vector<1x16xf32>
        tpu.vector_store %arg6[%swap3A_370, %swap3A_371], %swap3A_374 {strides = array<i32>} : memref<800x64xf32, #tpu.memory_space<vmem>>, vector<1x16xf32>,
        %add3A_375 = arith.constant 200 : i32
        %add3A_376 = arith.addi %add3A_375, %add3A_358 : i32
        %get3A_377 = arith.index_cast %add3A_376 : i32 to index
        %get3A_378 = arith.constant 16 : index
        %get3A_379 = tpu.vector_load %arg6[%get3A_377, %get3A_378] {strides = array<i32>} : memref<800x64xf32, #tpu.memory_space<vmem>>, vector<1x16xf32>,
        %get3A_380 = vector.shape_cast %get3A_379 : vector<1x16xf32> to vector<16xf32>
        %mul3A_381 = arith.constant 1.250000e-01 : f32
        %mul3A_382 = vector.broadcast %mul3A_381 : f32 to vector<16xf32>
        %mul3A_383 = arith.mulf %get3A_380, %mul3A_382 : vector<16xf32>
        %add3A_384 = arith.constant 200 : i32
        %add3A_385 = arith.addi %add3A_384, %add3A_358 : i32
        %swap3A_386 = arith.index_cast %add3A_385 : i32 to index
        %swap3A_387 = arith.constant 16 : index
        %swap3A_388 = tpu.vector_load %arg6[%swap3A_386, %swap3A_387] {strides = array<i32>} : memref<800x64xf32, #tpu.memory_space<vmem>>, vector<1x16xf32>,
        %swap3A_389 = vector.shape_cast %swap3A_388 : vector<1x16xf32> to vector<16xf32>
        %swap3A_390 = vector.shape_cast %mul3A_383 : vector<16xf32> to vector<1x16xf32>
        tpu.vector_store %arg6[%swap3A_386, %swap3A_387], %swap3A_390 {strides = array<i32>} : memref<800x64xf32, #tpu.memory_space<vmem>>, vector<1x16xf32>,
        %add3A_391 = arith.constant 200 : i32
        %add3A_392 = arith.addi %add3A_391, %add3A_358 : i32
        %get3A_393 = arith.index_cast %add3A_392 : i32 to index
        %get3A_394 = arith.constant 32 : index
        %get3A_395 = tpu.vector_load %arg6[%get3A_393, %get3A_394] {strides = array<i32>} : memref<800x64xf32, #tpu.memory_space<vmem>>, vector<1x16xf32>,
        %get3A_396 = vector.shape_cast %get3A_395 : vector<1x16xf32> to vector<16xf32>
        %mul3A_397 = arith.constant 1.250000e-01 : f32
        %mul3A_398 = vector.broadcast %mul3A_397 : f32 to vector<16xf32>
        %mul3A_399 = arith.mulf %get3A_396, %mul3A_398 : vector<16xf32>
        %add3A_400 = arith.constant 200 : i32
        %add3A_401 = arith.addi %add3A_400, %add3A_358 : i32
        %swap3A_402 = arith.index_cast %add3A_401 : i32 to index
        %swap3A_403 = arith.constant 32 : index
        %swap3A_404 = tpu.vector_load %arg6[%swap3A_402, %swap3A_403] {strides = array<i32>} : memref<800x64xf32, #tpu.memory_space<vmem>>, vector<1x16xf32>,
        %swap3A_405 = vector.shape_cast %swap3A_404 : vector<1x16xf32> to vector<16xf32>
        %swap3A_406 = vector.shape_cast %mul3A_399 : vector<16xf32> to vector<1x16xf32>
        tpu.vector_store %arg6[%swap3A_402, %swap3A_403], %swap3A_406 {strides = array<i32>} : memref<800x64xf32, #tpu.memory_space<vmem>>, vector<1x16xf32>,
        %add3A_407 = arith.constant 200 : i32
        %add3A_408 = arith.addi %add3A_407, %add3A_358 : i32
        %get3A_409 = arith.index_cast %add3A_408 : i32 to index
        %get3A_410 = arith.constant 48 : index
        %get3A_411 = tpu.vector_load %arg6[%get3A_409, %get3A_410] {strides = array<i32>} : memref<800x64xf32, #tpu.memory_space<vmem>>, vector<1x16xf32>,
        %get3A_412 = vector.shape_cast %get3A_411 : vector<1x16xf32> to vector<16xf32>
        %mul3A_413 = arith.constant 1.250000e-01 : f32
        %mul3A_414 = vector.broadcast %mul3A_413 : f32 to vector<16xf32>
        %mul3A_415 = arith.mulf %get3A_412, %mul3A_414 : vector<16xf32>
        %add3A_416 = arith.constant 200 : i32
        %add3A_417 = arith.addi %add3A_416, %add3A_358 : i32
        %swap3A_418 = arith.index_cast %add3A_417 : i32 to index
        %swap3A_419 = arith.constant 48 : index
        %swap3A_420 = tpu.vector_load %arg6[%swap3A_418, %swap3A_419] {strides = array<i32>} : memref<800x64xf32, #tpu.memory_space<vmem>>, vector<1x16xf32>,
        %swap3A_421 = vector.shape_cast %swap3A_420 : vector<1x16xf32> to vector<16xf32>
        %swap3A_422 = vector.shape_cast %mul3A_415 : vector<16xf32> to vector<1x16xf32>
        tpu.vector_store %arg6[%swap3A_418, %swap3A_419], %swap3A_422 {strides = array<i32>} : memref<800x64xf32, #tpu.memory_space<vmem>>, vector<1x16xf32>,
        %scan3A_423 = arith.constant 2 : i32
        %scan3A_424 = arith.addi %scan3A_286, %scan3A_423 : i32
        %mul3A_425 = arith.constant 1 : i32
        %mul3A_426 = arith.muli %scan3A_424, %mul3A_425 : i32
        %add3A_427 = arith.constant 0 : i32
        %add3A_428 = arith.addi %add3A_427, %mul3A_426 : i32
        %add3A_429 = arith.constant 200 : i32
        %add3A_430 = arith.addi %add3A_429, %add3A_428 : i32
        %get3A_431 = arith.index_cast %add3A_430 : i32 to index
        %get3A_432 = arith.constant 0 : index
        %get3A_433 = tpu.vector_load %arg6[%get3A_431, %get3A_432] {strides = array<i32>} : memref<800x64xf32, #tpu.memory_space<vmem>>, vector<1x16xf32>,
        %get3A_434 = vector.shape_cast %get3A_433 : vector<1x16xf32> to vector<16xf32>
        %mul3A_435 = arith.constant 1.250000e-01 : f32
        %mul3A_436 = vector.broadcast %mul3A_435 : f32 to vector<16xf32>
        %mul3A_437 = arith.mulf %get3A_434, %mul3A_436 : vector<16xf32>
        %add3A_438 = arith.constant 200 : i32
        %add3A_439 = arith.addi %add3A_438, %add3A_428 : i32
        %swap3A_440 = arith.index_cast %add3A_439 : i32 to index
        %swap3A_441 = arith.constant 0 : index
        %swap3A_442 = tpu.vector_load %arg6[%swap3A_440, %swap3A_441] {strides = array<i32>} : memref<800x64xf32, #tpu.memory_space<vmem>>, vector<1x16xf32>,
        %swap3A_443 = vector.shape_cast %swap3A_442 : vector<1x16xf32> to vector<16xf32>
        %swap3A_444 = vector.shape_cast %mul3A_437 : vector<16xf32> to vector<1x16xf32>
        tpu.vector_store %arg6[%swap3A_440, %swap3A_441], %swap3A_444 {strides = array<i32>} : memref<800x64xf32, #tpu.memory_space<vmem>>, vector<1x16xf32>,
        %add3A_445 = arith.constant 200 : i32
        %add3A_446 = arith.addi %add3A_445, %add3A_428 : i32
        %get3A_447 = arith.index_cast %add3A_446 : i32 to index
        %get3A_448 = arith.constant 16 : index
        %get3A_449 = tpu.vector_load %arg6[%get3A_447, %get3A_448] {strides = array<i32>} : memref<800x64xf32, #tpu.memory_space<vmem>>, vector<1x16xf32>,
        %get3A_450 = vector.shape_cast %get3A_449 : vector<1x16xf32> to vector<16xf32>
        %mul3A_451 = arith.constant 1.250000e-01 : f32
        %mul3A_452 = vector.broadcast %mul3A_451 : f32 to vector<16xf32>
        %mul3A_453 = arith.mulf %get3A_450, %mul3A_452 : vector<16xf32>
        %add3A_454 = arith.constant 200 : i32
        %add3A_455 = arith.addi %add3A_454, %add3A_428 : i32
        %swap3A_456 = arith.index_cast %add3A_455 : i32 to index
        %swap3A_457 = arith.constant 16 : index
        %swap3A_458 = tpu.vector_load %arg6[%swap3A_456, %swap3A_457] {strides = array<i32>} : memref<800x64xf32, #tpu.memory_space<vmem>>, vector<1x16xf32>,
        %swap3A_459 = vector.shape_cast %swap3A_458 : vector<1x16xf32> to vector<16xf32>
        %swap3A_460 = vector.shape_cast %mul3A_453 : vector<16xf32> to vector<1x16xf32>
        tpu.vector_store %arg6[%swap3A_456, %swap3A_457], %swap3A_460 {strides = array<i32>} : memref<800x64xf32, #tpu.memory_space<vmem>>, vector<1x16xf32>,
        %add3A_461 = arith.constant 200 : i32
        %add3A_462 = arith.addi %add3A_461, %add3A_428 : i32
        %get3A_463 = arith.index_cast %add3A_462 : i32 to index
        %get3A_464 = arith.constant 32 : index
        %get3A_465 = tpu.vector_load %arg6[%get3A_463, %get3A_464] {strides = array<i32>} : memref<800x64xf32, #tpu.memory_space<vmem>>, vector<1x16xf32>,
        %get3A_466 = vector.shape_cast %get3A_465 : vector<1x16xf32> to vector<16xf32>
        %mul3A_467 = arith.constant 1.250000e-01 : f32
        %mul3A_468 = vector.broadcast %mul3A_467 : f32 to vector<16xf32>
        %mul3A_469 = arith.mulf %get3A_466, %mul3A_468 : vector<16xf32>
        %add3A_470 = arith.constant 200 : i32
        %add3A_471 = arith.addi %add3A_470, %add3A_428 : i32
        %swap3A_472 = arith.index_cast %add3A_471 : i32 to index
        %swap3A_473 = arith.constant 32 : index
        %swap3A_474 = tpu.vector_load %arg6[%swap3A_472, %swap3A_473] {strides = array<i32>} : memref<800x64xf32, #tpu.memory_space<vmem>>, vector<1x16xf32>,
        %swap3A_475 = vector.shape_cast %swap3A_474 : vector<1x16xf32> to vector<16xf32>
        %swap3A_476 = vector.shape_cast %mul3A_469 : vector<16xf32> to vector<1x16xf32>
        tpu.vector_store %arg6[%swap3A_472, %swap3A_473], %swap3A_476 {strides = array<i32>} : memref<800x64xf32, #tpu.memory_space<vmem>>, vector<1x16xf32>,
        %add3A_477 = arith.constant 200 : i32
        %add3A_478 = arith.addi %add3A_477, %add3A_428 : i32
        %get3A_479 = arith.index_cast %add3A_478 : i32 to index
        %get3A_480 = arith.constant 48 : index
        %get3A_481 = tpu.vector_load %arg6[%get3A_479, %get3A_480] {strides = array<i32>} : memref<800x64xf32, #tpu.memory_space<vmem>>, vector<1x16xf32>,
        %get3A_482 = vector.shape_cast %get3A_481 : vector<1x16xf32> to vector<16xf32>
        %mul3A_483 = arith.constant 1.250000e-01 : f32
        %mul3A_484 = vector.broadcast %mul3A_483 : f32 to vector<16xf32>
        %mul3A_485 = arith.mulf %get3A_482, %mul3A_484 : vector<16xf32>
        %add3A_486 = arith.constant 200 : i32
        %add3A_487 = arith.addi %add3A_486, %add3A_428 : i32
        %swap3A_488 = arith.index_cast %add3A_487 : i32 to index
        %swap3A_489 = arith.constant 48 : index
        %swap3A_490 = tpu.vector_load %arg6[%swap3A_488, %swap3A_489] {strides = array<i32>} : memref<800x64xf32, #tpu.memory_space<vmem>>, vector<1x16xf32>,
        %swap3A_491 = vector.shape_cast %swap3A_490 : vector<1x16xf32> to vector<16xf32>
        %swap3A_492 = vector.shape_cast %mul3A_485 : vector<16xf32> to vector<1x16xf32>
        tpu.vector_store %arg6[%swap3A_488, %swap3A_489], %swap3A_492 {strides = array<i32>} : memref<800x64xf32, #tpu.memory_space<vmem>>, vector<1x16xf32>,
        %scan3A_493 = arith.constant 3 : i32
        %scan3A_494 = arith.addi %scan3A_286, %scan3A_493 : i32
        %mul3A_495 = arith.constant 1 : i32
        %mul3A_496 = arith.muli %scan3A_494, %mul3A_495 : i32
        %add3A_497 = arith.constant 0 : i32
        %add3A_498 = arith.addi %add3A_497, %mul3A_496 : i32
        %add3A_499 = arith.constant 200 : i32
        %add3A_500 = arith.addi %add3A_499, %add3A_498 : i32
        %get3A_501 = arith.index_cast %add3A_500 : i32 to index
        %get3A_502 = arith.constant 0 : index
        %get3A_503 = tpu.vector_load %arg6[%get3A_501, %get3A_502] {strides = array<i32>} : memref<800x64xf32, #tpu.memory_space<vmem>>, vector<1x16xf32>,
        %get3A_504 = vector.shape_cast %get3A_503 : vector<1x16xf32> to vector<16xf32>
        %mul3A_505 = arith.constant 1.250000e-01 : f32
        %mul3A_506 = vector.broadcast %mul3A_505 : f32 to vector<16xf32>
        %mul3A_507 = arith.mulf %get3A_504, %mul3A_506 : vector<16xf32>
        %add3A_508 = arith.constant 200 : i32
        %add3A_509 = arith.addi %add3A_508, %add3A_498 : i32
        %swap3A_510 = arith.index_cast %add3A_509 : i32 to index
        %swap3A_511 = arith.constant 0 : index
        %swap3A_512 = tpu.vector_load %arg6[%swap3A_510, %swap3A_511] {strides = array<i32>} : memref<800x64xf32, #tpu.memory_space<vmem>>, vector<1x16xf32>,
        %swap3A_513 = vector.shape_cast %swap3A_512 : vector<1x16xf32> to vector<16xf32>
        %swap3A_514 = vector.shape_cast %mul3A_507 : vector<16xf32> to vector<1x16xf32>
        tpu.vector_store %arg6[%swap3A_510, %swap3A_511], %swap3A_514 {strides = array<i32>} : memref<800x64xf32, #tpu.memory_space<vmem>>, vector<1x16xf32>,
        %add3A_515 = arith.constant 200 : i32
        %add3A_516 = arith.addi %add3A_515, %add3A_498 : i32
        %get3A_517 = arith.index_cast %add3A_516 : i32 to index
        %get3A_518 = arith.constant 16 : index
        %get3A_519 = tpu.vector_load %arg6[%get3A_517, %get3A_518] {strides = array<i32>} : memref<800x64xf32, #tpu.memory_space<vmem>>, vector<1x16xf32>,
        %get3A_520 = vector.shape_cast %get3A_519 : vector<1x16xf32> to vector<16xf32>
        %mul3A_521 = arith.constant 1.250000e-01 : f32
        %mul3A_522 = vector.broadcast %mul3A_521 : f32 to vector<16xf32>
        %mul3A_523 = arith.mulf %get3A_520, %mul3A_522 : vector<16xf32>
        %add3A_524 = arith.constant 200 : i32
        %add3A_525 = arith.addi %add3A_524, %add3A_498 : i32
        %swap3A_526 = arith.index_cast %add3A_525 : i32 to index
        %swap3A_527 = arith.constant 16 : index
        %swap3A_528 = tpu.vector_load %arg6[%swap3A_526, %swap3A_527] {strides = array<i32>} : memref<800x64xf32, #tpu.memory_space<vmem>>, vector<1x16xf32>,
        %swap3A_529 = vector.shape_cast %swap3A_528 : vector<1x16xf32> to vector<16xf32>
        %swap3A_530 = vector.shape_cast %mul3A_523 : vector<16xf32> to vector<1x16xf32>
        tpu.vector_store %arg6[%swap3A_526, %swap3A_527], %swap3A_530 {strides = array<i32>} : memref<800x64xf32, #tpu.memory_space<vmem>>, vector<1x16xf32>,
        %add3A_531 = arith.constant 200 : i32
        %add3A_532 = arith.addi %add3A_531, %add3A_498 : i32
        %get3A_533 = arith.index_cast %add3A_532 : i32 to index
        %get3A_534 = arith.constant 32 : index
        %get3A_535 = tpu.vector_load %arg6[%get3A_533, %get3A_534] {strides = array<i32>} : memref<800x64xf32, #tpu.memory_space<vmem>>, vector<1x16xf32>,
        %get3A_536 = vector.shape_cast %get3A_535 : vector<1x16xf32> to vector<16xf32>
        %mul3A_537 = arith.constant 1.250000e-01 : f32
        %mul3A_538 = vector.broadcast %mul3A_537 : f32 to vector<16xf32>
        %mul3A_539 = arith.mulf %get3A_536, %mul3A_538 : vector<16xf32>
        %add3A_540 = arith.constant 200 : i32
        %add3A_541 = arith.addi %add3A_540, %add3A_498 : i32
        %swap3A_542 = arith.index_cast %add3A_541 : i32 to index
        %swap3A_543 = arith.constant 32 : index
        %swap3A_544 = tpu.vector_load %arg6[%swap3A_542, %swap3A_543] {strides = array<i32>} : memref<800x64xf32, #tpu.memory_space<vmem>>, vector<1x16xf32>,
        %swap3A_545 = vector.shape_cast %swap3A_544 : vector<1x16xf32> to vector<16xf32>
        %swap3A_546 = vector.shape_cast %mul3A_539 : vector<16xf32> to vector<1x16xf32>
        tpu.vector_store %arg6[%swap3A_542, %swap3A_543], %swap3A_546 {strides = array<i32>} : memref<800x64xf32, #tpu.memory_space<vmem>>, vector<1x16xf32>,
        %add3A_547 = arith.constant 200 : i32
        %add3A_548 = arith.addi %add3A_547, %add3A_498 : i32
        %get3A_549 = arith.index_cast %add3A_548 : i32 to index
        %get3A_550 = arith.constant 48 : index
        %get3A_551 = tpu.vector_load %arg6[%get3A_549, %get3A_550] {strides = array<i32>} : memref<800x64xf32, #tpu.memory_space<vmem>>, vector<1x16xf32>,
        %get3A_552 = vector.shape_cast %get3A_551 : vector<1x16xf32> to vector<16xf32>
        %mul3A_553 = arith.constant 1.250000e-01 : f32
        %mul3A_554 = vector.broadcast %mul3A_553 : f32 to vector<16xf32>
        %mul3A_555 = arith.mulf %get3A_552, %mul3A_554 : vector<16xf32>
        %add3A_556 = arith.constant 200 : i32
        %add3A_557 = arith.addi %add3A_556, %add3A_498 : i32
        %swap3A_558 = arith.index_cast %add3A_557 : i32 to index
        %swap3A_559 = arith.constant 48 : index
        %swap3A_560 = tpu.vector_load %arg6[%swap3A_558, %swap3A_559] {strides = array<i32>} : memref<800x64xf32, #tpu.memory_space<vmem>>, vector<1x16xf32>,
        %swap3A_561 = vector.shape_cast %swap3A_560 : vector<1x16xf32> to vector<16xf32>
        %swap3A_562 = vector.shape_cast %mul3A_555 : vector<16xf32> to vector<1x16xf32>
        tpu.vector_store %arg6[%swap3A_558, %swap3A_559], %swap3A_562 {strides = array<i32>} : memref<800x64xf32, #tpu.memory_space<vmem>>, vector<1x16xf32>,
        %scan3A_563 = arith.constant 4 : i32
        %scan3A_564 = arith.addi %scan3A_286, %scan3A_563 : i32
        %mul3A_565 = arith.constant 1 : i32
        %mul3A_566 = arith.muli %scan3A_564, %mul3A_565 : i32
        %add3A_567 = arith.constant 0 : i32
        %add3A_568 = arith.addi %add3A_567, %mul3A_566 : i32
        %add3A_569 = arith.constant 200 : i32
        %add3A_570 = arith.addi %add3A_569, %add3A_568 : i32
        %get3A_571 = arith.index_cast %add3A_570 : i32 to index
        %get3A_572 = arith.constant 0 : index
        %get3A_573 = tpu.vector_load %arg6[%get3A_571, %get3A_572] {strides = array<i32>} : memref<800x64xf32, #tpu.memory_space<vmem>>, vector<1x16xf32>,
        %get3A_574 = vector.shape_cast %get3A_573 : vector<1x16xf32> to vector<16xf32>
        %mul3A_575 = arith.constant 1.250000e-01 : f32
        %mul3A_576 = vector.broadcast %mul3A_575 : f32 to vector<16xf32>
        %mul3A_577 = arith.mulf %get3A_574, %mul3A_576 : vector<16xf32>
        %add3A_578 = arith.constant 200 : i32
        %add3A_579 = arith.addi %add3A_578, %add3A_568 : i32
        %swap3A_580 = arith.index_cast %add3A_579 : i32 to index
        %swap3A_581 = arith.constant 0 : index
        %swap3A_582 = tpu.vector_load %arg6[%swap3A_580, %swap3A_581] {strides = array<i32>} : memref<800x64xf32, #tpu.memory_space<vmem>>, vector<1x16xf32>,
        %swap3A_583 = vector.shape_cast %swap3A_582 : vector<1x16xf32> to vector<16xf32>
        %swap3A_584 = vector.shape_cast %mul3A_577 : vector<16xf32> to vector<1x16xf32>
        tpu.vector_store %arg6[%swap3A_580, %swap3A_581], %swap3A_584 {strides = array<i32>} : memref<800x64xf32, #tpu.memory_space<vmem>>, vector<1x16xf32>,
        %add3A_585 = arith.constant 200 : i32
        %add3A_586 = arith.addi %add3A_585, %add3A_568 : i32
        %get3A_587 = arith.index_cast %add3A_586 : i32 to index
        %get3A_588 = arith.constant 16 : index
        %get3A_589 = tpu.vector_load %arg6[%get3A_587, %get3A_588] {strides = array<i32>} : memref<800x64xf32, #tpu.memory_space<vmem>>, vector<1x16xf32>,
        %get3A_590 = vector.shape_cast %get3A_589 : vector<1x16xf32> to vector<16xf32>
        %mul3A_591 = arith.constant 1.250000e-01 : f32
        %mul3A_592 = vector.broadcast %mul3A_591 : f32 to vector<16xf32>
        %mul3A_593 = arith.mulf %get3A_590, %mul3A_592 : vector<16xf32>
        %add3A_594 = arith.constant 200 : i32
        %add3A_595 = arith.addi %add3A_594, %add3A_568 : i32
        %swap3A_596 = arith.index_cast %add3A_595 : i32 to index
        %swap3A_597 = arith.constant 16 : index
        %swap3A_598 = tpu.vector_load %arg6[%swap3A_596, %swap3A_597] {strides = array<i32>} : memref<800x64xf32, #tpu.memory_space<vmem>>, vector<1x16xf32>,
        %swap3A_599 = vector.shape_cast %swap3A_598 : vector<1x16xf32> to vector<16xf32>
        %swap3A_600 = vector.shape_cast %mul3A_593 : vector<16xf32> to vector<1x16xf32>
        tpu.vector_store %arg6[%swap3A_596, %swap3A_597], %swap3A_600 {strides = array<i32>} : memref<800x64xf32, #tpu.memory_space<vmem>>, vector<1x16xf32>,
        %add3A_601 = arith.constant 200 : i32
        %add3A_602 = arith.addi %add3A_601, %add3A_568 : i32
        %get3A_603 = arith.index_cast %add3A_602 : i32 to index
        %get3A_604 = arith.constant 32 : index
        %get3A_605 = tpu.vector_load %arg6[%get3A_603, %get3A_604] {strides = array<i32>} : memref<800x64xf32, #tpu.memory_space<vmem>>, vector<1x16xf32>,
        %get3A_606 = vector.shape_cast %get3A_605 : vector<1x16xf32> to vector<16xf32>
        %mul3A_607 = arith.constant 1.250000e-01 : f32
        %mul3A_608 = vector.broadcast %mul3A_607 : f32 to vector<16xf32>
        %mul3A_609 = arith.mulf %get3A_606, %mul3A_608 : vector<16xf32>
        %add3A_610 = arith.constant 200 : i32
        %add3A_611 = arith.addi %add3A_610, %add3A_568 : i32
        %swap3A_612 = arith.index_cast %add3A_611 : i32 to index
        %swap3A_613 = arith.constant 32 : index
        %swap3A_614 = tpu.vector_load %arg6[%swap3A_612, %swap3A_613] {strides = array<i32>} : memref<800x64xf32, #tpu.memory_space<vmem>>, vector<1x16xf32>,
        %swap3A_615 = vector.shape_cast %swap3A_614 : vector<1x16xf32> to vector<16xf32>
        %swap3A_616 = vector.shape_cast %mul3A_609 : vector<16xf32> to vector<1x16xf32>
        tpu.vector_store %arg6[%swap3A_612, %swap3A_613], %swap3A_616 {strides = array<i32>} : memref<800x64xf32, #tpu.memory_space<vmem>>, vector<1x16xf32>,
        %add3A_617 = arith.constant 200 : i32
        %add3A_618 = arith.addi %add3A_617, %add3A_568 : i32
        %get3A_619 = arith.index_cast %add3A_618 : i32 to index
        %get3A_620 = arith.constant 48 : index
        %get3A_621 = tpu.vector_load %arg6[%get3A_619, %get3A_620] {strides = array<i32>} : memref<800x64xf32, #tpu.memory_space<vmem>>, vector<1x16xf32>,
        %get3A_622 = vector.shape_cast %get3A_621 : vector<1x16xf32> to vector<16xf32>
        %mul3A_623 = arith.constant 1.250000e-01 : f32
        %mul3A_624 = vector.broadcast %mul3A_623 : f32 to vector<16xf32>
        %mul3A_625 = arith.mulf %get3A_622, %mul3A_624 : vector<16xf32>
        %add3A_626 = arith.constant 200 : i32
        %add3A_627 = arith.addi %add3A_626, %add3A_568 : i32
        %swap3A_628 = arith.index_cast %add3A_627 : i32 to index
        %swap3A_629 = arith.constant 48 : index
        %swap3A_630 = tpu.vector_load %arg6[%swap3A_628, %swap3A_629] {strides = array<i32>} : memref<800x64xf32, #tpu.memory_space<vmem>>, vector<1x16xf32>,
        %swap3A_631 = vector.shape_cast %swap3A_630 : vector<1x16xf32> to vector<16xf32>
        %swap3A_632 = vector.shape_cast %mul3A_625 : vector<16xf32> to vector<1x16xf32>
        tpu.vector_store %arg6[%swap3A_628, %swap3A_629], %swap3A_632 {strides = array<i32>} : memref<800x64xf32, #tpu.memory_space<vmem>>, vector<1x16xf32>,
        %scan3A_633 = arith.constant 5 : i32
        %scan3A_634 = arith.addi %scan3A_286, %scan3A_633 : i32
        %mul3A_635 = arith.constant 1 : i32
        %mul3A_636 = arith.muli %scan3A_634, %mul3A_635 : i32
        %add3A_637 = arith.constant 0 : i32
        %add3A_638 = arith.addi %add3A_637, %mul3A_636 : i32
        %add3A_639 = arith.constant 200 : i32
        %add3A_640 = arith.addi %add3A_639, %add3A_638 : i32
        %get3A_641 = arith.index_cast %add3A_640 : i32 to index
        %get3A_642 = arith.constant 0 : index
        %get3A_643 = tpu.vector_load %arg6[%get3A_641, %get3A_642] {strides = array<i32>} : memref<800x64xf32, #tpu.memory_space<vmem>>, vector<1x16xf32>,
        %get3A_644 = vector.shape_cast %get3A_643 : vector<1x16xf32> to vector<16xf32>
        %mul3A_645 = arith.constant 1.250000e-01 : f32
        %mul3A_646 = vector.broadcast %mul3A_645 : f32 to vector<16xf32>
        %mul3A_647 = arith.mulf %get3A_644, %mul3A_646 : vector<16xf32>
        %add3A_648 = arith.constant 200 : i32
        %add3A_649 = arith.addi %add3A_648, %add3A_638 : i32
        %swap3A_650 = arith.index_cast %add3A_649 : i32 to index
        %swap3A_651 = arith.constant 0 : index
        %swap3A_652 = tpu.vector_load %arg6[%swap3A_650, %swap3A_651] {strides = array<i32>} : memref<800x64xf32, #tpu.memory_space<vmem>>, vector<1x16xf32>,
        %swap3A_653 = vector.shape_cast %swap3A_652 : vector<1x16xf32> to vector<16xf32>
        %swap3A_654 = vector.shape_cast %mul3A_647 : vector<16xf32> to vector<1x16xf32>
        tpu.vector_store %arg6[%swap3A_650, %swap3A_651], %swap3A_654 {strides = array<i32>} : memref<800x64xf32, #tpu.memory_space<vmem>>, vector<1x16xf32>,
        %add3A_655 = arith.constant 200 : i32
        %add3A_656 = arith.addi %add3A_655, %add3A_638 : i32
        %get3A_657 = arith.index_cast %add3A_656 : i32 to index
        %get3A_658 = arith.constant 16 : index
        %get3A_659 = tpu.vector_load %arg6[%get3A_657, %get3A_658] {strides = array<i32>} : memref<800x64xf32, #tpu.memory_space<vmem>>, vector<1x16xf32>,
        %get3A_660 = vector.shape_cast %get3A_659 : vector<1x16xf32> to vector<16xf32>
        %mul3A_661 = arith.constant 1.250000e-01 : f32
        %mul3A_662 = vector.broadcast %mul3A_661 : f32 to vector<16xf32>
        %mul3A_663 = arith.mulf %get3A_660, %mul3A_662 : vector<16xf32>
        %add3A_664 = arith.constant 200 : i32
        %add3A_665 = arith.addi %add3A_664, %add3A_638 : i32
        %swap3A_666 = arith.index_cast %add3A_665 : i32 to index
        %swap3A_667 = arith.constant 16 : index
        %swap3A_668 = tpu.vector_load %arg6[%swap3A_666, %swap3A_667] {strides = array<i32>} : memref<800x64xf32, #tpu.memory_space<vmem>>, vector<1x16xf32>,
        %swap3A_669 = vector.shape_cast %swap3A_668 : vector<1x16xf32> to vector<16xf32>
        %swap3A_670 = vector.shape_cast %mul3A_663 : vector<16xf32> to vector<1x16xf32>
        tpu.vector_store %arg6[%swap3A_666, %swap3A_667], %swap3A_670 {strides = array<i32>} : memref<800x64xf32, #tpu.memory_space<vmem>>, vector<1x16xf32>,
        %add3A_671 = arith.constant 200 : i32
        %add3A_672 = arith.addi %add3A_671, %add3A_638 : i32
        %get3A_673 = arith.index_cast %add3A_672 : i32 to index
        %get3A_674 = arith.constant 32 : index
        %get3A_675 = tpu.vector_load %arg6[%get3A_673, %get3A_674] {strides = array<i32>} : memref<800x64xf32, #tpu.memory_space<vmem>>, vector<1x16xf32>,
        %get3A_676 = vector.shape_cast %get3A_675 : vector<1x16xf32> to vector<16xf32>
        %mul3A_677 = arith.constant 1.250000e-01 : f32
        %mul3A_678 = vector.broadcast %mul3A_677 : f32 to vector<16xf32>
        %mul3A_679 = arith.mulf %get3A_676, %mul3A_678 : vector<16xf32>
        %add3A_680 = arith.constant 200 : i32
        %add3A_681 = arith.addi %add3A_680, %add3A_638 : i32
        %swap3A_682 = arith.index_cast %add3A_681 : i32 to index
        %swap3A_683 = arith.constant 32 : index
        %swap3A_684 = tpu.vector_load %arg6[%swap3A_682, %swap3A_683] {strides = array<i32>} : memref<800x64xf32, #tpu.memory_space<vmem>>, vector<1x16xf32>,
        %swap3A_685 = vector.shape_cast %swap3A_684 : vector<1x16xf32> to vector<16xf32>
        %swap3A_686 = vector.shape_cast %mul3A_679 : vector<16xf32> to vector<1x16xf32>
        tpu.vector_store %arg6[%swap3A_682, %swap3A_683], %swap3A_686 {strides = array<i32>} : memref<800x64xf32, #tpu.memory_space<vmem>>, vector<1x16xf32>,
        %add3A_687 = arith.constant 200 : i32
        %add3A_688 = arith.addi %add3A_687, %add3A_638 : i32
        %get3A_689 = arith.index_cast %add3A_688 : i32 to index
        %get3A_690 = arith.constant 48 : index
        %get3A_691 = tpu.vector_load %arg6[%get3A_689, %get3A_690] {strides = array<i32>} : memref<800x64xf32, #tpu.memory_space<vmem>>, vector<1x16xf32>,
        %get3A_692 = vector.shape_cast %get3A_691 : vector<1x16xf32> to vector<16xf32>
        %mul3A_693 = arith.constant 1.250000e-01 : f32
        %mul3A_694 = vector.broadcast %mul3A_693 : f32 to vector<16xf32>
        %mul3A_695 = arith.mulf %get3A_692, %mul3A_694 : vector<16xf32>
        %add3A_696 = arith.constant 200 : i32
        %add3A_697 = arith.addi %add3A_696, %add3A_638 : i32
        %swap3A_698 = arith.index_cast %add3A_697 : i32 to index
        %swap3A_699 = arith.constant 48 : index
        %swap3A_700 = tpu.vector_load %arg6[%swap3A_698, %swap3A_699] {strides = array<i32>} : memref<800x64xf32, #tpu.memory_space<vmem>>, vector<1x16xf32>,
        %swap3A_701 = vector.shape_cast %swap3A_700 : vector<1x16xf32> to vector<16xf32>
        %swap3A_702 = vector.shape_cast %mul3A_695 : vector<16xf32> to vector<1x16xf32>
        tpu.vector_store %arg6[%swap3A_698, %swap3A_699], %swap3A_702 {strides = array<i32>} : memref<800x64xf32, #tpu.memory_space<vmem>>, vector<1x16xf32>,
        %scan3A_703 = arith.constant 6 : i32
        %scan3A_704 = arith.addi %scan3A_286, %scan3A_703 : i32
        %mul3A_705 = arith.constant 1 : i32
        %mul3A_706 = arith.muli %scan3A_704, %mul3A_705 : i32
        %add3A_707 = arith.constant 0 : i32
        %add3A_708 = arith.addi %add3A_707, %mul3A_706 : i32
        %add3A_709 = arith.constant 200 : i32
        %add3A_710 = arith.addi %add3A_709, %add3A_708 : i32
        %get3A_711 = arith.index_cast %add3A_710 : i32 to index
        %get3A_712 = arith.constant 0 : index
        %get3A_713 = tpu.vector_load %arg6[%get3A_711, %get3A_712] {strides = array<i32>} : memref<800x64xf32, #tpu.memory_space<vmem>>, vector<1x16xf32>,
        %get3A_714 = vector.shape_cast %get3A_713 : vector<1x16xf32> to vector<16xf32>
        %mul3A_715 = arith.constant 1.250000e-01 : f32
        %mul3A_716 = vector.broadcast %mul3A_715 : f32 to vector<16xf32>
        %mul3A_717 = arith.mulf %get3A_714, %mul3A_716 : vector<16xf32>
        %add3A_718 = arith.constant 200 : i32
        %add3A_719 = arith.addi %add3A_718, %add3A_708 : i32
        %swap3A_720 = arith.index_cast %add3A_719 : i32 to index
        %swap3A_721 = arith.constant 0 : index
        %swap3A_722 = tpu.vector_load %arg6[%swap3A_720, %swap3A_721] {strides = array<i32>} : memref<800x64xf32, #tpu.memory_space<vmem>>, vector<1x16xf32>,
        %swap3A_723 = vector.shape_cast %swap3A_722 : vector<1x16xf32> to vector<16xf32>
        %swap3A_724 = vector.shape_cast %mul3A_717 : vector<16xf32> to vector<1x16xf32>
        tpu.vector_store %arg6[%swap3A_720, %swap3A_721], %swap3A_724 {strides = array<i32>} : memref<800x64xf32, #tpu.memory_space<vmem>>, vector<1x16xf32>,
        %add3A_725 = arith.constant 200 : i32
        %add3A_726 = arith.addi %add3A_725, %add3A_708 : i32
        %get3A_727 = arith.index_cast %add3A_726 : i32 to index
        %get3A_728 = arith.constant 16 : index
        %get3A_729 = tpu.vector_load %arg6[%get3A_727, %get3A_728] {strides = array<i32>} : memref<800x64xf32, #tpu.memory_space<vmem>>, vector<1x16xf32>,
        %get3A_730 = vector.shape_cast %get3A_729 : vector<1x16xf32> to vector<16xf32>
        %mul3A_731 = arith.constant 1.250000e-01 : f32
        %mul3A_732 = vector.broadcast %mul3A_731 : f32 to vector<16xf32>
        %mul3A_733 = arith.mulf %get3A_730, %mul3A_732 : vector<16xf32>
        %add3A_734 = arith.constant 200 : i32
        %add3A_735 = arith.addi %add3A_734, %add3A_708 : i32
        %swap3A_736 = arith.index_cast %add3A_735 : i32 to index
        %swap3A_737 = arith.constant 16 : index
        %swap3A_738 = tpu.vector_load %arg6[%swap3A_736, %swap3A_737] {strides = array<i32>} : memref<800x64xf32, #tpu.memory_space<vmem>>, vector<1x16xf32>,
        %swap3A_739 = vector.shape_cast %swap3A_738 : vector<1x16xf32> to vector<16xf32>
        %swap3A_740 = vector.shape_cast %mul3A_733 : vector<16xf32> to vector<1x16xf32>
        tpu.vector_store %arg6[%swap3A_736, %swap3A_737], %swap3A_740 {strides = array<i32>} : memref<800x64xf32, #tpu.memory_space<vmem>>, vector<1x16xf32>,
        %add3A_741 = arith.constant 200 : i32
        %add3A_742 = arith.addi %add3A_741, %add3A_708 : i32
        %get3A_743 = arith.index_cast %add3A_742 : i32 to index
        %get3A_744 = arith.constant 32 : index
        %get3A_745 = tpu.vector_load %arg6[%get3A_743, %get3A_744] {strides = array<i32>} : memref<800x64xf32, #tpu.memory_space<vmem>>, vector<1x16xf32>,
        %get3A_746 = vector.shape_cast %get3A_745 : vector<1x16xf32> to vector<16xf32>
        %mul3A_747 = arith.constant 1.250000e-01 : f32
        %mul3A_748 = vector.broadcast %mul3A_747 : f32 to vector<16xf32>
        %mul3A_749 = arith.mulf %get3A_746, %mul3A_748 : vector<16xf32>
        %add3A_750 = arith.constant 200 : i32
        %add3A_751 = arith.addi %add3A_750, %add3A_708 : i32
        %swap3A_752 = arith.index_cast %add3A_751 : i32 to index
        %swap3A_753 = arith.constant 32 : index
        %swap3A_754 = tpu.vector_load %arg6[%swap3A_752, %swap3A_753] {strides = array<i32>} : memref<800x64xf32, #tpu.memory_space<vmem>>, vector<1x16xf32>,
        %swap3A_755 = vector.shape_cast %swap3A_754 : vector<1x16xf32> to vector<16xf32>
        %swap3A_756 = vector.shape_cast %mul3A_749 : vector<16xf32> to vector<1x16xf32>
        tpu.vector_store %arg6[%swap3A_752, %swap3A_753], %swap3A_756 {strides = array<i32>} : memref<800x64xf32, #tpu.memory_space<vmem>>, vector<1x16xf32>,
        %add3A_757 = arith.constant 200 : i32
        %add3A_758 = arith.addi %add3A_757, %add3A_708 : i32
        %get3A_759 = arith.index_cast %add3A_758 : i32 to index
        %get3A_760 = arith.constant 48 : index
        %get3A_761 = tpu.vector_load %arg6[%get3A_759, %get3A_760] {strides = array<i32>} : memref<800x64xf32, #tpu.memory_space<vmem>>, vector<1x16xf32>,
        %get3A_762 = vector.shape_cast %get3A_761 : vector<1x16xf32> to vector<16xf32>
        %mul3A_763 = arith.constant 1.250000e-01 : f32
        %mul3A_764 = vector.broadcast %mul3A_763 : f32 to vector<16xf32>
        %mul3A_765 = arith.mulf %get3A_762, %mul3A_764 : vector<16xf32>
        %add3A_766 = arith.constant 200 : i32
        %add3A_767 = arith.addi %add3A_766, %add3A_708 : i32
        %swap3A_768 = arith.index_cast %add3A_767 : i32 to index
        %swap3A_769 = arith.constant 48 : index
        %swap3A_770 = tpu.vector_load %arg6[%swap3A_768, %swap3A_769] {strides = array<i32>} : memref<800x64xf32, #tpu.memory_space<vmem>>, vector<1x16xf32>,
        %swap3A_771 = vector.shape_cast %swap3A_770 : vector<1x16xf32> to vector<16xf32>
        %swap3A_772 = vector.shape_cast %mul3A_765 : vector<16xf32> to vector<1x16xf32>
        tpu.vector_store %arg6[%swap3A_768, %swap3A_769], %swap3A_772 {strides = array<i32>} : memref<800x64xf32, #tpu.memory_space<vmem>>, vector<1x16xf32>,
        %scan3A_773 = arith.constant 7 : i32
        %scan3A_774 = arith.addi %scan3A_286, %scan3A_773 : i32
        %mul3A_775 = arith.constant 1 : i32
        %mul3A_776 = arith.muli %scan3A_774, %mul3A_775 : i32
        %add3A_777 = arith.constant 0 : i32
        %add3A_778 = arith.addi %add3A_777, %mul3A_776 : i32
        %add3A_779 = arith.constant 200 : i32
        %add3A_780 = arith.addi %add3A_779, %add3A_778 : i32
        %get3A_781 = arith.index_cast %add3A_780 : i32 to index
        %get3A_782 = arith.constant 0 : index
        %get3A_783 = tpu.vector_load %arg6[%get3A_781, %get3A_782] {strides = array<i32>} : memref<800x64xf32, #tpu.memory_space<vmem>>, vector<1x16xf32>,
        %get3A_784 = vector.shape_cast %get3A_783 : vector<1x16xf32> to vector<16xf32>
        %mul3A_785 = arith.constant 1.250000e-01 : f32
        %mul3A_786 = vector.broadcast %mul3A_785 : f32 to vector<16xf32>
        %mul3A_787 = arith.mulf %get3A_784, %mul3A_786 : vector<16xf32>
        %add3A_788 = arith.constant 200 : i32
        %add3A_789 = arith.addi %add3A_788, %add3A_778 : i32
        %swap3A_790 = arith.index_cast %add3A_789 : i32 to index
        %swap3A_791 = arith.constant 0 : index
        %swap3A_792 = tpu.vector_load %arg6[%swap3A_790, %swap3A_791] {strides = array<i32>} : memref<800x64xf32, #tpu.memory_space<vmem>>, vector<1x16xf32>,
        %swap3A_793 = vector.shape_cast %swap3A_792 : vector<1x16xf32> to vector<16xf32>
        %swap3A_794 = vector.shape_cast %mul3A_787 : vector<16xf32> to vector<1x16xf32>
        tpu.vector_store %arg6[%swap3A_790, %swap3A_791], %swap3A_794 {strides = array<i32>} : memref<800x64xf32, #tpu.memory_space<vmem>>, vector<1x16xf32>,
        %add3A_795 = arith.constant 200 : i32
        %add3A_796 = arith.addi %add3A_795, %add3A_778 : i32
        %get3A_797 = arith.index_cast %add3A_796 : i32 to index
        %get3A_798 = arith.constant 16 : index
        %get3A_799 = tpu.vector_load %arg6[%get3A_797, %get3A_798] {strides = array<i32>} : memref<800x64xf32, #tpu.memory_space<vmem>>, vector<1x16xf32>,
        %get3A_800 = vector.shape_cast %get3A_799 : vector<1x16xf32> to vector<16xf32>
        %mul3A_801 = arith.constant 1.250000e-01 : f32
        %mul3A_802 = vector.broadcast %mul3A_801 : f32 to vector<16xf32>
        %mul3A_803 = arith.mulf %get3A_800, %mul3A_802 : vector<16xf32>
        %add3A_804 = arith.constant 200 : i32
        %add3A_805 = arith.addi %add3A_804, %add3A_778 : i32
        %swap3A_806 = arith.index_cast %add3A_805 : i32 to index
        %swap3A_807 = arith.constant 16 : index
        %swap3A_808 = tpu.vector_load %arg6[%swap3A_806, %swap3A_807] {strides = array<i32>} : memref<800x64xf32, #tpu.memory_space<vmem>>, vector<1x16xf32>,
        %swap3A_809 = vector.shape_cast %swap3A_808 : vector<1x16xf32> to vector<16xf32>
        %swap3A_810 = vector.shape_cast %mul3A_803 : vector<16xf32> to vector<1x16xf32>
        tpu.vector_store %arg6[%swap3A_806, %swap3A_807], %swap3A_810 {strides = array<i32>} : memref<800x64xf32, #tpu.memory_space<vmem>>, vector<1x16xf32>,
        %add3A_811 = arith.constant 200 : i32
        %add3A_812 = arith.addi %add3A_811, %add3A_778 : i32
        %get3A_813 = arith.index_cast %add3A_812 : i32 to index
        %get3A_814 = arith.constant 32 : index
        %get3A_815 = tpu.vector_load %arg6[%get3A_813, %get3A_814] {strides = array<i32>} : memref<800x64xf32, #tpu.memory_space<vmem>>, vector<1x16xf32>,
        %get3A_816 = vector.shape_cast %get3A_815 : vector<1x16xf32> to vector<16xf32>
        %mul3A_817 = arith.constant 1.250000e-01 : f32
        %mul3A_818 = vector.broadcast %mul3A_817 : f32 to vector<16xf32>
        %mul3A_819 = arith.mulf %get3A_816, %mul3A_818 : vector<16xf32>
        %add3A_820 = arith.constant 200 : i32
        %add3A_821 = arith.addi %add3A_820, %add3A_778 : i32
        %swap3A_822 = arith.index_cast %add3A_821 : i32 to index
        %swap3A_823 = arith.constant 32 : index
        %swap3A_824 = tpu.vector_load %arg6[%swap3A_822, %swap3A_823] {strides = array<i32>} : memref<800x64xf32, #tpu.memory_space<vmem>>, vector<1x16xf32>,
        %swap3A_825 = vector.shape_cast %swap3A_824 : vector<1x16xf32> to vector<16xf32>
        %swap3A_826 = vector.shape_cast %mul3A_819 : vector<16xf32> to vector<1x16xf32>
        tpu.vector_store %arg6[%swap3A_822, %swap3A_823], %swap3A_826 {strides = array<i32>} : memref<800x64xf32, #tpu.memory_space<vmem>>, vector<1x16xf32>,
        %add3A_827 = arith.constant 200 : i32
        %add3A_828 = arith.addi %add3A_827, %add3A_778 : i32
        %get3A_829 = arith.index_cast %add3A_828 : i32 to index
        %get3A_830 = arith.constant 48 : index
        %get3A_831 = tpu.vector_load %arg6[%get3A_829, %get3A_830] {strides = array<i32>} : memref<800x64xf32, #tpu.memory_space<vmem>>, vector<1x16xf32>,
        %get3A_832 = vector.shape_cast %get3A_831 : vector<1x16xf32> to vector<16xf32>
        %mul3A_833 = arith.constant 1.250000e-01 : f32
        %mul3A_834 = vector.broadcast %mul3A_833 : f32 to vector<16xf32>
        %mul3A_835 = arith.mulf %get3A_832, %mul3A_834 : vector<16xf32>
        %add3A_836 = arith.constant 200 : i32
        %add3A_837 = arith.addi %add3A_836, %add3A_778 : i32
        %swap3A_838 = arith.index_cast %add3A_837 : i32 to index
        %swap3A_839 = arith.constant 48 : index
        %swap3A_840 = tpu.vector_load %arg6[%swap3A_838, %swap3A_839] {strides = array<i32>} : memref<800x64xf32, #tpu.memory_space<vmem>>, vector<1x16xf32>,
        %swap3A_841 = vector.shape_cast %swap3A_840 : vector<1x16xf32> to vector<16xf32>
        %swap3A_842 = vector.shape_cast %mul3A_835 : vector<16xf32> to vector<1x16xf32>
        tpu.vector_store %arg6[%swap3A_838, %swap3A_839], %swap3A_842 {strides = array<i32>} : memref<800x64xf32, #tpu.memory_space<vmem>>, vector<1x16xf32>,
      }
      %scan3A_166 = arith.constant 200 : i32
      %add3A_167 = arith.addi %mul3A_2, %add3A_133 : i32
      %dma_start3A_168 = arith.constant 200 : i32
      %dma_start3A_169 = arith.constant 0 : i32
      %dma_start3A_170 = tpu.memref_slice %arg6[%dma_start3A_168, %dma_start3A_169] : memref<800x64xf32, #tpu.memory_space<vmem>> -> memref<200x64xf32, #tpu.memory_space<vmem>>
      %dma_start3A_171 = arith.constant 0 : i32
      %dma_start3A_172 = arith.constant 0 : i32
      %dma_start3A_173 = tpu.memref_slice %arg4[%add3A_167, %dma_start3A_171, %dma_start3A_172] : memref<16384x200x128xf32, #tpu.memory_space<hbm>> -> memref<1x200x64xf32, #tpu.memory_space<hbm>>
      %dma_start3A_174 = tpu.memref_squeeze %dma_start3A_173 : memref<1x200x64xf32, #tpu.memory_space<hbm>> -> memref<200x64xf32, #tpu.memory_space<hbm>>
      %dma_start3A_175 = arith.constant 0 : i32
      %dma_start3A_176 = arith.constant 0 : i32
      %dma_start3A_177 = tpu.memref_slice %arg4[%add3A_167, %dma_start3A_175, %dma_start3A_176] : memref<16384x200x128xf32, #tpu.memory_space<hbm>> -> memref<1x200x64xf32, #tpu.memory_space<hbm>>
      %dma_start3A_178 = tpu.memref_squeeze %dma_start3A_177 : memref<1x200x64xf32, #tpu.memory_space<hbm>> -> memref<200x64xf32, #tpu.memory_space<hbm>>
      %dma_start3A_179 = arith.constant 200 : i32
      %dma_start3A_180 = arith.constant 0 : i32
      %dma_start3A_181 = tpu.memref_slice %arg6[%dma_start3A_179, %dma_start3A_180] : memref<800x64xf32, #tpu.memory_space<vmem>> -> memref<200x64xf32, #tpu.memory_space<vmem>>
      tpu.enqueue_dma source(%dma_start3A_181 : memref<200x64xf32, #tpu.memory_space<vmem>>) target(%dma_start3A_178 : memref<200x64xf32, #tpu.memory_space<hbm>>) target_semaphore(%arg12 : memref<!tpu.dma_semaphore, #tpu.memory_space<semaphore_mem>>)
      %mul3A_182 = arith.constant 4 : i32
      %mul3A_183 = arith.muli %add3A_81, %mul3A_182 : i32
      %add3A_184 = arith.constant 2 : i32
      %add3A_185 = arith.addi %mul3A_183, %add3A_184 : i32
      %ge3A_186 = arith.constant 2 : i32
      %ge3A_187 = arith.cmpi sge, %add3A_185, %ge3A_186 : i32
      %convert_element_type3A_188 = arith.extui %ge3A_187 : i1 to i32
      %cond3A_189 = arith.constant 0 : i32
      %cond3A_190 = arith.cmpi ne, %convert_element_type3A_188, %cond3A_189 : i32
      scf.if %cond3A_190 {
        %sub3A = arith.constant 2 : i32
        %sub3A_286 = arith.subi %add3A_185, %sub3A : i32
        %add3A_287 = arith.addi %mul3A_2, %sub3A_286 : i32
        %dma_wait3A_288 = arith.constant 0 : i32
        %dma_wait3A_289 = arith.constant 0 : i32
        %dma_wait3A_290 = tpu.memref_slice %arg6[%dma_wait3A_288, %dma_wait3A_289] : memref<800x64xf32, #tpu.memory_space<vmem>> -> memref<200x64xf32, #tpu.memory_space<vmem>>
        %dma_wait3A_291 = arith.constant 0 : i32
        %dma_wait3A_292 = arith.constant 0 : i32
        %dma_wait3A_293 = tpu.memref_slice %arg4[%add3A_287, %dma_wait3A_291, %dma_wait3A_292] : memref<16384x200x128xf32, #tpu.memory_space<hbm>> -> memref<1x200x64xf32, #tpu.memory_space<hbm>>
        %dma_wait3A_294 = tpu.memref_squeeze %dma_wait3A_293 : memref<1x200x64xf32, #tpu.memory_space<hbm>> -> memref<200x64xf32, #tpu.memory_space<hbm>>
        %dma_wait3A_295 = arith.constant 0 : i32
        %dma_wait3A_296 = arith.constant 0 : i32
        %dma_wait3A_297 = tpu.memref_slice %arg4[%add3A_287, %dma_wait3A_295, %dma_wait3A_296] : memref<16384x200x128xf32, #tpu.memory_space<hbm>> -> memref<1x200x64xf32, #tpu.memory_space<hbm>>
        %dma_wait3A_298 = tpu.memref_squeeze %dma_wait3A_297 : memref<1x200x64xf32, #tpu.memory_space<hbm>> -> memref<200x64xf32, #tpu.memory_space<hbm>>
        %dma_wait3A_299 = arith.constant 0 : i32
        %dma_wait3A_300 = arith.constant 0 : i32
        %dma_wait3A_301 = tpu.memref_slice %arg6[%dma_wait3A_299, %dma_wait3A_300] : memref<800x64xf32, #tpu.memory_space<vmem>> -> memref<200x64xf32, #tpu.memory_space<vmem>>
        tpu.wait_dma2 semaphore(%arg11 : memref<!tpu.dma_semaphore, #tpu.memory_space<semaphore_mem>>) src(%dma_wait3A_301 : memref<200x64xf32, #tpu.memory_space<vmem>>) dst(%dma_wait3A_298 : memref<200x64xf32, #tpu.memory_space<hbm>>)
      } else {
      }
      %add3A_191 = arith.constant 2 : i32
      %add3A_192 = arith.addi %add3A_185, %add3A_191 : i32
      %lt3A_193 = arith.constant 512 : i32
      %lt3A_194 = arith.cmpi slt, %add3A_192, %lt3A_193 : i32
      %convert_element_type3A_195 = arith.extui %lt3A_194 : i1 to i32
      %cond3A_196 = arith.constant 0 : i32
      %cond3A_197 = arith.cmpi ne, %convert_element_type3A_195, %cond3A_196 : i32
      scf.if %cond3A_197 {
        %add3A_286 = arith.constant 2 : i32
        %add3A_287 = arith.addi %add3A_185, %add3A_286 : i32
        %add3A_288 = arith.addi %mul3A_2, %add3A_287 : i32
        %mul3A_289 = arith.constant 200 : i32
        %mul3A_290 = arith.muli %add3A_288, %mul3A_289 : i32
        "tpu.region"() ({
          %run_scoped3A = tpu.sem_alloc : memref<!tpu.dma_semaphore, #tpu.memory_space<semaphore_mem>>
          %dma_start3A_307 = arith.constant 0 : i32
          %dma_start3A_308 = tpu.memref_slice %arg5[%dma_start3A_307] : memref<800xi32, #tpu.memory_space<vmem>> -> memref<200xi32, #tpu.memory_space<vmem>>
          %dma_start3A_309 = tpu.memref_slice %arg2[%mul3A_290] : memref<3276800xi32, #tpu.memory_space<hbm>> -> memref<200xi32, #tpu.memory_space<hbm>>
          %dma_start3A_310 = arith.constant 0 : i32
          %dma_start3A_311 = tpu.memref_slice %arg5[%dma_start3A_310] : memref<800xi32, #tpu.memory_space<vmem>> -> memref<200xi32, #tpu.memory_space<vmem>>
          %dma_start3A_312 = tpu.memref_slice %arg2[%mul3A_290] : memref<3276800xi32, #tpu.memory_space<hbm>> -> memref<200xi32, #tpu.memory_space<hbm>>
          tpu.enqueue_dma source(%dma_start3A_312 : memref<200xi32, #tpu.memory_space<hbm>>) target(%dma_start3A_311 : memref<200xi32, #tpu.memory_space<vmem>>) target_semaphore(%run_scoped3A : memref<!tpu.dma_semaphore, #tpu.memory_space<semaphore_mem>>)
          %dma_wait3A_313 = arith.constant 0 : i32
          %dma_wait3A_314 = tpu.memref_slice %arg5[%dma_wait3A_313] : memref<800xi32, #tpu.memory_space<vmem>> -> memref<200xi32, #tpu.memory_space<vmem>>
          %dma_wait3A_315 = tpu.memref_slice %arg2[%mul3A_290] : memref<3276800xi32, #tpu.memory_space<hbm>> -> memref<200xi32, #tpu.memory_space<hbm>>
          %dma_wait3A_316 = arith.constant 0 : i32
          %dma_wait3A_317 = tpu.memref_slice %arg5[%dma_wait3A_316] : memref<800xi32, #tpu.memory_space<vmem>> -> memref<200xi32, #tpu.memory_space<vmem>>
          %dma_wait3A_318 = tpu.memref_slice %arg2[%mul3A_290] : memref<3276800xi32, #tpu.memory_space<hbm>> -> memref<200xi32, #tpu.memory_space<hbm>>
          tpu.wait_dma2 semaphore(%run_scoped3A : memref<!tpu.dma_semaphore, #tpu.memory_space<semaphore_mem>>) src(%dma_wait3A_318 : memref<200xi32, #tpu.memory_space<hbm>>) dst(%dma_wait3A_317 : memref<200xi32, #tpu.memory_space<vmem>>)
          tpu.yield
        }) : () -> ()
        %dma_start3A_291 = arith.constant 0 : i32
        %dma_start3A_292 = arith.constant 0 : i32
        %dma_start3A_293 = tpu.memref_slice %arg6[%dma_start3A_291, %dma_start3A_292] : memref<800x64xf32, #tpu.memory_space<vmem>> -> memref<128x64xf32, #tpu.memory_space<vmem>>
        %dma_start3A_294 = arith.constant 0 : i32
        %dma_start3A_295 = tpu.memref_slice %arg5[%dma_start3A_294] : memref<800xi32, #tpu.memory_space<vmem>> -> memref<128xi32, #tpu.memory_space<vmem>>
        %dma_start3A_296 = arith.constant 0 : i32
        %dma_start3A_297 = arith.constant 0 : i32
        %dma_start3A_298 = tpu.memref_slice %arg3[%dma_start3A_296, %dma_start3A_297] : memref<1000000x64xf32, #tpu.memory_space<hbm>> -> memref<1000000x64xf32, #tpu.memory_space<hbm>>
        tpu.enqueue_indirect_dma source(%dma_start3A_298 : memref<1000000x64xf32, #tpu.memory_space<hbm>>) target(%dma_start3A_293 : memref<128x64xf32, #tpu.memory_space<vmem>>) offsets(%dma_start3A_295 : memref<128xi32, #tpu.memory_space<vmem>>) semaphore(%arg7 : memref<!tpu.dma_semaphore, #tpu.memory_space<semaphore_mem>>)
        %dma_start3A_299 = arith.constant 128 : i32
        %dma_start3A_300 = arith.constant 0 : i32
        %dma_start3A_301 = tpu.memref_slice %arg6[%dma_start3A_299, %dma_start3A_300] : memref<800x64xf32, #tpu.memory_space<vmem>> -> memref<72x64xf32, #tpu.memory_space<vmem>>
        %dma_start3A_302 = arith.constant 128 : i32
        %dma_start3A_303 = tpu.memref_slice %arg5[%dma_start3A_302] : memref<800xi32, #tpu.memory_space<vmem>> -> memref<72xi32, #tpu.memory_space<vmem>>
        %dma_start3A_304 = arith.constant 0 : i32
        %dma_start3A_305 = arith.constant 0 : i32
        %dma_start3A_306 = tpu.memref_slice %arg3[%dma_start3A_304, %dma_start3A_305] : memref<1000000x64xf32, #tpu.memory_space<hbm>> -> memref<1000000x64xf32, #tpu.memory_space<hbm>>
        tpu.enqueue_indirect_dma source(%dma_start3A_306 : memref<1000000x64xf32, #tpu.memory_space<hbm>>) target(%dma_start3A_301 : memref<72x64xf32, #tpu.memory_space<vmem>>) offsets(%dma_start3A_303 : memref<72xi32, #tpu.memory_space<vmem>>) semaphore(%arg7 : memref<!tpu.dma_semaphore, #tpu.memory_space<semaphore_mem>>)
      } else {
      }
      %dma_wait3A_198 = arith.constant 400 : i32
      %dma_wait3A_199 = arith.constant 0 : i32
      %dma_wait3A_200 = tpu.memref_slice %arg6[%dma_wait3A_198, %dma_wait3A_199] : memref<800x64xf32, #tpu.memory_space<vmem>> -> memref<128x64xf32, #tpu.memory_space<vmem>>
      %dma_wait3A_201 = arith.constant 400 : i32
      %dma_wait3A_202 = tpu.memref_slice %arg5[%dma_wait3A_201] : memref<800xi32, #tpu.memory_space<vmem>> -> memref<128xi32, #tpu.memory_space<vmem>>
      %dma_wait3A_203 = arith.constant 0 : i32
      %dma_wait3A_204 = arith.constant 0 : i32
      %dma_wait3A_205 = tpu.memref_slice %arg3[%dma_wait3A_203, %dma_wait3A_204] : memref<1000000x64xf32, #tpu.memory_space<hbm>> -> memref<1000000x64xf32, #tpu.memory_space<hbm>>
      tpu.wait_indirect_dma semaphore(%arg9 : memref<!tpu.dma_semaphore, #tpu.memory_space<semaphore_mem>>) src(%dma_wait3A_205 : memref<1000000x64xf32, #tpu.memory_space<hbm>>) dst(%dma_wait3A_200 : memref<128x64xf32, #tpu.memory_space<vmem>>)
      %dma_wait3A_206 = arith.constant 528 : i32
      %dma_wait3A_207 = arith.constant 0 : i32
      %dma_wait3A_208 = tpu.memref_slice %arg6[%dma_wait3A_206, %dma_wait3A_207] : memref<800x64xf32, #tpu.memory_space<vmem>> -> memref<72x64xf32, #tpu.memory_space<vmem>>
      %dma_wait3A_209 = arith.constant 528 : i32
      %dma_wait3A_210 = tpu.memref_slice %arg5[%dma_wait3A_209] : memref<800xi32, #tpu.memory_space<vmem>> -> memref<72xi32, #tpu.memory_space<vmem>>
      %dma_wait3A_211 = arith.constant 0 : i32
      %dma_wait3A_212 = arith.constant 0 : i32
      %dma_wait3A_213 = tpu.memref_slice %arg3[%dma_wait3A_211, %dma_wait3A_212] : memref<1000000x64xf32, #tpu.memory_space<hbm>> -> memref<1000000x64xf32, #tpu.memory_space<hbm>>
      tpu.wait_indirect_dma semaphore(%arg9 : memref<!tpu.dma_semaphore, #tpu.memory_space<semaphore_mem>>) src(%dma_wait3A_213 : memref<1000000x64xf32, #tpu.memory_space<hbm>>) dst(%dma_wait3A_208 : memref<72x64xf32, #tpu.memory_space<vmem>>)
      %scan3A_214 = arith.constant 0 : i32
      %scan3A_215 = arith.constant 200 : i32
      %scan3A_216 = arith.addi %scan3A_214, %scan3A_215 : i32
      %scan3A_217 = arith.constant 8 : i32
      scf.for %scan3A_286 = %scan3A_214 to %scan3A_216 step %scan3A_217  : i32 {
        %mul3A_287 = arith.constant 1 : i32
        %mul3A_288 = arith.muli %scan3A_286, %mul3A_287 : i32
        %add3A_289 = arith.constant 0 : i32
        %add3A_290 = arith.addi %add3A_289, %mul3A_288 : i32
        %add3A_291 = arith.constant 400 : i32
        %add3A_292 = arith.addi %add3A_291, %add3A_290 : i32
        %get3A = arith.index_cast %add3A_292 : i32 to index
        %get3A_293 = arith.constant 0 : index
        %get3A_294 = tpu.vector_load %arg6[%get3A, %get3A_293] {strides = array<i32>} : memref<800x64xf32, #tpu.memory_space<vmem>>, vector<1x16xf32>,
        %get3A_295 = vector.shape_cast %get3A_294 : vector<1x16xf32> to vector<16xf32>
        %mul3A_296 = arith.constant 1.250000e-01 : f32
        %mul3A_297 = vector.broadcast %mul3A_296 : f32 to vector<16xf32>
        %mul3A_298 = arith.mulf %get3A_295, %mul3A_297 : vector<16xf32>
        %add3A_299 = arith.constant 400 : i32
        %add3A_300 = arith.addi %add3A_299, %add3A_290 : i32
        %swap3A = arith.index_cast %add3A_300 : i32 to index
        %swap3A_301 = arith.constant 0 : index
        %swap3A_302 = tpu.vector_load %arg6[%swap3A, %swap3A_301] {strides = array<i32>} : memref<800x64xf32, #tpu.memory_space<vmem>>, vector<1x16xf32>,
        %swap3A_303 = vector.shape_cast %swap3A_302 : vector<1x16xf32> to vector<16xf32>
        %swap3A_304 = vector.shape_cast %mul3A_298 : vector<16xf32> to vector<1x16xf32>
        tpu.vector_store %arg6[%swap3A, %swap3A_301], %swap3A_304 {strides = array<i32>} : memref<800x64xf32, #tpu.memory_space<vmem>>, vector<1x16xf32>,
        %add3A_305 = arith.constant 400 : i32
        %add3A_306 = arith.addi %add3A_305, %add3A_290 : i32
        %get3A_307 = arith.index_cast %add3A_306 : i32 to index
        %get3A_308 = arith.constant 16 : index
        %get3A_309 = tpu.vector_load %arg6[%get3A_307, %get3A_308] {strides = array<i32>} : memref<800x64xf32, #tpu.memory_space<vmem>>, vector<1x16xf32>,
        %get3A_310 = vector.shape_cast %get3A_309 : vector<1x16xf32> to vector<16xf32>
        %mul3A_311 = arith.constant 1.250000e-01 : f32
        %mul3A_312 = vector.broadcast %mul3A_311 : f32 to vector<16xf32>
        %mul3A_313 = arith.mulf %get3A_310, %mul3A_312 : vector<16xf32>
        %add3A_314 = arith.constant 400 : i32
        %add3A_315 = arith.addi %add3A_314, %add3A_290 : i32
        %swap3A_316 = arith.index_cast %add3A_315 : i32 to index
        %swap3A_317 = arith.constant 16 : index
        %swap3A_318 = tpu.vector_load %arg6[%swap3A_316, %swap3A_317] {strides = array<i32>} : memref<800x64xf32, #tpu.memory_space<vmem>>, vector<1x16xf32>,
        %swap3A_319 = vector.shape_cast %swap3A_318 : vector<1x16xf32> to vector<16xf32>
        %swap3A_320 = vector.shape_cast %mul3A_313 : vector<16xf32> to vector<1x16xf32>
        tpu.vector_store %arg6[%swap3A_316, %swap3A_317], %swap3A_320 {strides = array<i32>} : memref<800x64xf32, #tpu.memory_space<vmem>>, vector<1x16xf32>,
        %add3A_321 = arith.constant 400 : i32
        %add3A_322 = arith.addi %add3A_321, %add3A_290 : i32
        %get3A_323 = arith.index_cast %add3A_322 : i32 to index
        %get3A_324 = arith.constant 32 : index
        %get3A_325 = tpu.vector_load %arg6[%get3A_323, %get3A_324] {strides = array<i32>} : memref<800x64xf32, #tpu.memory_space<vmem>>, vector<1x16xf32>,
        %get3A_326 = vector.shape_cast %get3A_325 : vector<1x16xf32> to vector<16xf32>
        %mul3A_327 = arith.constant 1.250000e-01 : f32
        %mul3A_328 = vector.broadcast %mul3A_327 : f32 to vector<16xf32>
        %mul3A_329 = arith.mulf %get3A_326, %mul3A_328 : vector<16xf32>
        %add3A_330 = arith.constant 400 : i32
        %add3A_331 = arith.addi %add3A_330, %add3A_290 : i32
        %swap3A_332 = arith.index_cast %add3A_331 : i32 to index
        %swap3A_333 = arith.constant 32 : index
        %swap3A_334 = tpu.vector_load %arg6[%swap3A_332, %swap3A_333] {strides = array<i32>} : memref<800x64xf32, #tpu.memory_space<vmem>>, vector<1x16xf32>,
        %swap3A_335 = vector.shape_cast %swap3A_334 : vector<1x16xf32> to vector<16xf32>
        %swap3A_336 = vector.shape_cast %mul3A_329 : vector<16xf32> to vector<1x16xf32>
        tpu.vector_store %arg6[%swap3A_332, %swap3A_333], %swap3A_336 {strides = array<i32>} : memref<800x64xf32, #tpu.memory_space<vmem>>, vector<1x16xf32>,
        %add3A_337 = arith.constant 400 : i32
        %add3A_338 = arith.addi %add3A_337, %add3A_290 : i32
        %get3A_339 = arith.index_cast %add3A_338 : i32 to index
        %get3A_340 = arith.constant 48 : index
        %get3A_341 = tpu.vector_load %arg6[%get3A_339, %get3A_340] {strides = array<i32>} : memref<800x64xf32, #tpu.memory_space<vmem>>, vector<1x16xf32>,
        %get3A_342 = vector.shape_cast %get3A_341 : vector<1x16xf32> to vector<16xf32>
        %mul3A_343 = arith.constant 1.250000e-01 : f32
        %mul3A_344 = vector.broadcast %mul3A_343 : f32 to vector<16xf32>
        %mul3A_345 = arith.mulf %get3A_342, %mul3A_344 : vector<16xf32>
        %add3A_346 = arith.constant 400 : i32
        %add3A_347 = arith.addi %add3A_346, %add3A_290 : i32
        %swap3A_348 = arith.index_cast %add3A_347 : i32 to index
        %swap3A_349 = arith.constant 48 : index
        %swap3A_350 = tpu.vector_load %arg6[%swap3A_348, %swap3A_349] {strides = array<i32>} : memref<800x64xf32, #tpu.memory_space<vmem>>, vector<1x16xf32>,
        %swap3A_351 = vector.shape_cast %swap3A_350 : vector<1x16xf32> to vector<16xf32>
        %swap3A_352 = vector.shape_cast %mul3A_345 : vector<16xf32> to vector<1x16xf32>
        tpu.vector_store %arg6[%swap3A_348, %swap3A_349], %swap3A_352 {strides = array<i32>} : memref<800x64xf32, #tpu.memory_space<vmem>>, vector<1x16xf32>,
        %scan3A_353 = arith.constant 1 : i32
        %scan3A_354 = arith.addi %scan3A_286, %scan3A_353 : i32
        %mul3A_355 = arith.constant 1 : i32
        %mul3A_356 = arith.muli %scan3A_354, %mul3A_355 : i32
        %add3A_357 = arith.constant 0 : i32
        %add3A_358 = arith.addi %add3A_357, %mul3A_356 : i32
        %add3A_359 = arith.constant 400 : i32
        %add3A_360 = arith.addi %add3A_359, %add3A_358 : i32
        %get3A_361 = arith.index_cast %add3A_360 : i32 to index
        %get3A_362 = arith.constant 0 : index
        %get3A_363 = tpu.vector_load %arg6[%get3A_361, %get3A_362] {strides = array<i32>} : memref<800x64xf32, #tpu.memory_space<vmem>>, vector<1x16xf32>,
        %get3A_364 = vector.shape_cast %get3A_363 : vector<1x16xf32> to vector<16xf32>
        %mul3A_365 = arith.constant 1.250000e-01 : f32
        %mul3A_366 = vector.broadcast %mul3A_365 : f32 to vector<16xf32>
        %mul3A_367 = arith.mulf %get3A_364, %mul3A_366 : vector<16xf32>
        %add3A_368 = arith.constant 400 : i32
        %add3A_369 = arith.addi %add3A_368, %add3A_358 : i32
        %swap3A_370 = arith.index_cast %add3A_369 : i32 to index
        %swap3A_371 = arith.constant 0 : index
        %swap3A_372 = tpu.vector_load %arg6[%swap3A_370, %swap3A_371] {strides = array<i32>} : memref<800x64xf32, #tpu.memory_space<vmem>>, vector<1x16xf32>,
        %swap3A_373 = vector.shape_cast %swap3A_372 : vector<1x16xf32> to vector<16xf32>
        %swap3A_374 = vector.shape_cast %mul3A_367 : vector<16xf32> to vector<1x16xf32>
        tpu.vector_store %arg6[%swap3A_370, %swap3A_371], %swap3A_374 {strides = array<i32>} : memref<800x64xf32, #tpu.memory_space<vmem>>, vector<1x16xf32>,
        %add3A_375 = arith.constant 400 : i32
        %add3A_376 = arith.addi %add3A_375, %add3A_358 : i32
        %get3A_377 = arith.index_cast %add3A_376 : i32 to index
        %get3A_378 = arith.constant 16 : index
        %get3A_379 = tpu.vector_load %arg6[%get3A_377, %get3A_378] {strides = array<i32>} : memref<800x64xf32, #tpu.memory_space<vmem>>, vector<1x16xf32>,
        %get3A_380 = vector.shape_cast %get3A_379 : vector<1x16xf32> to vector<16xf32>
        %mul3A_381 = arith.constant 1.250000e-01 : f32
        %mul3A_382 = vector.broadcast %mul3A_381 : f32 to vector<16xf32>
        %mul3A_383 = arith.mulf %get3A_380, %mul3A_382 : vector<16xf32>
        %add3A_384 = arith.constant 400 : i32
        %add3A_385 = arith.addi %add3A_384, %add3A_358 : i32
        %swap3A_386 = arith.index_cast %add3A_385 : i32 to index
        %swap3A_387 = arith.constant 16 : index
        %swap3A_388 = tpu.vector_load %arg6[%swap3A_386, %swap3A_387] {strides = array<i32>} : memref<800x64xf32, #tpu.memory_space<vmem>>, vector<1x16xf32>,
        %swap3A_389 = vector.shape_cast %swap3A_388 : vector<1x16xf32> to vector<16xf32>
        %swap3A_390 = vector.shape_cast %mul3A_383 : vector<16xf32> to vector<1x16xf32>
        tpu.vector_store %arg6[%swap3A_386, %swap3A_387], %swap3A_390 {strides = array<i32>} : memref<800x64xf32, #tpu.memory_space<vmem>>, vector<1x16xf32>,
        %add3A_391 = arith.constant 400 : i32
        %add3A_392 = arith.addi %add3A_391, %add3A_358 : i32
        %get3A_393 = arith.index_cast %add3A_392 : i32 to index
        %get3A_394 = arith.constant 32 : index
        %get3A_395 = tpu.vector_load %arg6[%get3A_393, %get3A_394] {strides = array<i32>} : memref<800x64xf32, #tpu.memory_space<vmem>>, vector<1x16xf32>,
        %get3A_396 = vector.shape_cast %get3A_395 : vector<1x16xf32> to vector<16xf32>
        %mul3A_397 = arith.constant 1.250000e-01 : f32
        %mul3A_398 = vector.broadcast %mul3A_397 : f32 to vector<16xf32>
        %mul3A_399 = arith.mulf %get3A_396, %mul3A_398 : vector<16xf32>
        %add3A_400 = arith.constant 400 : i32
        %add3A_401 = arith.addi %add3A_400, %add3A_358 : i32
        %swap3A_402 = arith.index_cast %add3A_401 : i32 to index
        %swap3A_403 = arith.constant 32 : index
        %swap3A_404 = tpu.vector_load %arg6[%swap3A_402, %swap3A_403] {strides = array<i32>} : memref<800x64xf32, #tpu.memory_space<vmem>>, vector<1x16xf32>,
        %swap3A_405 = vector.shape_cast %swap3A_404 : vector<1x16xf32> to vector<16xf32>
        %swap3A_406 = vector.shape_cast %mul3A_399 : vector<16xf32> to vector<1x16xf32>
        tpu.vector_store %arg6[%swap3A_402, %swap3A_403], %swap3A_406 {strides = array<i32>} : memref<800x64xf32, #tpu.memory_space<vmem>>, vector<1x16xf32>,
        %add3A_407 = arith.constant 400 : i32
        %add3A_408 = arith.addi %add3A_407, %add3A_358 : i32
        %get3A_409 = arith.index_cast %add3A_408 : i32 to index
        %get3A_410 = arith.constant 48 : index
        %get3A_411 = tpu.vector_load %arg6[%get3A_409, %get3A_410] {strides = array<i32>} : memref<800x64xf32, #tpu.memory_space<vmem>>, vector<1x16xf32>,
        %get3A_412 = vector.shape_cast %get3A_411 : vector<1x16xf32> to vector<16xf32>
        %mul3A_413 = arith.constant 1.250000e-01 : f32
        %mul3A_414 = vector.broadcast %mul3A_413 : f32 to vector<16xf32>
        %mul3A_415 = arith.mulf %get3A_412, %mul3A_414 : vector<16xf32>
        %add3A_416 = arith.constant 400 : i32
        %add3A_417 = arith.addi %add3A_416, %add3A_358 : i32
        %swap3A_418 = arith.index_cast %add3A_417 : i32 to index
        %swap3A_419 = arith.constant 48 : index
        %swap3A_420 = tpu.vector_load %arg6[%swap3A_418, %swap3A_419] {strides = array<i32>} : memref<800x64xf32, #tpu.memory_space<vmem>>, vector<1x16xf32>,
        %swap3A_421 = vector.shape_cast %swap3A_420 : vector<1x16xf32> to vector<16xf32>
        %swap3A_422 = vector.shape_cast %mul3A_415 : vector<16xf32> to vector<1x16xf32>
        tpu.vector_store %arg6[%swap3A_418, %swap3A_419], %swap3A_422 {strides = array<i32>} : memref<800x64xf32, #tpu.memory_space<vmem>>, vector<1x16xf32>,
        %scan3A_423 = arith.constant 2 : i32
        %scan3A_424 = arith.addi %scan3A_286, %scan3A_423 : i32
        %mul3A_425 = arith.constant 1 : i32
        %mul3A_426 = arith.muli %scan3A_424, %mul3A_425 : i32
        %add3A_427 = arith.constant 0 : i32
        %add3A_428 = arith.addi %add3A_427, %mul3A_426 : i32
        %add3A_429 = arith.constant 400 : i32
        %add3A_430 = arith.addi %add3A_429, %add3A_428 : i32
        %get3A_431 = arith.index_cast %add3A_430 : i32 to index
        %get3A_432 = arith.constant 0 : index
        %get3A_433 = tpu.vector_load %arg6[%get3A_431, %get3A_432] {strides = array<i32>} : memref<800x64xf32, #tpu.memory_space<vmem>>, vector<1x16xf32>,
        %get3A_434 = vector.shape_cast %get3A_433 : vector<1x16xf32> to vector<16xf32>
        %mul3A_435 = arith.constant 1.250000e-01 : f32
        %mul3A_436 = vector.broadcast %mul3A_435 : f32 to vector<16xf32>
        %mul3A_437 = arith.mulf %get3A_434, %mul3A_436 : vector<16xf32>
        %add3A_438 = arith.constant 400 : i32
        %add3A_439 = arith.addi %add3A_438, %add3A_428 : i32
        %swap3A_440 = arith.index_cast %add3A_439 : i32 to index
        %swap3A_441 = arith.constant 0 : index
        %swap3A_442 = tpu.vector_load %arg6[%swap3A_440, %swap3A_441] {strides = array<i32>} : memref<800x64xf32, #tpu.memory_space<vmem>>, vector<1x16xf32>,
        %swap3A_443 = vector.shape_cast %swap3A_442 : vector<1x16xf32> to vector<16xf32>
        %swap3A_444 = vector.shape_cast %mul3A_437 : vector<16xf32> to vector<1x16xf32>
        tpu.vector_store %arg6[%swap3A_440, %swap3A_441], %swap3A_444 {strides = array<i32>} : memref<800x64xf32, #tpu.memory_space<vmem>>, vector<1x16xf32>,
        %add3A_445 = arith.constant 400 : i32
        %add3A_446 = arith.addi %add3A_445, %add3A_428 : i32
        %get3A_447 = arith.index_cast %add3A_446 : i32 to index
        %get3A_448 = arith.constant 16 : index
        %get3A_449 = tpu.vector_load %arg6[%get3A_447, %get3A_448] {strides = array<i32>} : memref<800x64xf32, #tpu.memory_space<vmem>>, vector<1x16xf32>,
        %get3A_450 = vector.shape_cast %get3A_449 : vector<1x16xf32> to vector<16xf32>
        %mul3A_451 = arith.constant 1.250000e-01 : f32
        %mul3A_452 = vector.broadcast %mul3A_451 : f32 to vector<16xf32>
        %mul3A_453 = arith.mulf %get3A_450, %mul3A_452 : vector<16xf32>
        %add3A_454 = arith.constant 400 : i32
        %add3A_455 = arith.addi %add3A_454, %add3A_428 : i32
        %swap3A_456 = arith.index_cast %add3A_455 : i32 to index
        %swap3A_457 = arith.constant 16 : index
        %swap3A_458 = tpu.vector_load %arg6[%swap3A_456, %swap3A_457] {strides = array<i32>} : memref<800x64xf32, #tpu.memory_space<vmem>>, vector<1x16xf32>,
        %swap3A_459 = vector.shape_cast %swap3A_458 : vector<1x16xf32> to vector<16xf32>
        %swap3A_460 = vector.shape_cast %mul3A_453 : vector<16xf32> to vector<1x16xf32>
        tpu.vector_store %arg6[%swap3A_456, %swap3A_457], %swap3A_460 {strides = array<i32>} : memref<800x64xf32, #tpu.memory_space<vmem>>, vector<1x16xf32>,
        %add3A_461 = arith.constant 400 : i32
        %add3A_462 = arith.addi %add3A_461, %add3A_428 : i32
        %get3A_463 = arith.index_cast %add3A_462 : i32 to index
        %get3A_464 = arith.constant 32 : index
        %get3A_465 = tpu.vector_load %arg6[%get3A_463, %get3A_464] {strides = array<i32>} : memref<800x64xf32, #tpu.memory_space<vmem>>, vector<1x16xf32>,
        %get3A_466 = vector.shape_cast %get3A_465 : vector<1x16xf32> to vector<16xf32>
        %mul3A_467 = arith.constant 1.250000e-01 : f32
        %mul3A_468 = vector.broadcast %mul3A_467 : f32 to vector<16xf32>
        %mul3A_469 = arith.mulf %get3A_466, %mul3A_468 : vector<16xf32>
        %add3A_470 = arith.constant 400 : i32
        %add3A_471 = arith.addi %add3A_470, %add3A_428 : i32
        %swap3A_472 = arith.index_cast %add3A_471 : i32 to index
        %swap3A_473 = arith.constant 32 : index
        %swap3A_474 = tpu.vector_load %arg6[%swap3A_472, %swap3A_473] {strides = array<i32>} : memref<800x64xf32, #tpu.memory_space<vmem>>, vector<1x16xf32>,
        %swap3A_475 = vector.shape_cast %swap3A_474 : vector<1x16xf32> to vector<16xf32>
        %swap3A_476 = vector.shape_cast %mul3A_469 : vector<16xf32> to vector<1x16xf32>
        tpu.vector_store %arg6[%swap3A_472, %swap3A_473], %swap3A_476 {strides = array<i32>} : memref<800x64xf32, #tpu.memory_space<vmem>>, vector<1x16xf32>,
        %add3A_477 = arith.constant 400 : i32
        %add3A_478 = arith.addi %add3A_477, %add3A_428 : i32
        %get3A_479 = arith.index_cast %add3A_478 : i32 to index
        %get3A_480 = arith.constant 48 : index
        %get3A_481 = tpu.vector_load %arg6[%get3A_479, %get3A_480] {strides = array<i32>} : memref<800x64xf32, #tpu.memory_space<vmem>>, vector<1x16xf32>,
        %get3A_482 = vector.shape_cast %get3A_481 : vector<1x16xf32> to vector<16xf32>
        %mul3A_483 = arith.constant 1.250000e-01 : f32
        %mul3A_484 = vector.broadcast %mul3A_483 : f32 to vector<16xf32>
        %mul3A_485 = arith.mulf %get3A_482, %mul3A_484 : vector<16xf32>
        %add3A_486 = arith.constant 400 : i32
        %add3A_487 = arith.addi %add3A_486, %add3A_428 : i32
        %swap3A_488 = arith.index_cast %add3A_487 : i32 to index
        %swap3A_489 = arith.constant 48 : index
        %swap3A_490 = tpu.vector_load %arg6[%swap3A_488, %swap3A_489] {strides = array<i32>} : memref<800x64xf32, #tpu.memory_space<vmem>>, vector<1x16xf32>,
        %swap3A_491 = vector.shape_cast %swap3A_490 : vector<1x16xf32> to vector<16xf32>
        %swap3A_492 = vector.shape_cast %mul3A_485 : vector<16xf32> to vector<1x16xf32>
        tpu.vector_store %arg6[%swap3A_488, %swap3A_489], %swap3A_492 {strides = array<i32>} : memref<800x64xf32, #tpu.memory_space<vmem>>, vector<1x16xf32>,
        %scan3A_493 = arith.constant 3 : i32
        %scan3A_494 = arith.addi %scan3A_286, %scan3A_493 : i32
        %mul3A_495 = arith.constant 1 : i32
        %mul3A_496 = arith.muli %scan3A_494, %mul3A_495 : i32
        %add3A_497 = arith.constant 0 : i32
        %add3A_498 = arith.addi %add3A_497, %mul3A_496 : i32
        %add3A_499 = arith.constant 400 : i32
        %add3A_500 = arith.addi %add3A_499, %add3A_498 : i32
        %get3A_501 = arith.index_cast %add3A_500 : i32 to index
        %get3A_502 = arith.constant 0 : index
        %get3A_503 = tpu.vector_load %arg6[%get3A_501, %get3A_502] {strides = array<i32>} : memref<800x64xf32, #tpu.memory_space<vmem>>, vector<1x16xf32>,
        %get3A_504 = vector.shape_cast %get3A_503 : vector<1x16xf32> to vector<16xf32>
        %mul3A_505 = arith.constant 1.250000e-01 : f32
        %mul3A_506 = vector.broadcast %mul3A_505 : f32 to vector<16xf32>
        %mul3A_507 = arith.mulf %get3A_504, %mul3A_506 : vector<16xf32>
        %add3A_508 = arith.constant 400 : i32
        %add3A_509 = arith.addi %add3A_508, %add3A_498 : i32
        %swap3A_510 = arith.index_cast %add3A_509 : i32 to index
        %swap3A_511 = arith.constant 0 : index
        %swap3A_512 = tpu.vector_load %arg6[%swap3A_510, %swap3A_511] {strides = array<i32>} : memref<800x64xf32, #tpu.memory_space<vmem>>, vector<1x16xf32>,
        %swap3A_513 = vector.shape_cast %swap3A_512 : vector<1x16xf32> to vector<16xf32>
        %swap3A_514 = vector.shape_cast %mul3A_507 : vector<16xf32> to vector<1x16xf32>
        tpu.vector_store %arg6[%swap3A_510, %swap3A_511], %swap3A_514 {strides = array<i32>} : memref<800x64xf32, #tpu.memory_space<vmem>>, vector<1x16xf32>,
        %add3A_515 = arith.constant 400 : i32
        %add3A_516 = arith.addi %add3A_515, %add3A_498 : i32
        %get3A_517 = arith.index_cast %add3A_516 : i32 to index
        %get3A_518 = arith.constant 16 : index
        %get3A_519 = tpu.vector_load %arg6[%get3A_517, %get3A_518] {strides = array<i32>} : memref<800x64xf32, #tpu.memory_space<vmem>>, vector<1x16xf32>,
        %get3A_520 = vector.shape_cast %get3A_519 : vector<1x16xf32> to vector<16xf32>
        %mul3A_521 = arith.constant 1.250000e-01 : f32
        %mul3A_522 = vector.broadcast %mul3A_521 : f32 to vector<16xf32>
        %mul3A_523 = arith.mulf %get3A_520, %mul3A_522 : vector<16xf32>
        %add3A_524 = arith.constant 400 : i32
        %add3A_525 = arith.addi %add3A_524, %add3A_498 : i32
        %swap3A_526 = arith.index_cast %add3A_525 : i32 to index
        %swap3A_527 = arith.constant 16 : index
        %swap3A_528 = tpu.vector_load %arg6[%swap3A_526, %swap3A_527] {strides = array<i32>} : memref<800x64xf32, #tpu.memory_space<vmem>>, vector<1x16xf32>,
        %swap3A_529 = vector.shape_cast %swap3A_528 : vector<1x16xf32> to vector<16xf32>
        %swap3A_530 = vector.shape_cast %mul3A_523 : vector<16xf32> to vector<1x16xf32>
        tpu.vector_store %arg6[%swap3A_526, %swap3A_527], %swap3A_530 {strides = array<i32>} : memref<800x64xf32, #tpu.memory_space<vmem>>, vector<1x16xf32>,
        %add3A_531 = arith.constant 400 : i32
        %add3A_532 = arith.addi %add3A_531, %add3A_498 : i32
        %get3A_533 = arith.index_cast %add3A_532 : i32 to index
        %get3A_534 = arith.constant 32 : index
        %get3A_535 = tpu.vector_load %arg6[%get3A_533, %get3A_534] {strides = array<i32>} : memref<800x64xf32, #tpu.memory_space<vmem>>, vector<1x16xf32>,
        %get3A_536 = vector.shape_cast %get3A_535 : vector<1x16xf32> to vector<16xf32>
        %mul3A_537 = arith.constant 1.250000e-01 : f32
        %mul3A_538 = vector.broadcast %mul3A_537 : f32 to vector<16xf32>
        %mul3A_539 = arith.mulf %get3A_536, %mul3A_538 : vector<16xf32>
        %add3A_540 = arith.constant 400 : i32
        %add3A_541 = arith.addi %add3A_540, %add3A_498 : i32
        %swap3A_542 = arith.index_cast %add3A_541 : i32 to index
        %swap3A_543 = arith.constant 32 : index
        %swap3A_544 = tpu.vector_load %arg6[%swap3A_542, %swap3A_543] {strides = array<i32>} : memref<800x64xf32, #tpu.memory_space<vmem>>, vector<1x16xf32>,
        %swap3A_545 = vector.shape_cast %swap3A_544 : vector<1x16xf32> to vector<16xf32>
        %swap3A_546 = vector.shape_cast %mul3A_539 : vector<16xf32> to vector<1x16xf32>
        tpu.vector_store %arg6[%swap3A_542, %swap3A_543], %swap3A_546 {strides = array<i32>} : memref<800x64xf32, #tpu.memory_space<vmem>>, vector<1x16xf32>,
        %add3A_547 = arith.constant 400 : i32
        %add3A_548 = arith.addi %add3A_547, %add3A_498 : i32
        %get3A_549 = arith.index_cast %add3A_548 : i32 to index
        %get3A_550 = arith.constant 48 : index
        %get3A_551 = tpu.vector_load %arg6[%get3A_549, %get3A_550] {strides = array<i32>} : memref<800x64xf32, #tpu.memory_space<vmem>>, vector<1x16xf32>,
        %get3A_552 = vector.shape_cast %get3A_551 : vector<1x16xf32> to vector<16xf32>
        %mul3A_553 = arith.constant 1.250000e-01 : f32
        %mul3A_554 = vector.broadcast %mul3A_553 : f32 to vector<16xf32>
        %mul3A_555 = arith.mulf %get3A_552, %mul3A_554 : vector<16xf32>
        %add3A_556 = arith.constant 400 : i32
        %add3A_557 = arith.addi %add3A_556, %add3A_498 : i32
        %swap3A_558 = arith.index_cast %add3A_557 : i32 to index
        %swap3A_559 = arith.constant 48 : index
        %swap3A_560 = tpu.vector_load %arg6[%swap3A_558, %swap3A_559] {strides = array<i32>} : memref<800x64xf32, #tpu.memory_space<vmem>>, vector<1x16xf32>,
        %swap3A_561 = vector.shape_cast %swap3A_560 : vector<1x16xf32> to vector<16xf32>
        %swap3A_562 = vector.shape_cast %mul3A_555 : vector<16xf32> to vector<1x16xf32>
        tpu.vector_store %arg6[%swap3A_558, %swap3A_559], %swap3A_562 {strides = array<i32>} : memref<800x64xf32, #tpu.memory_space<vmem>>, vector<1x16xf32>,
        %scan3A_563 = arith.constant 4 : i32
        %scan3A_564 = arith.addi %scan3A_286, %scan3A_563 : i32
        %mul3A_565 = arith.constant 1 : i32
        %mul3A_566 = arith.muli %scan3A_564, %mul3A_565 : i32
        %add3A_567 = arith.constant 0 : i32
        %add3A_568 = arith.addi %add3A_567, %mul3A_566 : i32
        %add3A_569 = arith.constant 400 : i32
        %add3A_570 = arith.addi %add3A_569, %add3A_568 : i32
        %get3A_571 = arith.index_cast %add3A_570 : i32 to index
        %get3A_572 = arith.constant 0 : index
        %get3A_573 = tpu.vector_load %arg6[%get3A_571, %get3A_572] {strides = array<i32>} : memref<800x64xf32, #tpu.memory_space<vmem>>, vector<1x16xf32>,
        %get3A_574 = vector.shape_cast %get3A_573 : vector<1x16xf32> to vector<16xf32>
        %mul3A_575 = arith.constant 1.250000e-01 : f32
        %mul3A_576 = vector.broadcast %mul3A_575 : f32 to vector<16xf32>
        %mul3A_577 = arith.mulf %get3A_574, %mul3A_576 : vector<16xf32>
        %add3A_578 = arith.constant 400 : i32
        %add3A_579 = arith.addi %add3A_578, %add3A_568 : i32
        %swap3A_580 = arith.index_cast %add3A_579 : i32 to index
        %swap3A_581 = arith.constant 0 : index
        %swap3A_582 = tpu.vector_load %arg6[%swap3A_580, %swap3A_581] {strides = array<i32>} : memref<800x64xf32, #tpu.memory_space<vmem>>, vector<1x16xf32>,
        %swap3A_583 = vector.shape_cast %swap3A_582 : vector<1x16xf32> to vector<16xf32>
        %swap3A_584 = vector.shape_cast %mul3A_577 : vector<16xf32> to vector<1x16xf32>
        tpu.vector_store %arg6[%swap3A_580, %swap3A_581], %swap3A_584 {strides = array<i32>} : memref<800x64xf32, #tpu.memory_space<vmem>>, vector<1x16xf32>,
        %add3A_585 = arith.constant 400 : i32
        %add3A_586 = arith.addi %add3A_585, %add3A_568 : i32
        %get3A_587 = arith.index_cast %add3A_586 : i32 to index
        %get3A_588 = arith.constant 16 : index
        %get3A_589 = tpu.vector_load %arg6[%get3A_587, %get3A_588] {strides = array<i32>} : memref<800x64xf32, #tpu.memory_space<vmem>>, vector<1x16xf32>,
        %get3A_590 = vector.shape_cast %get3A_589 : vector<1x16xf32> to vector<16xf32>
        %mul3A_591 = arith.constant 1.250000e-01 : f32
        %mul3A_592 = vector.broadcast %mul3A_591 : f32 to vector<16xf32>
        %mul3A_593 = arith.mulf %get3A_590, %mul3A_592 : vector<16xf32>
        %add3A_594 = arith.constant 400 : i32
        %add3A_595 = arith.addi %add3A_594, %add3A_568 : i32
        %swap3A_596 = arith.index_cast %add3A_595 : i32 to index
        %swap3A_597 = arith.constant 16 : index
        %swap3A_598 = tpu.vector_load %arg6[%swap3A_596, %swap3A_597] {strides = array<i32>} : memref<800x64xf32, #tpu.memory_space<vmem>>, vector<1x16xf32>,
        %swap3A_599 = vector.shape_cast %swap3A_598 : vector<1x16xf32> to vector<16xf32>
        %swap3A_600 = vector.shape_cast %mul3A_593 : vector<16xf32> to vector<1x16xf32>
        tpu.vector_store %arg6[%swap3A_596, %swap3A_597], %swap3A_600 {strides = array<i32>} : memref<800x64xf32, #tpu.memory_space<vmem>>, vector<1x16xf32>,
        %add3A_601 = arith.constant 400 : i32
        %add3A_602 = arith.addi %add3A_601, %add3A_568 : i32
        %get3A_603 = arith.index_cast %add3A_602 : i32 to index
        %get3A_604 = arith.constant 32 : index
        %get3A_605 = tpu.vector_load %arg6[%get3A_603, %get3A_604] {strides = array<i32>} : memref<800x64xf32, #tpu.memory_space<vmem>>, vector<1x16xf32>,
        %get3A_606 = vector.shape_cast %get3A_605 : vector<1x16xf32> to vector<16xf32>
        %mul3A_607 = arith.constant 1.250000e-01 : f32
        %mul3A_608 = vector.broadcast %mul3A_607 : f32 to vector<16xf32>
        %mul3A_609 = arith.mulf %get3A_606, %mul3A_608 : vector<16xf32>
        %add3A_610 = arith.constant 400 : i32
        %add3A_611 = arith.addi %add3A_610, %add3A_568 : i32
        %swap3A_612 = arith.index_cast %add3A_611 : i32 to index
        %swap3A_613 = arith.constant 32 : index
        %swap3A_614 = tpu.vector_load %arg6[%swap3A_612, %swap3A_613] {strides = array<i32>} : memref<800x64xf32, #tpu.memory_space<vmem>>, vector<1x16xf32>,
        %swap3A_615 = vector.shape_cast %swap3A_614 : vector<1x16xf32> to vector<16xf32>
        %swap3A_616 = vector.shape_cast %mul3A_609 : vector<16xf32> to vector<1x16xf32>
        tpu.vector_store %arg6[%swap3A_612, %swap3A_613], %swap3A_616 {strides = array<i32>} : memref<800x64xf32, #tpu.memory_space<vmem>>, vector<1x16xf32>,
        %add3A_617 = arith.constant 400 : i32
        %add3A_618 = arith.addi %add3A_617, %add3A_568 : i32
        %get3A_619 = arith.index_cast %add3A_618 : i32 to index
        %get3A_620 = arith.constant 48 : index
        %get3A_621 = tpu.vector_load %arg6[%get3A_619, %get3A_620] {strides = array<i32>} : memref<800x64xf32, #tpu.memory_space<vmem>>, vector<1x16xf32>,
        %get3A_622 = vector.shape_cast %get3A_621 : vector<1x16xf32> to vector<16xf32>
        %mul3A_623 = arith.constant 1.250000e-01 : f32
        %mul3A_624 = vector.broadcast %mul3A_623 : f32 to vector<16xf32>
        %mul3A_625 = arith.mulf %get3A_622, %mul3A_624 : vector<16xf32>
        %add3A_626 = arith.constant 400 : i32
        %add3A_627 = arith.addi %add3A_626, %add3A_568 : i32
        %swap3A_628 = arith.index_cast %add3A_627 : i32 to index
        %swap3A_629 = arith.constant 48 : index
        %swap3A_630 = tpu.vector_load %arg6[%swap3A_628, %swap3A_629] {strides = array<i32>} : memref<800x64xf32, #tpu.memory_space<vmem>>, vector<1x16xf32>,
        %swap3A_631 = vector.shape_cast %swap3A_630 : vector<1x16xf32> to vector<16xf32>
        %swap3A_632 = vector.shape_cast %mul3A_625 : vector<16xf32> to vector<1x16xf32>
        tpu.vector_store %arg6[%swap3A_628, %swap3A_629], %swap3A_632 {strides = array<i32>} : memref<800x64xf32, #tpu.memory_space<vmem>>, vector<1x16xf32>,
        %scan3A_633 = arith.constant 5 : i32
        %scan3A_634 = arith.addi %scan3A_286, %scan3A_633 : i32
        %mul3A_635 = arith.constant 1 : i32
        %mul3A_636 = arith.muli %scan3A_634, %mul3A_635 : i32
        %add3A_637 = arith.constant 0 : i32
        %add3A_638 = arith.addi %add3A_637, %mul3A_636 : i32
        %add3A_639 = arith.constant 400 : i32
        %add3A_640 = arith.addi %add3A_639, %add3A_638 : i32
        %get3A_641 = arith.index_cast %add3A_640 : i32 to index
        %get3A_642 = arith.constant 0 : index
        %get3A_643 = tpu.vector_load %arg6[%get3A_641, %get3A_642] {strides = array<i32>} : memref<800x64xf32, #tpu.memory_space<vmem>>, vector<1x16xf32>,
        %get3A_644 = vector.shape_cast %get3A_643 : vector<1x16xf32> to vector<16xf32>
        %mul3A_645 = arith.constant 1.250000e-01 : f32
        %mul3A_646 = vector.broadcast %mul3A_645 : f32 to vector<16xf32>
        %mul3A_647 = arith.mulf %get3A_644, %mul3A_646 : vector<16xf32>
        %add3A_648 = arith.constant 400 : i32
        %add3A_649 = arith.addi %add3A_648, %add3A_638 : i32
        %swap3A_650 = arith.index_cast %add3A_649 : i32 to index
        %swap3A_651 = arith.constant 0 : index
        %swap3A_652 = tpu.vector_load %arg6[%swap3A_650, %swap3A_651] {strides = array<i32>} : memref<800x64xf32, #tpu.memory_space<vmem>>, vector<1x16xf32>,
        %swap3A_653 = vector.shape_cast %swap3A_652 : vector<1x16xf32> to vector<16xf32>
        %swap3A_654 = vector.shape_cast %mul3A_647 : vector<16xf32> to vector<1x16xf32>
        tpu.vector_store %arg6[%swap3A_650, %swap3A_651], %swap3A_654 {strides = array<i32>} : memref<800x64xf32, #tpu.memory_space<vmem>>, vector<1x16xf32>,
        %add3A_655 = arith.constant 400 : i32
        %add3A_656 = arith.addi %add3A_655, %add3A_638 : i32
        %get3A_657 = arith.index_cast %add3A_656 : i32 to index
        %get3A_658 = arith.constant 16 : index
        %get3A_659 = tpu.vector_load %arg6[%get3A_657, %get3A_658] {strides = array<i32>} : memref<800x64xf32, #tpu.memory_space<vmem>>, vector<1x16xf32>,
        %get3A_660 = vector.shape_cast %get3A_659 : vector<1x16xf32> to vector<16xf32>
        %mul3A_661 = arith.constant 1.250000e-01 : f32
        %mul3A_662 = vector.broadcast %mul3A_661 : f32 to vector<16xf32>
        %mul3A_663 = arith.mulf %get3A_660, %mul3A_662 : vector<16xf32>
        %add3A_664 = arith.constant 400 : i32
        %add3A_665 = arith.addi %add3A_664, %add3A_638 : i32
        %swap3A_666 = arith.index_cast %add3A_665 : i32 to index
        %swap3A_667 = arith.constant 16 : index
        %swap3A_668 = tpu.vector_load %arg6[%swap3A_666, %swap3A_667] {strides = array<i32>} : memref<800x64xf32, #tpu.memory_space<vmem>>, vector<1x16xf32>,
        %swap3A_669 = vector.shape_cast %swap3A_668 : vector<1x16xf32> to vector<16xf32>
        %swap3A_670 = vector.shape_cast %mul3A_663 : vector<16xf32> to vector<1x16xf32>
        tpu.vector_store %arg6[%swap3A_666, %swap3A_667], %swap3A_670 {strides = array<i32>} : memref<800x64xf32, #tpu.memory_space<vmem>>, vector<1x16xf32>,
        %add3A_671 = arith.constant 400 : i32
        %add3A_672 = arith.addi %add3A_671, %add3A_638 : i32
        %get3A_673 = arith.index_cast %add3A_672 : i32 to index
        %get3A_674 = arith.constant 32 : index
        %get3A_675 = tpu.vector_load %arg6[%get3A_673, %get3A_674] {strides = array<i32>} : memref<800x64xf32, #tpu.memory_space<vmem>>, vector<1x16xf32>,
        %get3A_676 = vector.shape_cast %get3A_675 : vector<1x16xf32> to vector<16xf32>
        %mul3A_677 = arith.constant 1.250000e-01 : f32
        %mul3A_678 = vector.broadcast %mul3A_677 : f32 to vector<16xf32>
        %mul3A_679 = arith.mulf %get3A_676, %mul3A_678 : vector<16xf32>
        %add3A_680 = arith.constant 400 : i32
        %add3A_681 = arith.addi %add3A_680, %add3A_638 : i32
        %swap3A_682 = arith.index_cast %add3A_681 : i32 to index
        %swap3A_683 = arith.constant 32 : index
        %swap3A_684 = tpu.vector_load %arg6[%swap3A_682, %swap3A_683] {strides = array<i32>} : memref<800x64xf32, #tpu.memory_space<vmem>>, vector<1x16xf32>,
        %swap3A_685 = vector.shape_cast %swap3A_684 : vector<1x16xf32> to vector<16xf32>
        %swap3A_686 = vector.shape_cast %mul3A_679 : vector<16xf32> to vector<1x16xf32>
        tpu.vector_store %arg6[%swap3A_682, %swap3A_683], %swap3A_686 {strides = array<i32>} : memref<800x64xf32, #tpu.memory_space<vmem>>, vector<1x16xf32>,
        %add3A_687 = arith.constant 400 : i32
        %add3A_688 = arith.addi %add3A_687, %add3A_638 : i32
        %get3A_689 = arith.index_cast %add3A_688 : i32 to index
        %get3A_690 = arith.constant 48 : index
        %get3A_691 = tpu.vector_load %arg6[%get3A_689, %get3A_690] {strides = array<i32>} : memref<800x64xf32, #tpu.memory_space<vmem>>, vector<1x16xf32>,
        %get3A_692 = vector.shape_cast %get3A_691 : vector<1x16xf32> to vector<16xf32>
        %mul3A_693 = arith.constant 1.250000e-01 : f32
        %mul3A_694 = vector.broadcast %mul3A_693 : f32 to vector<16xf32>
        %mul3A_695 = arith.mulf %get3A_692, %mul3A_694 : vector<16xf32>
        %add3A_696 = arith.constant 400 : i32
        %add3A_697 = arith.addi %add3A_696, %add3A_638 : i32
        %swap3A_698 = arith.index_cast %add3A_697 : i32 to index
        %swap3A_699 = arith.constant 48 : index
        %swap3A_700 = tpu.vector_load %arg6[%swap3A_698, %swap3A_699] {strides = array<i32>} : memref<800x64xf32, #tpu.memory_space<vmem>>, vector<1x16xf32>,
        %swap3A_701 = vector.shape_cast %swap3A_700 : vector<1x16xf32> to vector<16xf32>
        %swap3A_702 = vector.shape_cast %mul3A_695 : vector<16xf32> to vector<1x16xf32>
        tpu.vector_store %arg6[%swap3A_698, %swap3A_699], %swap3A_702 {strides = array<i32>} : memref<800x64xf32, #tpu.memory_space<vmem>>, vector<1x16xf32>,
        %scan3A_703 = arith.constant 6 : i32
        %scan3A_704 = arith.addi %scan3A_286, %scan3A_703 : i32
        %mul3A_705 = arith.constant 1 : i32
        %mul3A_706 = arith.muli %scan3A_704, %mul3A_705 : i32
        %add3A_707 = arith.constant 0 : i32
        %add3A_708 = arith.addi %add3A_707, %mul3A_706 : i32
        %add3A_709 = arith.constant 400 : i32
        %add3A_710 = arith.addi %add3A_709, %add3A_708 : i32
        %get3A_711 = arith.index_cast %add3A_710 : i32 to index
        %get3A_712 = arith.constant 0 : index
        %get3A_713 = tpu.vector_load %arg6[%get3A_711, %get3A_712] {strides = array<i32>} : memref<800x64xf32, #tpu.memory_space<vmem>>, vector<1x16xf32>,
        %get3A_714 = vector.shape_cast %get3A_713 : vector<1x16xf32> to vector<16xf32>
        %mul3A_715 = arith.constant 1.250000e-01 : f32
        %mul3A_716 = vector.broadcast %mul3A_715 : f32 to vector<16xf32>
        %mul3A_717 = arith.mulf %get3A_714, %mul3A_716 : vector<16xf32>
        %add3A_718 = arith.constant 400 : i32
        %add3A_719 = arith.addi %add3A_718, %add3A_708 : i32
        %swap3A_720 = arith.index_cast %add3A_719 : i32 to index
        %swap3A_721 = arith.constant 0 : index
        %swap3A_722 = tpu.vector_load %arg6[%swap3A_720, %swap3A_721] {strides = array<i32>} : memref<800x64xf32, #tpu.memory_space<vmem>>, vector<1x16xf32>,
        %swap3A_723 = vector.shape_cast %swap3A_722 : vector<1x16xf32> to vector<16xf32>
        %swap3A_724 = vector.shape_cast %mul3A_717 : vector<16xf32> to vector<1x16xf32>
        tpu.vector_store %arg6[%swap3A_720, %swap3A_721], %swap3A_724 {strides = array<i32>} : memref<800x64xf32, #tpu.memory_space<vmem>>, vector<1x16xf32>,
        %add3A_725 = arith.constant 400 : i32
        %add3A_726 = arith.addi %add3A_725, %add3A_708 : i32
        %get3A_727 = arith.index_cast %add3A_726 : i32 to index
        %get3A_728 = arith.constant 16 : index
        %get3A_729 = tpu.vector_load %arg6[%get3A_727, %get3A_728] {strides = array<i32>} : memref<800x64xf32, #tpu.memory_space<vmem>>, vector<1x16xf32>,
        %get3A_730 = vector.shape_cast %get3A_729 : vector<1x16xf32> to vector<16xf32>
        %mul3A_731 = arith.constant 1.250000e-01 : f32
        %mul3A_732 = vector.broadcast %mul3A_731 : f32 to vector<16xf32>
        %mul3A_733 = arith.mulf %get3A_730, %mul3A_732 : vector<16xf32>
        %add3A_734 = arith.constant 400 : i32
        %add3A_735 = arith.addi %add3A_734, %add3A_708 : i32
        %swap3A_736 = arith.index_cast %add3A_735 : i32 to index
        %swap3A_737 = arith.constant 16 : index
        %swap3A_738 = tpu.vector_load %arg6[%swap3A_736, %swap3A_737] {strides = array<i32>} : memref<800x64xf32, #tpu.memory_space<vmem>>, vector<1x16xf32>,
        %swap3A_739 = vector.shape_cast %swap3A_738 : vector<1x16xf32> to vector<16xf32>
        %swap3A_740 = vector.shape_cast %mul3A_733 : vector<16xf32> to vector<1x16xf32>
        tpu.vector_store %arg6[%swap3A_736, %swap3A_737], %swap3A_740 {strides = array<i32>} : memref<800x64xf32, #tpu.memory_space<vmem>>, vector<1x16xf32>,
        %add3A_741 = arith.constant 400 : i32
        %add3A_742 = arith.addi %add3A_741, %add3A_708 : i32
        %get3A_743 = arith.index_cast %add3A_742 : i32 to index
        %get3A_744 = arith.constant 32 : index
        %get3A_745 = tpu.vector_load %arg6[%get3A_743, %get3A_744] {strides = array<i32>} : memref<800x64xf32, #tpu.memory_space<vmem>>, vector<1x16xf32>,
        %get3A_746 = vector.shape_cast %get3A_745 : vector<1x16xf32> to vector<16xf32>
        %mul3A_747 = arith.constant 1.250000e-01 : f32
        %mul3A_748 = vector.broadcast %mul3A_747 : f32 to vector<16xf32>
        %mul3A_749 = arith.mulf %get3A_746, %mul3A_748 : vector<16xf32>
        %add3A_750 = arith.constant 400 : i32
        %add3A_751 = arith.addi %add3A_750, %add3A_708 : i32
        %swap3A_752 = arith.index_cast %add3A_751 : i32 to index
        %swap3A_753 = arith.constant 32 : index
        %swap3A_754 = tpu.vector_load %arg6[%swap3A_752, %swap3A_753] {strides = array<i32>} : memref<800x64xf32, #tpu.memory_space<vmem>>, vector<1x16xf32>,
        %swap3A_755 = vector.shape_cast %swap3A_754 : vector<1x16xf32> to vector<16xf32>
        %swap3A_756 = vector.shape_cast %mul3A_749 : vector<16xf32> to vector<1x16xf32>
        tpu.vector_store %arg6[%swap3A_752, %swap3A_753], %swap3A_756 {strides = array<i32>} : memref<800x64xf32, #tpu.memory_space<vmem>>, vector<1x16xf32>,
        %add3A_757 = arith.constant 400 : i32
        %add3A_758 = arith.addi %add3A_757, %add3A_708 : i32
        %get3A_759 = arith.index_cast %add3A_758 : i32 to index
        %get3A_760 = arith.constant 48 : index
        %get3A_761 = tpu.vector_load %arg6[%get3A_759, %get3A_760] {strides = array<i32>} : memref<800x64xf32, #tpu.memory_space<vmem>>, vector<1x16xf32>,
        %get3A_762 = vector.shape_cast %get3A_761 : vector<1x16xf32> to vector<16xf32>
        %mul3A_763 = arith.constant 1.250000e-01 : f32
        %mul3A_764 = vector.broadcast %mul3A_763 : f32 to vector<16xf32>
        %mul3A_765 = arith.mulf %get3A_762, %mul3A_764 : vector<16xf32>
        %add3A_766 = arith.constant 400 : i32
        %add3A_767 = arith.addi %add3A_766, %add3A_708 : i32
        %swap3A_768 = arith.index_cast %add3A_767 : i32 to index
        %swap3A_769 = arith.constant 48 : index
        %swap3A_770 = tpu.vector_load %arg6[%swap3A_768, %swap3A_769] {strides = array<i32>} : memref<800x64xf32, #tpu.memory_space<vmem>>, vector<1x16xf32>,
        %swap3A_771 = vector.shape_cast %swap3A_770 : vector<1x16xf32> to vector<16xf32>
        %swap3A_772 = vector.shape_cast %mul3A_765 : vector<16xf32> to vector<1x16xf32>
        tpu.vector_store %arg6[%swap3A_768, %swap3A_769], %swap3A_772 {strides = array<i32>} : memref<800x64xf32, #tpu.memory_space<vmem>>, vector<1x16xf32>,
        %scan3A_773 = arith.constant 7 : i32
        %scan3A_774 = arith.addi %scan3A_286, %scan3A_773 : i32
        %mul3A_775 = arith.constant 1 : i32
        %mul3A_776 = arith.muli %scan3A_774, %mul3A_775 : i32
        %add3A_777 = arith.constant 0 : i32
        %add3A_778 = arith.addi %add3A_777, %mul3A_776 : i32
        %add3A_779 = arith.constant 400 : i32
        %add3A_780 = arith.addi %add3A_779, %add3A_778 : i32
        %get3A_781 = arith.index_cast %add3A_780 : i32 to index
        %get3A_782 = arith.constant 0 : index
        %get3A_783 = tpu.vector_load %arg6[%get3A_781, %get3A_782] {strides = array<i32>} : memref<800x64xf32, #tpu.memory_space<vmem>>, vector<1x16xf32>,
        %get3A_784 = vector.shape_cast %get3A_783 : vector<1x16xf32> to vector<16xf32>
        %mul3A_785 = arith.constant 1.250000e-01 : f32
        %mul3A_786 = vector.broadcast %mul3A_785 : f32 to vector<16xf32>
        %mul3A_787 = arith.mulf %get3A_784, %mul3A_786 : vector<16xf32>
        %add3A_788 = arith.constant 400 : i32
        %add3A_789 = arith.addi %add3A_788, %add3A_778 : i32
        %swap3A_790 = arith.index_cast %add3A_789 : i32 to index
        %swap3A_791 = arith.constant 0 : index
        %swap3A_792 = tpu.vector_load %arg6[%swap3A_790, %swap3A_791] {strides = array<i32>} : memref<800x64xf32, #tpu.memory_space<vmem>>, vector<1x16xf32>,
        %swap3A_793 = vector.shape_cast %swap3A_792 : vector<1x16xf32> to vector<16xf32>
        %swap3A_794 = vector.shape_cast %mul3A_787 : vector<16xf32> to vector<1x16xf32>
        tpu.vector_store %arg6[%swap3A_790, %swap3A_791], %swap3A_794 {strides = array<i32>} : memref<800x64xf32, #tpu.memory_space<vmem>>, vector<1x16xf32>,
        %add3A_795 = arith.constant 400 : i32
        %add3A_796 = arith.addi %add3A_795, %add3A_778 : i32
        %get3A_797 = arith.index_cast %add3A_796 : i32 to index
        %get3A_798 = arith.constant 16 : index
        %get3A_799 = tpu.vector_load %arg6[%get3A_797, %get3A_798] {strides = array<i32>} : memref<800x64xf32, #tpu.memory_space<vmem>>, vector<1x16xf32>,
        %get3A_800 = vector.shape_cast %get3A_799 : vector<1x16xf32> to vector<16xf32>
        %mul3A_801 = arith.constant 1.250000e-01 : f32
        %mul3A_802 = vector.broadcast %mul3A_801 : f32 to vector<16xf32>
        %mul3A_803 = arith.mulf %get3A_800, %mul3A_802 : vector<16xf32>
        %add3A_804 = arith.constant 400 : i32
        %add3A_805 = arith.addi %add3A_804, %add3A_778 : i32
        %swap3A_806 = arith.index_cast %add3A_805 : i32 to index
        %swap3A_807 = arith.constant 16 : index
        %swap3A_808 = tpu.vector_load %arg6[%swap3A_806, %swap3A_807] {strides = array<i32>} : memref<800x64xf32, #tpu.memory_space<vmem>>, vector<1x16xf32>,
        %swap3A_809 = vector.shape_cast %swap3A_808 : vector<1x16xf32> to vector<16xf32>
        %swap3A_810 = vector.shape_cast %mul3A_803 : vector<16xf32> to vector<1x16xf32>
        tpu.vector_store %arg6[%swap3A_806, %swap3A_807], %swap3A_810 {strides = array<i32>} : memref<800x64xf32, #tpu.memory_space<vmem>>, vector<1x16xf32>,
        %add3A_811 = arith.constant 400 : i32
        %add3A_812 = arith.addi %add3A_811, %add3A_778 : i32
        %get3A_813 = arith.index_cast %add3A_812 : i32 to index
        %get3A_814 = arith.constant 32 : index
        %get3A_815 = tpu.vector_load %arg6[%get3A_813, %get3A_814] {strides = array<i32>} : memref<800x64xf32, #tpu.memory_space<vmem>>, vector<1x16xf32>,
        %get3A_816 = vector.shape_cast %get3A_815 : vector<1x16xf32> to vector<16xf32>
        %mul3A_817 = arith.constant 1.250000e-01 : f32
        %mul3A_818 = vector.broadcast %mul3A_817 : f32 to vector<16xf32>
        %mul3A_819 = arith.mulf %get3A_816, %mul3A_818 : vector<16xf32>
        %add3A_820 = arith.constant 400 : i32
        %add3A_821 = arith.addi %add3A_820, %add3A_778 : i32
        %swap3A_822 = arith.index_cast %add3A_821 : i32 to index
        %swap3A_823 = arith.constant 32 : index
        %swap3A_824 = tpu.vector_load %arg6[%swap3A_822, %swap3A_823] {strides = array<i32>} : memref<800x64xf32, #tpu.memory_space<vmem>>, vector<1x16xf32>,
        %swap3A_825 = vector.shape_cast %swap3A_824 : vector<1x16xf32> to vector<16xf32>
        %swap3A_826 = vector.shape_cast %mul3A_819 : vector<16xf32> to vector<1x16xf32>
        tpu.vector_store %arg6[%swap3A_822, %swap3A_823], %swap3A_826 {strides = array<i32>} : memref<800x64xf32, #tpu.memory_space<vmem>>, vector<1x16xf32>,
        %add3A_827 = arith.constant 400 : i32
        %add3A_828 = arith.addi %add3A_827, %add3A_778 : i32
        %get3A_829 = arith.index_cast %add3A_828 : i32 to index
        %get3A_830 = arith.constant 48 : index
        %get3A_831 = tpu.vector_load %arg6[%get3A_829, %get3A_830] {strides = array<i32>} : memref<800x64xf32, #tpu.memory_space<vmem>>, vector<1x16xf32>,
        %get3A_832 = vector.shape_cast %get3A_831 : vector<1x16xf32> to vector<16xf32>
        %mul3A_833 = arith.constant 1.250000e-01 : f32
        %mul3A_834 = vector.broadcast %mul3A_833 : f32 to vector<16xf32>
        %mul3A_835 = arith.mulf %get3A_832, %mul3A_834 : vector<16xf32>
        %add3A_836 = arith.constant 400 : i32
        %add3A_837 = arith.addi %add3A_836, %add3A_778 : i32
        %swap3A_838 = arith.index_cast %add3A_837 : i32 to index
        %swap3A_839 = arith.constant 48 : index
        %swap3A_840 = tpu.vector_load %arg6[%swap3A_838, %swap3A_839] {strides = array<i32>} : memref<800x64xf32, #tpu.memory_space<vmem>>, vector<1x16xf32>,
        %swap3A_841 = vector.shape_cast %swap3A_840 : vector<1x16xf32> to vector<16xf32>
        %swap3A_842 = vector.shape_cast %mul3A_835 : vector<16xf32> to vector<1x16xf32>
        tpu.vector_store %arg6[%swap3A_838, %swap3A_839], %swap3A_842 {strides = array<i32>} : memref<800x64xf32, #tpu.memory_space<vmem>>, vector<1x16xf32>,
      }
      %scan3A_218 = arith.constant 200 : i32
      %add3A_219 = arith.addi %mul3A_2, %add3A_185 : i32
      %dma_start3A_220 = arith.constant 400 : i32
      %dma_start3A_221 = arith.constant 0 : i32
      %dma_start3A_222 = tpu.memref_slice %arg6[%dma_start3A_220, %dma_start3A_221] : memref<800x64xf32, #tpu.memory_space<vmem>> -> memref<200x64xf32, #tpu.memory_space<vmem>>
      %dma_start3A_223 = arith.constant 0 : i32
      %dma_start3A_224 = arith.constant 0 : i32
      %dma_start3A_225 = tpu.memref_slice %arg4[%add3A_219, %dma_start3A_223, %dma_start3A_224] : memref<16384x200x128xf32, #tpu.memory_space<hbm>> -> memref<1x200x64xf32, #tpu.memory_space<hbm>>
      %dma_start3A_226 = tpu.memref_squeeze %dma_start3A_225 : memref<1x200x64xf32, #tpu.memory_space<hbm>> -> memref<200x64xf32, #tpu.memory_space<hbm>>
      %dma_start3A_227 = arith.constant 0 : i32
      %dma_start3A_228 = arith.constant 0 : i32
      %dma_start3A_229 = tpu.memref_slice %arg4[%add3A_219, %dma_start3A_227, %dma_start3A_228] : memref<16384x200x128xf32, #tpu.memory_space<hbm>> -> memref<1x200x64xf32, #tpu.memory_space<hbm>>
      %dma_start3A_230 = tpu.memref_squeeze %dma_start3A_229 : memref<1x200x64xf32, #tpu.memory_space<hbm>> -> memref<200x64xf32, #tpu.memory_space<hbm>>
      %dma_start3A_231 = arith.constant 400 : i32
      %dma_start3A_232 = arith.constant 0 : i32
      %dma_start3A_233 = tpu.memref_slice %arg6[%dma_start3A_231, %dma_start3A_232] : memref<800x64xf32, #tpu.memory_space<vmem>> -> memref<200x64xf32, #tpu.memory_space<vmem>>
      tpu.enqueue_dma source(%dma_start3A_233 : memref<200x64xf32, #tpu.memory_space<vmem>>) target(%dma_start3A_230 : memref<200x64xf32, #tpu.memory_space<hbm>>) target_semaphore(%arg13 : memref<!tpu.dma_semaphore, #tpu.memory_space<semaphore_mem>>)
      %mul3A_234 = arith.constant 4 : i32
      %mul3A_235 = arith.muli %add3A_81, %mul3A_234 : i32
      %add3A_236 = arith.constant 3 : i32
      %add3A_237 = arith.addi %mul3A_235, %add3A_236 : i32
      %ge3A_238 = arith.constant 2 : i32
      %ge3A_239 = arith.cmpi sge, %add3A_237, %ge3A_238 : i32
      %convert_element_type3A_240 = arith.extui %ge3A_239 : i1 to i32
      %cond3A_241 = arith.constant 0 : i32
      %cond3A_242 = arith.cmpi ne, %convert_element_type3A_240, %cond3A_241 : i32
      scf.if %cond3A_242 {
        %sub3A = arith.constant 2 : i32
        %sub3A_286 = arith.subi %add3A_237, %sub3A : i32
        %add3A_287 = arith.addi %mul3A_2, %sub3A_286 : i32
        %dma_wait3A_288 = arith.constant 200 : i32
        %dma_wait3A_289 = arith.constant 0 : i32
        %dma_wait3A_290 = tpu.memref_slice %arg6[%dma_wait3A_288, %dma_wait3A_289] : memref<800x64xf32, #tpu.memory_space<vmem>> -> memref<200x64xf32, #tpu.memory_space<vmem>>
        %dma_wait3A_291 = arith.constant 0 : i32
        %dma_wait3A_292 = arith.constant 0 : i32
        %dma_wait3A_293 = tpu.memref_slice %arg4[%add3A_287, %dma_wait3A_291, %dma_wait3A_292] : memref<16384x200x128xf32, #tpu.memory_space<hbm>> -> memref<1x200x64xf32, #tpu.memory_space<hbm>>
        %dma_wait3A_294 = tpu.memref_squeeze %dma_wait3A_293 : memref<1x200x64xf32, #tpu.memory_space<hbm>> -> memref<200x64xf32, #tpu.memory_space<hbm>>
        %dma_wait3A_295 = arith.constant 0 : i32
        %dma_wait3A_296 = arith.constant 0 : i32
        %dma_wait3A_297 = tpu.memref_slice %arg4[%add3A_287, %dma_wait3A_295, %dma_wait3A_296] : memref<16384x200x128xf32, #tpu.memory_space<hbm>> -> memref<1x200x64xf32, #tpu.memory_space<hbm>>
        %dma_wait3A_298 = tpu.memref_squeeze %dma_wait3A_297 : memref<1x200x64xf32, #tpu.memory_space<hbm>> -> memref<200x64xf32, #tpu.memory_space<hbm>>
        %dma_wait3A_299 = arith.constant 200 : i32
        %dma_wait3A_300 = arith.constant 0 : i32
        %dma_wait3A_301 = tpu.memref_slice %arg6[%dma_wait3A_299, %dma_wait3A_300] : memref<800x64xf32, #tpu.memory_space<vmem>> -> memref<200x64xf32, #tpu.memory_space<vmem>>
        tpu.wait_dma2 semaphore(%arg12 : memref<!tpu.dma_semaphore, #tpu.memory_space<semaphore_mem>>) src(%dma_wait3A_301 : memref<200x64xf32, #tpu.memory_space<vmem>>) dst(%dma_wait3A_298 : memref<200x64xf32, #tpu.memory_space<hbm>>)
      } else {
      }
      %add3A_243 = arith.constant 2 : i32
      %add3A_244 = arith.addi %add3A_237, %add3A_243 : i32
      %lt3A_245 = arith.constant 512 : i32
      %lt3A_246 = arith.cmpi slt, %add3A_244, %lt3A_245 : i32
      %convert_element_type3A_247 = arith.extui %lt3A_246 : i1 to i32
      %cond3A_248 = arith.constant 0 : i32
      %cond3A_249 = arith.cmpi ne, %convert_element_type3A_247, %cond3A_248 : i32
      scf.if %cond3A_249 {
        %add3A_286 = arith.constant 2 : i32
        %add3A_287 = arith.addi %add3A_237, %add3A_286 : i32
        %add3A_288 = arith.addi %mul3A_2, %add3A_287 : i32
        %mul3A_289 = arith.constant 200 : i32
        %mul3A_290 = arith.muli %add3A_288, %mul3A_289 : i32
        "tpu.region"() ({
          %run_scoped3A = tpu.sem_alloc : memref<!tpu.dma_semaphore, #tpu.memory_space<semaphore_mem>>
          %dma_start3A_307 = arith.constant 200 : i32
          %dma_start3A_308 = tpu.memref_slice %arg5[%dma_start3A_307] : memref<800xi32, #tpu.memory_space<vmem>> -> memref<200xi32, #tpu.memory_space<vmem>>
          %dma_start3A_309 = tpu.memref_slice %arg2[%mul3A_290] : memref<3276800xi32, #tpu.memory_space<hbm>> -> memref<200xi32, #tpu.memory_space<hbm>>
          %dma_start3A_310 = arith.constant 200 : i32
          %dma_start3A_311 = tpu.memref_slice %arg5[%dma_start3A_310] : memref<800xi32, #tpu.memory_space<vmem>> -> memref<200xi32, #tpu.memory_space<vmem>>
          %dma_start3A_312 = tpu.memref_slice %arg2[%mul3A_290] : memref<3276800xi32, #tpu.memory_space<hbm>> -> memref<200xi32, #tpu.memory_space<hbm>>
          tpu.enqueue_dma source(%dma_start3A_312 : memref<200xi32, #tpu.memory_space<hbm>>) target(%dma_start3A_311 : memref<200xi32, #tpu.memory_space<vmem>>) target_semaphore(%run_scoped3A : memref<!tpu.dma_semaphore, #tpu.memory_space<semaphore_mem>>)
          %dma_wait3A_313 = arith.constant 200 : i32
          %dma_wait3A_314 = tpu.memref_slice %arg5[%dma_wait3A_313] : memref<800xi32, #tpu.memory_space<vmem>> -> memref<200xi32, #tpu.memory_space<vmem>>
          %dma_wait3A_315 = tpu.memref_slice %arg2[%mul3A_290] : memref<3276800xi32, #tpu.memory_space<hbm>> -> memref<200xi32, #tpu.memory_space<hbm>>
          %dma_wait3A_316 = arith.constant 200 : i32
          %dma_wait3A_317 = tpu.memref_slice %arg5[%dma_wait3A_316] : memref<800xi32, #tpu.memory_space<vmem>> -> memref<200xi32, #tpu.memory_space<vmem>>
          %dma_wait3A_318 = tpu.memref_slice %arg2[%mul3A_290] : memref<3276800xi32, #tpu.memory_space<hbm>> -> memref<200xi32, #tpu.memory_space<hbm>>
          tpu.wait_dma2 semaphore(%run_scoped3A : memref<!tpu.dma_semaphore, #tpu.memory_space<semaphore_mem>>) src(%dma_wait3A_318 : memref<200xi32, #tpu.memory_space<hbm>>) dst(%dma_wait3A_317 : memref<200xi32, #tpu.memory_space<vmem>>)
          tpu.yield
        }) : () -> ()
        %dma_start3A_291 = arith.constant 200 : i32
        %dma_start3A_292 = arith.constant 0 : i32
        %dma_start3A_293 = tpu.memref_slice %arg6[%dma_start3A_291, %dma_start3A_292] : memref<800x64xf32, #tpu.memory_space<vmem>> -> memref<128x64xf32, #tpu.memory_space<vmem>>
        %dma_start3A_294 = arith.constant 200 : i32
        %dma_start3A_295 = tpu.memref_slice %arg5[%dma_start3A_294] : memref<800xi32, #tpu.memory_space<vmem>> -> memref<128xi32, #tpu.memory_space<vmem>>
        %dma_start3A_296 = arith.constant 0 : i32
        %dma_start3A_297 = arith.constant 0 : i32
        %dma_start3A_298 = tpu.memref_slice %arg3[%dma_start3A_296, %dma_start3A_297] : memref<1000000x64xf32, #tpu.memory_space<hbm>> -> memref<1000000x64xf32, #tpu.memory_space<hbm>>
        tpu.enqueue_indirect_dma source(%dma_start3A_298 : memref<1000000x64xf32, #tpu.memory_space<hbm>>) target(%dma_start3A_293 : memref<128x64xf32, #tpu.memory_space<vmem>>) offsets(%dma_start3A_295 : memref<128xi32, #tpu.memory_space<vmem>>) semaphore(%arg8 : memref<!tpu.dma_semaphore, #tpu.memory_space<semaphore_mem>>)
        %dma_start3A_299 = arith.constant 328 : i32
        %dma_start3A_300 = arith.constant 0 : i32
        %dma_start3A_301 = tpu.memref_slice %arg6[%dma_start3A_299, %dma_start3A_300] : memref<800x64xf32, #tpu.memory_space<vmem>> -> memref<72x64xf32, #tpu.memory_space<vmem>>
        %dma_start3A_302 = arith.constant 328 : i32
        %dma_start3A_303 = tpu.memref_slice %arg5[%dma_start3A_302] : memref<800xi32, #tpu.memory_space<vmem>> -> memref<72xi32, #tpu.memory_space<vmem>>
        %dma_start3A_304 = arith.constant 0 : i32
        %dma_start3A_305 = arith.constant 0 : i32
        %dma_start3A_306 = tpu.memref_slice %arg3[%dma_start3A_304, %dma_start3A_305] : memref<1000000x64xf32, #tpu.memory_space<hbm>> -> memref<1000000x64xf32, #tpu.memory_space<hbm>>
        tpu.enqueue_indirect_dma source(%dma_start3A_306 : memref<1000000x64xf32, #tpu.memory_space<hbm>>) target(%dma_start3A_301 : memref<72x64xf32, #tpu.memory_space<vmem>>) offsets(%dma_start3A_303 : memref<72xi32, #tpu.memory_space<vmem>>) semaphore(%arg8 : memref<!tpu.dma_semaphore, #tpu.memory_space<semaphore_mem>>)
      } else {
      }
      %dma_wait3A_250 = arith.constant 600 : i32
      %dma_wait3A_251 = arith.constant 0 : i32
      %dma_wait3A_252 = tpu.memref_slice %arg6[%dma_wait3A_250, %dma_wait3A_251] : memref<800x64xf32, #tpu.memory_space<vmem>> -> memref<128x64xf32, #tpu.memory_space<vmem>>
      %dma_wait3A_253 = arith.constant 600 : i32
      %dma_wait3A_254 = tpu.memref_slice %arg5[%dma_wait3A_253] : memref<800xi32, #tpu.memory_space<vmem>> -> memref<128xi32, #tpu.memory_space<vmem>>
      %dma_wait3A_255 = arith.constant 0 : i32
      %dma_wait3A_256 = arith.constant 0 : i32
      %dma_wait3A_257 = tpu.memref_slice %arg3[%dma_wait3A_255, %dma_wait3A_256] : memref<1000000x64xf32, #tpu.memory_space<hbm>> -> memref<1000000x64xf32, #tpu.memory_space<hbm>>
      tpu.wait_indirect_dma semaphore(%arg10 : memref<!tpu.dma_semaphore, #tpu.memory_space<semaphore_mem>>) src(%dma_wait3A_257 : memref<1000000x64xf32, #tpu.memory_space<hbm>>) dst(%dma_wait3A_252 : memref<128x64xf32, #tpu.memory_space<vmem>>)
      %dma_wait3A_258 = arith.constant 728 : i32
      %dma_wait3A_259 = arith.constant 0 : i32
      %dma_wait3A_260 = tpu.memref_slice %arg6[%dma_wait3A_258, %dma_wait3A_259] : memref<800x64xf32, #tpu.memory_space<vmem>> -> memref<72x64xf32, #tpu.memory_space<vmem>>
      %dma_wait3A_261 = arith.constant 728 : i32
      %dma_wait3A_262 = tpu.memref_slice %arg5[%dma_wait3A_261] : memref<800xi32, #tpu.memory_space<vmem>> -> memref<72xi32, #tpu.memory_space<vmem>>
      %dma_wait3A_263 = arith.constant 0 : i32
      %dma_wait3A_264 = arith.constant 0 : i32
      %dma_wait3A_265 = tpu.memref_slice %arg3[%dma_wait3A_263, %dma_wait3A_264] : memref<1000000x64xf32, #tpu.memory_space<hbm>> -> memref<1000000x64xf32, #tpu.memory_space<hbm>>
      tpu.wait_indirect_dma semaphore(%arg10 : memref<!tpu.dma_semaphore, #tpu.memory_space<semaphore_mem>>) src(%dma_wait3A_265 : memref<1000000x64xf32, #tpu.memory_space<hbm>>) dst(%dma_wait3A_260 : memref<72x64xf32, #tpu.memory_space<vmem>>)
      %scan3A_266 = arith.constant 0 : i32
      %scan3A_267 = arith.constant 200 : i32
      %scan3A_268 = arith.addi %scan3A_266, %scan3A_267 : i32
      %scan3A_269 = arith.constant 8 : i32
      scf.for %scan3A_286 = %scan3A_266 to %scan3A_268 step %scan3A_269  : i32 {
        %mul3A_287 = arith.constant 1 : i32
        %mul3A_288 = arith.muli %scan3A_286, %mul3A_287 : i32
        %add3A_289 = arith.constant 0 : i32
        %add3A_290 = arith.addi %add3A_289, %mul3A_288 : i32
        %add3A_291 = arith.constant 600 : i32
        %add3A_292 = arith.addi %add3A_291, %add3A_290 : i32
        %get3A = arith.index_cast %add3A_292 : i32 to index
        %get3A_293 = arith.constant 0 : index
        %get3A_294 = tpu.vector_load %arg6[%get3A, %get3A_293] {strides = array<i32>} : memref<800x64xf32, #tpu.memory_space<vmem>>, vector<1x16xf32>,
        %get3A_295 = vector.shape_cast %get3A_294 : vector<1x16xf32> to vector<16xf32>
        %mul3A_296 = arith.constant 1.250000e-01 : f32
        %mul3A_297 = vector.broadcast %mul3A_296 : f32 to vector<16xf32>
        %mul3A_298 = arith.mulf %get3A_295, %mul3A_297 : vector<16xf32>
        %add3A_299 = arith.constant 600 : i32
        %add3A_300 = arith.addi %add3A_299, %add3A_290 : i32
        %swap3A = arith.index_cast %add3A_300 : i32 to index
        %swap3A_301 = arith.constant 0 : index
        %swap3A_302 = tpu.vector_load %arg6[%swap3A, %swap3A_301] {strides = array<i32>} : memref<800x64xf32, #tpu.memory_space<vmem>>, vector<1x16xf32>,
        %swap3A_303 = vector.shape_cast %swap3A_302 : vector<1x16xf32> to vector<16xf32>
        %swap3A_304 = vector.shape_cast %mul3A_298 : vector<16xf32> to vector<1x16xf32>
        tpu.vector_store %arg6[%swap3A, %swap3A_301], %swap3A_304 {strides = array<i32>} : memref<800x64xf32, #tpu.memory_space<vmem>>, vector<1x16xf32>,
        %add3A_305 = arith.constant 600 : i32
        %add3A_306 = arith.addi %add3A_305, %add3A_290 : i32
        %get3A_307 = arith.index_cast %add3A_306 : i32 to index
        %get3A_308 = arith.constant 16 : index
        %get3A_309 = tpu.vector_load %arg6[%get3A_307, %get3A_308] {strides = array<i32>} : memref<800x64xf32, #tpu.memory_space<vmem>>, vector<1x16xf32>,
        %get3A_310 = vector.shape_cast %get3A_309 : vector<1x16xf32> to vector<16xf32>
        %mul3A_311 = arith.constant 1.250000e-01 : f32
        %mul3A_312 = vector.broadcast %mul3A_311 : f32 to vector<16xf32>
        %mul3A_313 = arith.mulf %get3A_310, %mul3A_312 : vector<16xf32>
        %add3A_314 = arith.constant 600 : i32
        %add3A_315 = arith.addi %add3A_314, %add3A_290 : i32
        %swap3A_316 = arith.index_cast %add3A_315 : i32 to index
        %swap3A_317 = arith.constant 16 : index
        %swap3A_318 = tpu.vector_load %arg6[%swap3A_316, %swap3A_317] {strides = array<i32>} : memref<800x64xf32, #tpu.memory_space<vmem>>, vector<1x16xf32>,
        %swap3A_319 = vector.shape_cast %swap3A_318 : vector<1x16xf32> to vector<16xf32>
        %swap3A_320 = vector.shape_cast %mul3A_313 : vector<16xf32> to vector<1x16xf32>
        tpu.vector_store %arg6[%swap3A_316, %swap3A_317], %swap3A_320 {strides = array<i32>} : memref<800x64xf32, #tpu.memory_space<vmem>>, vector<1x16xf32>,
        %add3A_321 = arith.constant 600 : i32
        %add3A_322 = arith.addi %add3A_321, %add3A_290 : i32
        %get3A_323 = arith.index_cast %add3A_322 : i32 to index
        %get3A_324 = arith.constant 32 : index
        %get3A_325 = tpu.vector_load %arg6[%get3A_323, %get3A_324] {strides = array<i32>} : memref<800x64xf32, #tpu.memory_space<vmem>>, vector<1x16xf32>,
        %get3A_326 = vector.shape_cast %get3A_325 : vector<1x16xf32> to vector<16xf32>
        %mul3A_327 = arith.constant 1.250000e-01 : f32
        %mul3A_328 = vector.broadcast %mul3A_327 : f32 to vector<16xf32>
        %mul3A_329 = arith.mulf %get3A_326, %mul3A_328 : vector<16xf32>
        %add3A_330 = arith.constant 600 : i32
        %add3A_331 = arith.addi %add3A_330, %add3A_290 : i32
        %swap3A_332 = arith.index_cast %add3A_331 : i32 to index
        %swap3A_333 = arith.constant 32 : index
        %swap3A_334 = tpu.vector_load %arg6[%swap3A_332, %swap3A_333] {strides = array<i32>} : memref<800x64xf32, #tpu.memory_space<vmem>>, vector<1x16xf32>,
        %swap3A_335 = vector.shape_cast %swap3A_334 : vector<1x16xf32> to vector<16xf32>
        %swap3A_336 = vector.shape_cast %mul3A_329 : vector<16xf32> to vector<1x16xf32>
        tpu.vector_store %arg6[%swap3A_332, %swap3A_333], %swap3A_336 {strides = array<i32>} : memref<800x64xf32, #tpu.memory_space<vmem>>, vector<1x16xf32>,
        %add3A_337 = arith.constant 600 : i32
        %add3A_338 = arith.addi %add3A_337, %add3A_290 : i32
        %get3A_339 = arith.index_cast %add3A_338 : i32 to index
        %get3A_340 = arith.constant 48 : index
        %get3A_341 = tpu.vector_load %arg6[%get3A_339, %get3A_340] {strides = array<i32>} : memref<800x64xf32, #tpu.memory_space<vmem>>, vector<1x16xf32>,
        %get3A_342 = vector.shape_cast %get3A_341 : vector<1x16xf32> to vector<16xf32>
        %mul3A_343 = arith.constant 1.250000e-01 : f32
        %mul3A_344 = vector.broadcast %mul3A_343 : f32 to vector<16xf32>
        %mul3A_345 = arith.mulf %get3A_342, %mul3A_344 : vector<16xf32>
        %add3A_346 = arith.constant 600 : i32
        %add3A_347 = arith.addi %add3A_346, %add3A_290 : i32
        %swap3A_348 = arith.index_cast %add3A_347 : i32 to index
        %swap3A_349 = arith.constant 48 : index
        %swap3A_350 = tpu.vector_load %arg6[%swap3A_348, %swap3A_349] {strides = array<i32>} : memref<800x64xf32, #tpu.memory_space<vmem>>, vector<1x16xf32>,
        %swap3A_351 = vector.shape_cast %swap3A_350 : vector<1x16xf32> to vector<16xf32>
        %swap3A_352 = vector.shape_cast %mul3A_345 : vector<16xf32> to vector<1x16xf32>
        tpu.vector_store %arg6[%swap3A_348, %swap3A_349], %swap3A_352 {strides = array<i32>} : memref<800x64xf32, #tpu.memory_space<vmem>>, vector<1x16xf32>,
        %scan3A_353 = arith.constant 1 : i32
        %scan3A_354 = arith.addi %scan3A_286, %scan3A_353 : i32
        %mul3A_355 = arith.constant 1 : i32
        %mul3A_356 = arith.muli %scan3A_354, %mul3A_355 : i32
        %add3A_357 = arith.constant 0 : i32
        %add3A_358 = arith.addi %add3A_357, %mul3A_356 : i32
        %add3A_359 = arith.constant 600 : i32
        %add3A_360 = arith.addi %add3A_359, %add3A_358 : i32
        %get3A_361 = arith.index_cast %add3A_360 : i32 to index
        %get3A_362 = arith.constant 0 : index
        %get3A_363 = tpu.vector_load %arg6[%get3A_361, %get3A_362] {strides = array<i32>} : memref<800x64xf32, #tpu.memory_space<vmem>>, vector<1x16xf32>,
        %get3A_364 = vector.shape_cast %get3A_363 : vector<1x16xf32> to vector<16xf32>
        %mul3A_365 = arith.constant 1.250000e-01 : f32
        %mul3A_366 = vector.broadcast %mul3A_365 : f32 to vector<16xf32>
        %mul3A_367 = arith.mulf %get3A_364, %mul3A_366 : vector<16xf32>
        %add3A_368 = arith.constant 600 : i32
        %add3A_369 = arith.addi %add3A_368, %add3A_358 : i32
        %swap3A_370 = arith.index_cast %add3A_369 : i32 to index
        %swap3A_371 = arith.constant 0 : index
        %swap3A_372 = tpu.vector_load %arg6[%swap3A_370, %swap3A_371] {strides = array<i32>} : memref<800x64xf32, #tpu.memory_space<vmem>>, vector<1x16xf32>,
        %swap3A_373 = vector.shape_cast %swap3A_372 : vector<1x16xf32> to vector<16xf32>
        %swap3A_374 = vector.shape_cast %mul3A_367 : vector<16xf32> to vector<1x16xf32>
        tpu.vector_store %arg6[%swap3A_370, %swap3A_371], %swap3A_374 {strides = array<i32>} : memref<800x64xf32, #tpu.memory_space<vmem>>, vector<1x16xf32>,
        %add3A_375 = arith.constant 600 : i32
        %add3A_376 = arith.addi %add3A_375, %add3A_358 : i32
        %get3A_377 = arith.index_cast %add3A_376 : i32 to index
        %get3A_378 = arith.constant 16 : index
        %get3A_379 = tpu.vector_load %arg6[%get3A_377, %get3A_378] {strides = array<i32>} : memref<800x64xf32, #tpu.memory_space<vmem>>, vector<1x16xf32>,
        %get3A_380 = vector.shape_cast %get3A_379 : vector<1x16xf32> to vector<16xf32>
        %mul3A_381 = arith.constant 1.250000e-01 : f32
        %mul3A_382 = vector.broadcast %mul3A_381 : f32 to vector<16xf32>
        %mul3A_383 = arith.mulf %get3A_380, %mul3A_382 : vector<16xf32>
        %add3A_384 = arith.constant 600 : i32
        %add3A_385 = arith.addi %add3A_384, %add3A_358 : i32
        %swap3A_386 = arith.index_cast %add3A_385 : i32 to index
        %swap3A_387 = arith.constant 16 : index
        %swap3A_388 = tpu.vector_load %arg6[%swap3A_386, %swap3A_387] {strides = array<i32>} : memref<800x64xf32, #tpu.memory_space<vmem>>, vector<1x16xf32>,
        %swap3A_389 = vector.shape_cast %swap3A_388 : vector<1x16xf32> to vector<16xf32>
        %swap3A_390 = vector.shape_cast %mul3A_383 : vector<16xf32> to vector<1x16xf32>
        tpu.vector_store %arg6[%swap3A_386, %swap3A_387], %swap3A_390 {strides = array<i32>} : memref<800x64xf32, #tpu.memory_space<vmem>>, vector<1x16xf32>,
        %add3A_391 = arith.constant 600 : i32
        %add3A_392 = arith.addi %add3A_391, %add3A_358 : i32
        %get3A_393 = arith.index_cast %add3A_392 : i32 to index
        %get3A_394 = arith.constant 32 : index
        %get3A_395 = tpu.vector_load %arg6[%get3A_393, %get3A_394] {strides = array<i32>} : memref<800x64xf32, #tpu.memory_space<vmem>>, vector<1x16xf32>,
        %get3A_396 = vector.shape_cast %get3A_395 : vector<1x16xf32> to vector<16xf32>
        %mul3A_397 = arith.constant 1.250000e-01 : f32
        %mul3A_398 = vector.broadcast %mul3A_397 : f32 to vector<16xf32>
        %mul3A_399 = arith.mulf %get3A_396, %mul3A_398 : vector<16xf32>
        %add3A_400 = arith.constant 600 : i32
        %add3A_401 = arith.addi %add3A_400, %add3A_358 : i32
        %swap3A_402 = arith.index_cast %add3A_401 : i32 to index
        %swap3A_403 = arith.constant 32 : index
        %swap3A_404 = tpu.vector_load %arg6[%swap3A_402, %swap3A_403] {strides = array<i32>} : memref<800x64xf32, #tpu.memory_space<vmem>>, vector<1x16xf32>,
        %swap3A_405 = vector.shape_cast %swap3A_404 : vector<1x16xf32> to vector<16xf32>
        %swap3A_406 = vector.shape_cast %mul3A_399 : vector<16xf32> to vector<1x16xf32>
        tpu.vector_store %arg6[%swap3A_402, %swap3A_403], %swap3A_406 {strides = array<i32>} : memref<800x64xf32, #tpu.memory_space<vmem>>, vector<1x16xf32>,
        %add3A_407 = arith.constant 600 : i32
        %add3A_408 = arith.addi %add3A_407, %add3A_358 : i32
        %get3A_409 = arith.index_cast %add3A_408 : i32 to index
        %get3A_410 = arith.constant 48 : index
        %get3A_411 = tpu.vector_load %arg6[%get3A_409, %get3A_410] {strides = array<i32>} : memref<800x64xf32, #tpu.memory_space<vmem>>, vector<1x16xf32>,
        %get3A_412 = vector.shape_cast %get3A_411 : vector<1x16xf32> to vector<16xf32>
        %mul3A_413 = arith.constant 1.250000e-01 : f32
        %mul3A_414 = vector.broadcast %mul3A_413 : f32 to vector<16xf32>
        %mul3A_415 = arith.mulf %get3A_412, %mul3A_414 : vector<16xf32>
        %add3A_416 = arith.constant 600 : i32
        %add3A_417 = arith.addi %add3A_416, %add3A_358 : i32
        %swap3A_418 = arith.index_cast %add3A_417 : i32 to index
        %swap3A_419 = arith.constant 48 : index
        %swap3A_420 = tpu.vector_load %arg6[%swap3A_418, %swap3A_419] {strides = array<i32>} : memref<800x64xf32, #tpu.memory_space<vmem>>, vector<1x16xf32>,
        %swap3A_421 = vector.shape_cast %swap3A_420 : vector<1x16xf32> to vector<16xf32>
        %swap3A_422 = vector.shape_cast %mul3A_415 : vector<16xf32> to vector<1x16xf32>
        tpu.vector_store %arg6[%swap3A_418, %swap3A_419], %swap3A_422 {strides = array<i32>} : memref<800x64xf32, #tpu.memory_space<vmem>>, vector<1x16xf32>,
        %scan3A_423 = arith.constant 2 : i32
        %scan3A_424 = arith.addi %scan3A_286, %scan3A_423 : i32
        %mul3A_425 = arith.constant 1 : i32
        %mul3A_426 = arith.muli %scan3A_424, %mul3A_425 : i32
        %add3A_427 = arith.constant 0 : i32
        %add3A_428 = arith.addi %add3A_427, %mul3A_426 : i32
        %add3A_429 = arith.constant 600 : i32
        %add3A_430 = arith.addi %add3A_429, %add3A_428 : i32
        %get3A_431 = arith.index_cast %add3A_430 : i32 to index
        %get3A_432 = arith.constant 0 : index
        %get3A_433 = tpu.vector_load %arg6[%get3A_431, %get3A_432] {strides = array<i32>} : memref<800x64xf32, #tpu.memory_space<vmem>>, vector<1x16xf32>,
        %get3A_434 = vector.shape_cast %get3A_433 : vector<1x16xf32> to vector<16xf32>
        %mul3A_435 = arith.constant 1.250000e-01 : f32
        %mul3A_436 = vector.broadcast %mul3A_435 : f32 to vector<16xf32>
        %mul3A_437 = arith.mulf %get3A_434, %mul3A_436 : vector<16xf32>
        %add3A_438 = arith.constant 600 : i32
        %add3A_439 = arith.addi %add3A_438, %add3A_428 : i32
        %swap3A_440 = arith.index_cast %add3A_439 : i32 to index
        %swap3A_441 = arith.constant 0 : index
        %swap3A_442 = tpu.vector_load %arg6[%swap3A_440, %swap3A_441] {strides = array<i32>} : memref<800x64xf32, #tpu.memory_space<vmem>>, vector<1x16xf32>,
        %swap3A_443 = vector.shape_cast %swap3A_442 : vector<1x16xf32> to vector<16xf32>
        %swap3A_444 = vector.shape_cast %mul3A_437 : vector<16xf32> to vector<1x16xf32>
        tpu.vector_store %arg6[%swap3A_440, %swap3A_441], %swap3A_444 {strides = array<i32>} : memref<800x64xf32, #tpu.memory_space<vmem>>, vector<1x16xf32>,
        %add3A_445 = arith.constant 600 : i32
        %add3A_446 = arith.addi %add3A_445, %add3A_428 : i32
        %get3A_447 = arith.index_cast %add3A_446 : i32 to index
        %get3A_448 = arith.constant 16 : index
        %get3A_449 = tpu.vector_load %arg6[%get3A_447, %get3A_448] {strides = array<i32>} : memref<800x64xf32, #tpu.memory_space<vmem>>, vector<1x16xf32>,
        %get3A_450 = vector.shape_cast %get3A_449 : vector<1x16xf32> to vector<16xf32>
        %mul3A_451 = arith.constant 1.250000e-01 : f32
        %mul3A_452 = vector.broadcast %mul3A_451 : f32 to vector<16xf32>
        %mul3A_453 = arith.mulf %get3A_450, %mul3A_452 : vector<16xf32>
        %add3A_454 = arith.constant 600 : i32
        %add3A_455 = arith.addi %add3A_454, %add3A_428 : i32
        %swap3A_456 = arith.index_cast %add3A_455 : i32 to index
        %swap3A_457 = arith.constant 16 : index
        %swap3A_458 = tpu.vector_load %arg6[%swap3A_456, %swap3A_457] {strides = array<i32>} : memref<800x64xf32, #tpu.memory_space<vmem>>, vector<1x16xf32>,
        %swap3A_459 = vector.shape_cast %swap3A_458 : vector<1x16xf32> to vector<16xf32>
        %swap3A_460 = vector.shape_cast %mul3A_453 : vector<16xf32> to vector<1x16xf32>
        tpu.vector_store %arg6[%swap3A_456, %swap3A_457], %swap3A_460 {strides = array<i32>} : memref<800x64xf32, #tpu.memory_space<vmem>>, vector<1x16xf32>,
        %add3A_461 = arith.constant 600 : i32
        %add3A_462 = arith.addi %add3A_461, %add3A_428 : i32
        %get3A_463 = arith.index_cast %add3A_462 : i32 to index
        %get3A_464 = arith.constant 32 : index
        %get3A_465 = tpu.vector_load %arg6[%get3A_463, %get3A_464] {strides = array<i32>} : memref<800x64xf32, #tpu.memory_space<vmem>>, vector<1x16xf32>,
        %get3A_466 = vector.shape_cast %get3A_465 : vector<1x16xf32> to vector<16xf32>
        %mul3A_467 = arith.constant 1.250000e-01 : f32
        %mul3A_468 = vector.broadcast %mul3A_467 : f32 to vector<16xf32>
        %mul3A_469 = arith.mulf %get3A_466, %mul3A_468 : vector<16xf32>
        %add3A_470 = arith.constant 600 : i32
        %add3A_471 = arith.addi %add3A_470, %add3A_428 : i32
        %swap3A_472 = arith.index_cast %add3A_471 : i32 to index
        %swap3A_473 = arith.constant 32 : index
        %swap3A_474 = tpu.vector_load %arg6[%swap3A_472, %swap3A_473] {strides = array<i32>} : memref<800x64xf32, #tpu.memory_space<vmem>>, vector<1x16xf32>,
        %swap3A_475 = vector.shape_cast %swap3A_474 : vector<1x16xf32> to vector<16xf32>
        %swap3A_476 = vector.shape_cast %mul3A_469 : vector<16xf32> to vector<1x16xf32>
        tpu.vector_store %arg6[%swap3A_472, %swap3A_473], %swap3A_476 {strides = array<i32>} : memref<800x64xf32, #tpu.memory_space<vmem>>, vector<1x16xf32>,
        %add3A_477 = arith.constant 600 : i32
        %add3A_478 = arith.addi %add3A_477, %add3A_428 : i32
        %get3A_479 = arith.index_cast %add3A_478 : i32 to index
        %get3A_480 = arith.constant 48 : index
        %get3A_481 = tpu.vector_load %arg6[%get3A_479, %get3A_480] {strides = array<i32>} : memref<800x64xf32, #tpu.memory_space<vmem>>, vector<1x16xf32>,
        %get3A_482 = vector.shape_cast %get3A_481 : vector<1x16xf32> to vector<16xf32>
        %mul3A_483 = arith.constant 1.250000e-01 : f32
        %mul3A_484 = vector.broadcast %mul3A_483 : f32 to vector<16xf32>
        %mul3A_485 = arith.mulf %get3A_482, %mul3A_484 : vector<16xf32>
        %add3A_486 = arith.constant 600 : i32
        %add3A_487 = arith.addi %add3A_486, %add3A_428 : i32
        %swap3A_488 = arith.index_cast %add3A_487 : i32 to index
        %swap3A_489 = arith.constant 48 : index
        %swap3A_490 = tpu.vector_load %arg6[%swap3A_488, %swap3A_489] {strides = array<i32>} : memref<800x64xf32, #tpu.memory_space<vmem>>, vector<1x16xf32>,
        %swap3A_491 = vector.shape_cast %swap3A_490 : vector<1x16xf32> to vector<16xf32>
        %swap3A_492 = vector.shape_cast %mul3A_485 : vector<16xf32> to vector<1x16xf32>
        tpu.vector_store %arg6[%swap3A_488, %swap3A_489], %swap3A_492 {strides = array<i32>} : memref<800x64xf32, #tpu.memory_space<vmem>>, vector<1x16xf32>,
        %scan3A_493 = arith.constant 3 : i32
        %scan3A_494 = arith.addi %scan3A_286, %scan3A_493 : i32
        %mul3A_495 = arith.constant 1 : i32
        %mul3A_496 = arith.muli %scan3A_494, %mul3A_495 : i32
        %add3A_497 = arith.constant 0 : i32
        %add3A_498 = arith.addi %add3A_497, %mul3A_496 : i32
        %add3A_499 = arith.constant 600 : i32
        %add3A_500 = arith.addi %add3A_499, %add3A_498 : i32
        %get3A_501 = arith.index_cast %add3A_500 : i32 to index
        %get3A_502 = arith.constant 0 : index
        %get3A_503 = tpu.vector_load %arg6[%get3A_501, %get3A_502] {strides = array<i32>} : memref<800x64xf32, #tpu.memory_space<vmem>>, vector<1x16xf32>,
        %get3A_504 = vector.shape_cast %get3A_503 : vector<1x16xf32> to vector<16xf32>
        %mul3A_505 = arith.constant 1.250000e-01 : f32
        %mul3A_506 = vector.broadcast %mul3A_505 : f32 to vector<16xf32>
        %mul3A_507 = arith.mulf %get3A_504, %mul3A_506 : vector<16xf32>
        %add3A_508 = arith.constant 600 : i32
        %add3A_509 = arith.addi %add3A_508, %add3A_498 : i32
        %swap3A_510 = arith.index_cast %add3A_509 : i32 to index
        %swap3A_511 = arith.constant 0 : index
        %swap3A_512 = tpu.vector_load %arg6[%swap3A_510, %swap3A_511] {strides = array<i32>} : memref<800x64xf32, #tpu.memory_space<vmem>>, vector<1x16xf32>,
        %swap3A_513 = vector.shape_cast %swap3A_512 : vector<1x16xf32> to vector<16xf32>
        %swap3A_514 = vector.shape_cast %mul3A_507 : vector<16xf32> to vector<1x16xf32>
        tpu.vector_store %arg6[%swap3A_510, %swap3A_511], %swap3A_514 {strides = array<i32>} : memref<800x64xf32, #tpu.memory_space<vmem>>, vector<1x16xf32>,
        %add3A_515 = arith.constant 600 : i32
        %add3A_516 = arith.addi %add3A_515, %add3A_498 : i32
        %get3A_517 = arith.index_cast %add3A_516 : i32 to index
        %get3A_518 = arith.constant 16 : index
        %get3A_519 = tpu.vector_load %arg6[%get3A_517, %get3A_518] {strides = array<i32>} : memref<800x64xf32, #tpu.memory_space<vmem>>, vector<1x16xf32>,
        %get3A_520 = vector.shape_cast %get3A_519 : vector<1x16xf32> to vector<16xf32>
        %mul3A_521 = arith.constant 1.250000e-01 : f32
        %mul3A_522 = vector.broadcast %mul3A_521 : f32 to vector<16xf32>
        %mul3A_523 = arith.mulf %get3A_520, %mul3A_522 : vector<16xf32>
        %add3A_524 = arith.constant 600 : i32
        %add3A_525 = arith.addi %add3A_524, %add3A_498 : i32
        %swap3A_526 = arith.index_cast %add3A_525 : i32 to index
        %swap3A_527 = arith.constant 16 : index
        %swap3A_528 = tpu.vector_load %arg6[%swap3A_526, %swap3A_527] {strides = array<i32>} : memref<800x64xf32, #tpu.memory_space<vmem>>, vector<1x16xf32>,
        %swap3A_529 = vector.shape_cast %swap3A_528 : vector<1x16xf32> to vector<16xf32>
        %swap3A_530 = vector.shape_cast %mul3A_523 : vector<16xf32> to vector<1x16xf32>
        tpu.vector_store %arg6[%swap3A_526, %swap3A_527], %swap3A_530 {strides = array<i32>} : memref<800x64xf32, #tpu.memory_space<vmem>>, vector<1x16xf32>,
        %add3A_531 = arith.constant 600 : i32
        %add3A_532 = arith.addi %add3A_531, %add3A_498 : i32
        %get3A_533 = arith.index_cast %add3A_532 : i32 to index
        %get3A_534 = arith.constant 32 : index
        %get3A_535 = tpu.vector_load %arg6[%get3A_533, %get3A_534] {strides = array<i32>} : memref<800x64xf32, #tpu.memory_space<vmem>>, vector<1x16xf32>,
        %get3A_536 = vector.shape_cast %get3A_535 : vector<1x16xf32> to vector<16xf32>
        %mul3A_537 = arith.constant 1.250000e-01 : f32
        %mul3A_538 = vector.broadcast %mul3A_537 : f32 to vector<16xf32>
        %mul3A_539 = arith.mulf %get3A_536, %mul3A_538 : vector<16xf32>
        %add3A_540 = arith.constant 600 : i32
        %add3A_541 = arith.addi %add3A_540, %add3A_498 : i32
        %swap3A_542 = arith.index_cast %add3A_541 : i32 to index
        %swap3A_543 = arith.constant 32 : index
        %swap3A_544 = tpu.vector_load %arg6[%swap3A_542, %swap3A_543] {strides = array<i32>} : memref<800x64xf32, #tpu.memory_space<vmem>>, vector<1x16xf32>,
        %swap3A_545 = vector.shape_cast %swap3A_544 : vector<1x16xf32> to vector<16xf32>
        %swap3A_546 = vector.shape_cast %mul3A_539 : vector<16xf32> to vector<1x16xf32>
        tpu.vector_store %arg6[%swap3A_542, %swap3A_543], %swap3A_546 {strides = array<i32>} : memref<800x64xf32, #tpu.memory_space<vmem>>, vector<1x16xf32>,
        %add3A_547 = arith.constant 600 : i32
        %add3A_548 = arith.addi %add3A_547, %add3A_498 : i32
        %get3A_549 = arith.index_cast %add3A_548 : i32 to index
        %get3A_550 = arith.constant 48 : index
        %get3A_551 = tpu.vector_load %arg6[%get3A_549, %get3A_550] {strides = array<i32>} : memref<800x64xf32, #tpu.memory_space<vmem>>, vector<1x16xf32>,
        %get3A_552 = vector.shape_cast %get3A_551 : vector<1x16xf32> to vector<16xf32>
        %mul3A_553 = arith.constant 1.250000e-01 : f32
        %mul3A_554 = vector.broadcast %mul3A_553 : f32 to vector<16xf32>
        %mul3A_555 = arith.mulf %get3A_552, %mul3A_554 : vector<16xf32>
        %add3A_556 = arith.constant 600 : i32
        %add3A_557 = arith.addi %add3A_556, %add3A_498 : i32
        %swap3A_558 = arith.index_cast %add3A_557 : i32 to index
        %swap3A_559 = arith.constant 48 : index
        %swap3A_560 = tpu.vector_load %arg6[%swap3A_558, %swap3A_559] {strides = array<i32>} : memref<800x64xf32, #tpu.memory_space<vmem>>, vector<1x16xf32>,
        %swap3A_561 = vector.shape_cast %swap3A_560 : vector<1x16xf32> to vector<16xf32>
        %swap3A_562 = vector.shape_cast %mul3A_555 : vector<16xf32> to vector<1x16xf32>
        tpu.vector_store %arg6[%swap3A_558, %swap3A_559], %swap3A_562 {strides = array<i32>} : memref<800x64xf32, #tpu.memory_space<vmem>>, vector<1x16xf32>,
        %scan3A_563 = arith.constant 4 : i32
        %scan3A_564 = arith.addi %scan3A_286, %scan3A_563 : i32
        %mul3A_565 = arith.constant 1 : i32
        %mul3A_566 = arith.muli %scan3A_564, %mul3A_565 : i32
        %add3A_567 = arith.constant 0 : i32
        %add3A_568 = arith.addi %add3A_567, %mul3A_566 : i32
        %add3A_569 = arith.constant 600 : i32
        %add3A_570 = arith.addi %add3A_569, %add3A_568 : i32
        %get3A_571 = arith.index_cast %add3A_570 : i32 to index
        %get3A_572 = arith.constant 0 : index
        %get3A_573 = tpu.vector_load %arg6[%get3A_571, %get3A_572] {strides = array<i32>} : memref<800x64xf32, #tpu.memory_space<vmem>>, vector<1x16xf32>,
        %get3A_574 = vector.shape_cast %get3A_573 : vector<1x16xf32> to vector<16xf32>
        %mul3A_575 = arith.constant 1.250000e-01 : f32
        %mul3A_576 = vector.broadcast %mul3A_575 : f32 to vector<16xf32>
        %mul3A_577 = arith.mulf %get3A_574, %mul3A_576 : vector<16xf32>
        %add3A_578 = arith.constant 600 : i32
        %add3A_579 = arith.addi %add3A_578, %add3A_568 : i32
        %swap3A_580 = arith.index_cast %add3A_579 : i32 to index
        %swap3A_581 = arith.constant 0 : index
        %swap3A_582 = tpu.vector_load %arg6[%swap3A_580, %swap3A_581] {strides = array<i32>} : memref<800x64xf32, #tpu.memory_space<vmem>>, vector<1x16xf32>,
        %swap3A_583 = vector.shape_cast %swap3A_582 : vector<1x16xf32> to vector<16xf32>
        %swap3A_584 = vector.shape_cast %mul3A_577 : vector<16xf32> to vector<1x16xf32>
        tpu.vector_store %arg6[%swap3A_580, %swap3A_581], %swap3A_584 {strides = array<i32>} : memref<800x64xf32, #tpu.memory_space<vmem>>, vector<1x16xf32>,
        %add3A_585 = arith.constant 600 : i32
        %add3A_586 = arith.addi %add3A_585, %add3A_568 : i32
        %get3A_587 = arith.index_cast %add3A_586 : i32 to index
        %get3A_588 = arith.constant 16 : index
        %get3A_589 = tpu.vector_load %arg6[%get3A_587, %get3A_588] {strides = array<i32>} : memref<800x64xf32, #tpu.memory_space<vmem>>, vector<1x16xf32>,
        %get3A_590 = vector.shape_cast %get3A_589 : vector<1x16xf32> to vector<16xf32>
        %mul3A_591 = arith.constant 1.250000e-01 : f32
        %mul3A_592 = vector.broadcast %mul3A_591 : f32 to vector<16xf32>
        %mul3A_593 = arith.mulf %get3A_590, %mul3A_592 : vector<16xf32>
        %add3A_594 = arith.constant 600 : i32
        %add3A_595 = arith.addi %add3A_594, %add3A_568 : i32
        %swap3A_596 = arith.index_cast %add3A_595 : i32 to index
        %swap3A_597 = arith.constant 16 : index
        %swap3A_598 = tpu.vector_load %arg6[%swap3A_596, %swap3A_597] {strides = array<i32>} : memref<800x64xf32, #tpu.memory_space<vmem>>, vector<1x16xf32>,
        %swap3A_599 = vector.shape_cast %swap3A_598 : vector<1x16xf32> to vector<16xf32>
        %swap3A_600 = vector.shape_cast %mul3A_593 : vector<16xf32> to vector<1x16xf32>
        tpu.vector_store %arg6[%swap3A_596, %swap3A_597], %swap3A_600 {strides = array<i32>} : memref<800x64xf32, #tpu.memory_space<vmem>>, vector<1x16xf32>,
        %add3A_601 = arith.constant 600 : i32
        %add3A_602 = arith.addi %add3A_601, %add3A_568 : i32
        %get3A_603 = arith.index_cast %add3A_602 : i32 to index
        %get3A_604 = arith.constant 32 : index
        %get3A_605 = tpu.vector_load %arg6[%get3A_603, %get3A_604] {strides = array<i32>} : memref<800x64xf32, #tpu.memory_space<vmem>>, vector<1x16xf32>,
        %get3A_606 = vector.shape_cast %get3A_605 : vector<1x16xf32> to vector<16xf32>
        %mul3A_607 = arith.constant 1.250000e-01 : f32
        %mul3A_608 = vector.broadcast %mul3A_607 : f32 to vector<16xf32>
        %mul3A_609 = arith.mulf %get3A_606, %mul3A_608 : vector<16xf32>
        %add3A_610 = arith.constant 600 : i32
        %add3A_611 = arith.addi %add3A_610, %add3A_568 : i32
        %swap3A_612 = arith.index_cast %add3A_611 : i32 to index
        %swap3A_613 = arith.constant 32 : index
        %swap3A_614 = tpu.vector_load %arg6[%swap3A_612, %swap3A_613] {strides = array<i32>} : memref<800x64xf32, #tpu.memory_space<vmem>>, vector<1x16xf32>,
        %swap3A_615 = vector.shape_cast %swap3A_614 : vector<1x16xf32> to vector<16xf32>
        %swap3A_616 = vector.shape_cast %mul3A_609 : vector<16xf32> to vector<1x16xf32>
        tpu.vector_store %arg6[%swap3A_612, %swap3A_613], %swap3A_616 {strides = array<i32>} : memref<800x64xf32, #tpu.memory_space<vmem>>, vector<1x16xf32>,
        %add3A_617 = arith.constant 600 : i32
        %add3A_618 = arith.addi %add3A_617, %add3A_568 : i32
        %get3A_619 = arith.index_cast %add3A_618 : i32 to index
        %get3A_620 = arith.constant 48 : index
        %get3A_621 = tpu.vector_load %arg6[%get3A_619, %get3A_620] {strides = array<i32>} : memref<800x64xf32, #tpu.memory_space<vmem>>, vector<1x16xf32>,
        %get3A_622 = vector.shape_cast %get3A_621 : vector<1x16xf32> to vector<16xf32>
        %mul3A_623 = arith.constant 1.250000e-01 : f32
        %mul3A_624 = vector.broadcast %mul3A_623 : f32 to vector<16xf32>
        %mul3A_625 = arith.mulf %get3A_622, %mul3A_624 : vector<16xf32>
        %add3A_626 = arith.constant 600 : i32
        %add3A_627 = arith.addi %add3A_626, %add3A_568 : i32
        %swap3A_628 = arith.index_cast %add3A_627 : i32 to index
        %swap3A_629 = arith.constant 48 : index
        %swap3A_630 = tpu.vector_load %arg6[%swap3A_628, %swap3A_629] {strides = array<i32>} : memref<800x64xf32, #tpu.memory_space<vmem>>, vector<1x16xf32>,
        %swap3A_631 = vector.shape_cast %swap3A_630 : vector<1x16xf32> to vector<16xf32>
        %swap3A_632 = vector.shape_cast %mul3A_625 : vector<16xf32> to vector<1x16xf32>
        tpu.vector_store %arg6[%swap3A_628, %swap3A_629], %swap3A_632 {strides = array<i32>} : memref<800x64xf32, #tpu.memory_space<vmem>>, vector<1x16xf32>,
        %scan3A_633 = arith.constant 5 : i32
        %scan3A_634 = arith.addi %scan3A_286, %scan3A_633 : i32
        %mul3A_635 = arith.constant 1 : i32
        %mul3A_636 = arith.muli %scan3A_634, %mul3A_635 : i32
        %add3A_637 = arith.constant 0 : i32
        %add3A_638 = arith.addi %add3A_637, %mul3A_636 : i32
        %add3A_639 = arith.constant 600 : i32
        %add3A_640 = arith.addi %add3A_639, %add3A_638 : i32
        %get3A_641 = arith.index_cast %add3A_640 : i32 to index
        %get3A_642 = arith.constant 0 : index
        %get3A_643 = tpu.vector_load %arg6[%get3A_641, %get3A_642] {strides = array<i32>} : memref<800x64xf32, #tpu.memory_space<vmem>>, vector<1x16xf32>,
        %get3A_644 = vector.shape_cast %get3A_643 : vector<1x16xf32> to vector<16xf32>
        %mul3A_645 = arith.constant 1.250000e-01 : f32
        %mul3A_646 = vector.broadcast %mul3A_645 : f32 to vector<16xf32>
        %mul3A_647 = arith.mulf %get3A_644, %mul3A_646 : vector<16xf32>
        %add3A_648 = arith.constant 600 : i32
        %add3A_649 = arith.addi %add3A_648, %add3A_638 : i32
        %swap3A_650 = arith.index_cast %add3A_649 : i32 to index
        %swap3A_651 = arith.constant 0 : index
        %swap3A_652 = tpu.vector_load %arg6[%swap3A_650, %swap3A_651] {strides = array<i32>} : memref<800x64xf32, #tpu.memory_space<vmem>>, vector<1x16xf32>,
        %swap3A_653 = vector.shape_cast %swap3A_652 : vector<1x16xf32> to vector<16xf32>
        %swap3A_654 = vector.shape_cast %mul3A_647 : vector<16xf32> to vector<1x16xf32>
        tpu.vector_store %arg6[%swap3A_650, %swap3A_651], %swap3A_654 {strides = array<i32>} : memref<800x64xf32, #tpu.memory_space<vmem>>, vector<1x16xf32>,
        %add3A_655 = arith.constant 600 : i32
        %add3A_656 = arith.addi %add3A_655, %add3A_638 : i32
        %get3A_657 = arith.index_cast %add3A_656 : i32 to index
        %get3A_658 = arith.constant 16 : index
        %get3A_659 = tpu.vector_load %arg6[%get3A_657, %get3A_658] {strides = array<i32>} : memref<800x64xf32, #tpu.memory_space<vmem>>, vector<1x16xf32>,
        %get3A_660 = vector.shape_cast %get3A_659 : vector<1x16xf32> to vector<16xf32>
        %mul3A_661 = arith.constant 1.250000e-01 : f32
        %mul3A_662 = vector.broadcast %mul3A_661 : f32 to vector<16xf32>
        %mul3A_663 = arith.mulf %get3A_660, %mul3A_662 : vector<16xf32>
        %add3A_664 = arith.constant 600 : i32
        %add3A_665 = arith.addi %add3A_664, %add3A_638 : i32
        %swap3A_666 = arith.index_cast %add3A_665 : i32 to index
        %swap3A_667 = arith.constant 16 : index
        %swap3A_668 = tpu.vector_load %arg6[%swap3A_666, %swap3A_667] {strides = array<i32>} : memref<800x64xf32, #tpu.memory_space<vmem>>, vector<1x16xf32>,
        %swap3A_669 = vector.shape_cast %swap3A_668 : vector<1x16xf32> to vector<16xf32>
        %swap3A_670 = vector.shape_cast %mul3A_663 : vector<16xf32> to vector<1x16xf32>
        tpu.vector_store %arg6[%swap3A_666, %swap3A_667], %swap3A_670 {strides = array<i32>} : memref<800x64xf32, #tpu.memory_space<vmem>>, vector<1x16xf32>,
        %add3A_671 = arith.constant 600 : i32
        %add3A_672 = arith.addi %add3A_671, %add3A_638 : i32
        %get3A_673 = arith.index_cast %add3A_672 : i32 to index
        %get3A_674 = arith.constant 32 : index
        %get3A_675 = tpu.vector_load %arg6[%get3A_673, %get3A_674] {strides = array<i32>} : memref<800x64xf32, #tpu.memory_space<vmem>>, vector<1x16xf32>,
        %get3A_676 = vector.shape_cast %get3A_675 : vector<1x16xf32> to vector<16xf32>
        %mul3A_677 = arith.constant 1.250000e-01 : f32
        %mul3A_678 = vector.broadcast %mul3A_677 : f32 to vector<16xf32>
        %mul3A_679 = arith.mulf %get3A_676, %mul3A_678 : vector<16xf32>
        %add3A_680 = arith.constant 600 : i32
        %add3A_681 = arith.addi %add3A_680, %add3A_638 : i32
        %swap3A_682 = arith.index_cast %add3A_681 : i32 to index
        %swap3A_683 = arith.constant 32 : index
        %swap3A_684 = tpu.vector_load %arg6[%swap3A_682, %swap3A_683] {strides = array<i32>} : memref<800x64xf32, #tpu.memory_space<vmem>>, vector<1x16xf32>,
        %swap3A_685 = vector.shape_cast %swap3A_684 : vector<1x16xf32> to vector<16xf32>
        %swap3A_686 = vector.shape_cast %mul3A_679 : vector<16xf32> to vector<1x16xf32>
        tpu.vector_store %arg6[%swap3A_682, %swap3A_683], %swap3A_686 {strides = array<i32>} : memref<800x64xf32, #tpu.memory_space<vmem>>, vector<1x16xf32>,
        %add3A_687 = arith.constant 600 : i32
        %add3A_688 = arith.addi %add3A_687, %add3A_638 : i32
        %get3A_689 = arith.index_cast %add3A_688 : i32 to index
        %get3A_690 = arith.constant 48 : index
        %get3A_691 = tpu.vector_load %arg6[%get3A_689, %get3A_690] {strides = array<i32>} : memref<800x64xf32, #tpu.memory_space<vmem>>, vector<1x16xf32>,
        %get3A_692 = vector.shape_cast %get3A_691 : vector<1x16xf32> to vector<16xf32>
        %mul3A_693 = arith.constant 1.250000e-01 : f32
        %mul3A_694 = vector.broadcast %mul3A_693 : f32 to vector<16xf32>
        %mul3A_695 = arith.mulf %get3A_692, %mul3A_694 : vector<16xf32>
        %add3A_696 = arith.constant 600 : i32
        %add3A_697 = arith.addi %add3A_696, %add3A_638 : i32
        %swap3A_698 = arith.index_cast %add3A_697 : i32 to index
        %swap3A_699 = arith.constant 48 : index
        %swap3A_700 = tpu.vector_load %arg6[%swap3A_698, %swap3A_699] {strides = array<i32>} : memref<800x64xf32, #tpu.memory_space<vmem>>, vector<1x16xf32>,
        %swap3A_701 = vector.shape_cast %swap3A_700 : vector<1x16xf32> to vector<16xf32>
        %swap3A_702 = vector.shape_cast %mul3A_695 : vector<16xf32> to vector<1x16xf32>
        tpu.vector_store %arg6[%swap3A_698, %swap3A_699], %swap3A_702 {strides = array<i32>} : memref<800x64xf32, #tpu.memory_space<vmem>>, vector<1x16xf32>,
        %scan3A_703 = arith.constant 6 : i32
        %scan3A_704 = arith.addi %scan3A_286, %scan3A_703 : i32
        %mul3A_705 = arith.constant 1 : i32
        %mul3A_706 = arith.muli %scan3A_704, %mul3A_705 : i32
        %add3A_707 = arith.constant 0 : i32
        %add3A_708 = arith.addi %add3A_707, %mul3A_706 : i32
        %add3A_709 = arith.constant 600 : i32
        %add3A_710 = arith.addi %add3A_709, %add3A_708 : i32
        %get3A_711 = arith.index_cast %add3A_710 : i32 to index
        %get3A_712 = arith.constant 0 : index
        %get3A_713 = tpu.vector_load %arg6[%get3A_711, %get3A_712] {strides = array<i32>} : memref<800x64xf32, #tpu.memory_space<vmem>>, vector<1x16xf32>,
        %get3A_714 = vector.shape_cast %get3A_713 : vector<1x16xf32> to vector<16xf32>
        %mul3A_715 = arith.constant 1.250000e-01 : f32
        %mul3A_716 = vector.broadcast %mul3A_715 : f32 to vector<16xf32>
        %mul3A_717 = arith.mulf %get3A_714, %mul3A_716 : vector<16xf32>
        %add3A_718 = arith.constant 600 : i32
        %add3A_719 = arith.addi %add3A_718, %add3A_708 : i32
        %swap3A_720 = arith.index_cast %add3A_719 : i32 to index
        %swap3A_721 = arith.constant 0 : index
        %swap3A_722 = tpu.vector_load %arg6[%swap3A_720, %swap3A_721] {strides = array<i32>} : memref<800x64xf32, #tpu.memory_space<vmem>>, vector<1x16xf32>,
        %swap3A_723 = vector.shape_cast %swap3A_722 : vector<1x16xf32> to vector<16xf32>
        %swap3A_724 = vector.shape_cast %mul3A_717 : vector<16xf32> to vector<1x16xf32>
        tpu.vector_store %arg6[%swap3A_720, %swap3A_721], %swap3A_724 {strides = array<i32>} : memref<800x64xf32, #tpu.memory_space<vmem>>, vector<1x16xf32>,
        %add3A_725 = arith.constant 600 : i32
        %add3A_726 = arith.addi %add3A_725, %add3A_708 : i32
        %get3A_727 = arith.index_cast %add3A_726 : i32 to index
        %get3A_728 = arith.constant 16 : index
        %get3A_729 = tpu.vector_load %arg6[%get3A_727, %get3A_728] {strides = array<i32>} : memref<800x64xf32, #tpu.memory_space<vmem>>, vector<1x16xf32>,
        %get3A_730 = vector.shape_cast %get3A_729 : vector<1x16xf32> to vector<16xf32>
        %mul3A_731 = arith.constant 1.250000e-01 : f32
        %mul3A_732 = vector.broadcast %mul3A_731 : f32 to vector<16xf32>
        %mul3A_733 = arith.mulf %get3A_730, %mul3A_732 : vector<16xf32>
        %add3A_734 = arith.constant 600 : i32
        %add3A_735 = arith.addi %add3A_734, %add3A_708 : i32
        %swap3A_736 = arith.index_cast %add3A_735 : i32 to index
        %swap3A_737 = arith.constant 16 : index
        %swap3A_738 = tpu.vector_load %arg6[%swap3A_736, %swap3A_737] {strides = array<i32>} : memref<800x64xf32, #tpu.memory_space<vmem>>, vector<1x16xf32>,
        %swap3A_739 = vector.shape_cast %swap3A_738 : vector<1x16xf32> to vector<16xf32>
        %swap3A_740 = vector.shape_cast %mul3A_733 : vector<16xf32> to vector<1x16xf32>
        tpu.vector_store %arg6[%swap3A_736, %swap3A_737], %swap3A_740 {strides = array<i32>} : memref<800x64xf32, #tpu.memory_space<vmem>>, vector<1x16xf32>,
        %add3A_741 = arith.constant 600 : i32
        %add3A_742 = arith.addi %add3A_741, %add3A_708 : i32
        %get3A_743 = arith.index_cast %add3A_742 : i32 to index
        %get3A_744 = arith.constant 32 : index
        %get3A_745 = tpu.vector_load %arg6[%get3A_743, %get3A_744] {strides = array<i32>} : memref<800x64xf32, #tpu.memory_space<vmem>>, vector<1x16xf32>,
        %get3A_746 = vector.shape_cast %get3A_745 : vector<1x16xf32> to vector<16xf32>
        %mul3A_747 = arith.constant 1.250000e-01 : f32
        %mul3A_748 = vector.broadcast %mul3A_747 : f32 to vector<16xf32>
        %mul3A_749 = arith.mulf %get3A_746, %mul3A_748 : vector<16xf32>
        %add3A_750 = arith.constant 600 : i32
        %add3A_751 = arith.addi %add3A_750, %add3A_708 : i32
        %swap3A_752 = arith.index_cast %add3A_751 : i32 to index
        %swap3A_753 = arith.constant 32 : index
        %swap3A_754 = tpu.vector_load %arg6[%swap3A_752, %swap3A_753] {strides = array<i32>} : memref<800x64xf32, #tpu.memory_space<vmem>>, vector<1x16xf32>,
        %swap3A_755 = vector.shape_cast %swap3A_754 : vector<1x16xf32> to vector<16xf32>
        %swap3A_756 = vector.shape_cast %mul3A_749 : vector<16xf32> to vector<1x16xf32>
        tpu.vector_store %arg6[%swap3A_752, %swap3A_753], %swap3A_756 {strides = array<i32>} : memref<800x64xf32, #tpu.memory_space<vmem>>, vector<1x16xf32>,
        %add3A_757 = arith.constant 600 : i32
        %add3A_758 = arith.addi %add3A_757, %add3A_708 : i32
        %get3A_759 = arith.index_cast %add3A_758 : i32 to index
        %get3A_760 = arith.constant 48 : index
        %get3A_761 = tpu.vector_load %arg6[%get3A_759, %get3A_760] {strides = array<i32>} : memref<800x64xf32, #tpu.memory_space<vmem>>, vector<1x16xf32>,
        %get3A_762 = vector.shape_cast %get3A_761 : vector<1x16xf32> to vector<16xf32>
        %mul3A_763 = arith.constant 1.250000e-01 : f32
        %mul3A_764 = vector.broadcast %mul3A_763 : f32 to vector<16xf32>
        %mul3A_765 = arith.mulf %get3A_762, %mul3A_764 : vector<16xf32>
        %add3A_766 = arith.constant 600 : i32
        %add3A_767 = arith.addi %add3A_766, %add3A_708 : i32
        %swap3A_768 = arith.index_cast %add3A_767 : i32 to index
        %swap3A_769 = arith.constant 48 : index
        %swap3A_770 = tpu.vector_load %arg6[%swap3A_768, %swap3A_769] {strides = array<i32>} : memref<800x64xf32, #tpu.memory_space<vmem>>, vector<1x16xf32>,
        %swap3A_771 = vector.shape_cast %swap3A_770 : vector<1x16xf32> to vector<16xf32>
        %swap3A_772 = vector.shape_cast %mul3A_765 : vector<16xf32> to vector<1x16xf32>
        tpu.vector_store %arg6[%swap3A_768, %swap3A_769], %swap3A_772 {strides = array<i32>} : memref<800x64xf32, #tpu.memory_space<vmem>>, vector<1x16xf32>,
        %scan3A_773 = arith.constant 7 : i32
        %scan3A_774 = arith.addi %scan3A_286, %scan3A_773 : i32
        %mul3A_775 = arith.constant 1 : i32
        %mul3A_776 = arith.muli %scan3A_774, %mul3A_775 : i32
        %add3A_777 = arith.constant 0 : i32
        %add3A_778 = arith.addi %add3A_777, %mul3A_776 : i32
        %add3A_779 = arith.constant 600 : i32
        %add3A_780 = arith.addi %add3A_779, %add3A_778 : i32
        %get3A_781 = arith.index_cast %add3A_780 : i32 to index
        %get3A_782 = arith.constant 0 : index
        %get3A_783 = tpu.vector_load %arg6[%get3A_781, %get3A_782] {strides = array<i32>} : memref<800x64xf32, #tpu.memory_space<vmem>>, vector<1x16xf32>,
        %get3A_784 = vector.shape_cast %get3A_783 : vector<1x16xf32> to vector<16xf32>
        %mul3A_785 = arith.constant 1.250000e-01 : f32
        %mul3A_786 = vector.broadcast %mul3A_785 : f32 to vector<16xf32>
        %mul3A_787 = arith.mulf %get3A_784, %mul3A_786 : vector<16xf32>
        %add3A_788 = arith.constant 600 : i32
        %add3A_789 = arith.addi %add3A_788, %add3A_778 : i32
        %swap3A_790 = arith.index_cast %add3A_789 : i32 to index
        %swap3A_791 = arith.constant 0 : index
        %swap3A_792 = tpu.vector_load %arg6[%swap3A_790, %swap3A_791] {strides = array<i32>} : memref<800x64xf32, #tpu.memory_space<vmem>>, vector<1x16xf32>,
        %swap3A_793 = vector.shape_cast %swap3A_792 : vector<1x16xf32> to vector<16xf32>
        %swap3A_794 = vector.shape_cast %mul3A_787 : vector<16xf32> to vector<1x16xf32>
        tpu.vector_store %arg6[%swap3A_790, %swap3A_791], %swap3A_794 {strides = array<i32>} : memref<800x64xf32, #tpu.memory_space<vmem>>, vector<1x16xf32>,
        %add3A_795 = arith.constant 600 : i32
        %add3A_796 = arith.addi %add3A_795, %add3A_778 : i32
        %get3A_797 = arith.index_cast %add3A_796 : i32 to index
        %get3A_798 = arith.constant 16 : index
        %get3A_799 = tpu.vector_load %arg6[%get3A_797, %get3A_798] {strides = array<i32>} : memref<800x64xf32, #tpu.memory_space<vmem>>, vector<1x16xf32>,
        %get3A_800 = vector.shape_cast %get3A_799 : vector<1x16xf32> to vector<16xf32>
        %mul3A_801 = arith.constant 1.250000e-01 : f32
        %mul3A_802 = vector.broadcast %mul3A_801 : f32 to vector<16xf32>
        %mul3A_803 = arith.mulf %get3A_800, %mul3A_802 : vector<16xf32>
        %add3A_804 = arith.constant 600 : i32
        %add3A_805 = arith.addi %add3A_804, %add3A_778 : i32
        %swap3A_806 = arith.index_cast %add3A_805 : i32 to index
        %swap3A_807 = arith.constant 16 : index
        %swap3A_808 = tpu.vector_load %arg6[%swap3A_806, %swap3A_807] {strides = array<i32>} : memref<800x64xf32, #tpu.memory_space<vmem>>, vector<1x16xf32>,
        %swap3A_809 = vector.shape_cast %swap3A_808 : vector<1x16xf32> to vector<16xf32>
        %swap3A_810 = vector.shape_cast %mul3A_803 : vector<16xf32> to vector<1x16xf32>
        tpu.vector_store %arg6[%swap3A_806, %swap3A_807], %swap3A_810 {strides = array<i32>} : memref<800x64xf32, #tpu.memory_space<vmem>>, vector<1x16xf32>,
        %add3A_811 = arith.constant 600 : i32
        %add3A_812 = arith.addi %add3A_811, %add3A_778 : i32
        %get3A_813 = arith.index_cast %add3A_812 : i32 to index
        %get3A_814 = arith.constant 32 : index
        %get3A_815 = tpu.vector_load %arg6[%get3A_813, %get3A_814] {strides = array<i32>} : memref<800x64xf32, #tpu.memory_space<vmem>>, vector<1x16xf32>,
        %get3A_816 = vector.shape_cast %get3A_815 : vector<1x16xf32> to vector<16xf32>
        %mul3A_817 = arith.constant 1.250000e-01 : f32
        %mul3A_818 = vector.broadcast %mul3A_817 : f32 to vector<16xf32>
        %mul3A_819 = arith.mulf %get3A_816, %mul3A_818 : vector<16xf32>
        %add3A_820 = arith.constant 600 : i32
        %add3A_821 = arith.addi %add3A_820, %add3A_778 : i32
        %swap3A_822 = arith.index_cast %add3A_821 : i32 to index
        %swap3A_823 = arith.constant 32 : index
        %swap3A_824 = tpu.vector_load %arg6[%swap3A_822, %swap3A_823] {strides = array<i32>} : memref<800x64xf32, #tpu.memory_space<vmem>>, vector<1x16xf32>,
        %swap3A_825 = vector.shape_cast %swap3A_824 : vector<1x16xf32> to vector<16xf32>
        %swap3A_826 = vector.shape_cast %mul3A_819 : vector<16xf32> to vector<1x16xf32>
        tpu.vector_store %arg6[%swap3A_822, %swap3A_823], %swap3A_826 {strides = array<i32>} : memref<800x64xf32, #tpu.memory_space<vmem>>, vector<1x16xf32>,
        %add3A_827 = arith.constant 600 : i32
        %add3A_828 = arith.addi %add3A_827, %add3A_778 : i32
        %get3A_829 = arith.index_cast %add3A_828 : i32 to index
        %get3A_830 = arith.constant 48 : index
        %get3A_831 = tpu.vector_load %arg6[%get3A_829, %get3A_830] {strides = array<i32>} : memref<800x64xf32, #tpu.memory_space<vmem>>, vector<1x16xf32>,
        %get3A_832 = vector.shape_cast %get3A_831 : vector<1x16xf32> to vector<16xf32>
        %mul3A_833 = arith.constant 1.250000e-01 : f32
        %mul3A_834 = vector.broadcast %mul3A_833 : f32 to vector<16xf32>
        %mul3A_835 = arith.mulf %get3A_832, %mul3A_834 : vector<16xf32>
        %add3A_836 = arith.constant 600 : i32
        %add3A_837 = arith.addi %add3A_836, %add3A_778 : i32
        %swap3A_838 = arith.index_cast %add3A_837 : i32 to index
        %swap3A_839 = arith.constant 48 : index
        %swap3A_840 = tpu.vector_load %arg6[%swap3A_838, %swap3A_839] {strides = array<i32>} : memref<800x64xf32, #tpu.memory_space<vmem>>, vector<1x16xf32>,
        %swap3A_841 = vector.shape_cast %swap3A_840 : vector<1x16xf32> to vector<16xf32>
        %swap3A_842 = vector.shape_cast %mul3A_835 : vector<16xf32> to vector<1x16xf32>
        tpu.vector_store %arg6[%swap3A_838, %swap3A_839], %swap3A_842 {strides = array<i32>} : memref<800x64xf32, #tpu.memory_space<vmem>>, vector<1x16xf32>,
      }
      %scan3A_270 = arith.constant 200 : i32
      %add3A_271 = arith.addi %mul3A_2, %add3A_237 : i32
      %dma_start3A_272 = arith.constant 600 : i32
      %dma_start3A_273 = arith.constant 0 : i32
      %dma_start3A_274 = tpu.memref_slice %arg6[%dma_start3A_272, %dma_start3A_273] : memref<800x64xf32, #tpu.memory_space<vmem>> -> memref<200x64xf32, #tpu.memory_space<vmem>>
      %dma_start3A_275 = arith.constant 0 : i32
      %dma_start3A_276 = arith.constant 0 : i32
      %dma_start3A_277 = tpu.memref_slice %arg4[%add3A_271, %dma_start3A_275, %dma_start3A_276] : memref<16384x200x128xf32, #tpu.memory_space<hbm>> -> memref<1x200x64xf32, #tpu.memory_space<hbm>>
      %dma_start3A_278 = tpu.memref_squeeze %dma_start3A_277 : memref<1x200x64xf32, #tpu.memory_space<hbm>> -> memref<200x64xf32, #tpu.memory_space<hbm>>
      %dma_start3A_279 = arith.constant 0 : i32
      %dma_start3A_280 = arith.constant 0 : i32
      %dma_start3A_281 = tpu.memref_slice %arg4[%add3A_271, %dma_start3A_279, %dma_start3A_280] : memref<16384x200x128xf32, #tpu.memory_space<hbm>> -> memref<1x200x64xf32, #tpu.memory_space<hbm>>
      %dma_start3A_282 = tpu.memref_squeeze %dma_start3A_281 : memref<1x200x64xf32, #tpu.memory_space<hbm>> -> memref<200x64xf32, #tpu.memory_space<hbm>>
      %dma_start3A_283 = arith.constant 600 : i32
      %dma_start3A_284 = arith.constant 0 : i32
      %dma_start3A_285 = tpu.memref_slice %arg6[%dma_start3A_283, %dma_start3A_284] : memref<800x64xf32, #tpu.memory_space<vmem>> -> memref<200x64xf32, #tpu.memory_space<vmem>>
      tpu.enqueue_dma source(%dma_start3A_285 : memref<200x64xf32, #tpu.memory_space<vmem>>) target(%dma_start3A_282 : memref<200x64xf32, #tpu.memory_space<hbm>>) target_semaphore(%arg14 : memref<!tpu.dma_semaphore, #tpu.memory_space<semaphore_mem>>)
    }
    %scan3A_45 = arith.constant 128 : i32
    %add3A_46 = arith.constant 510 : i32
    %add3A_47 = arith.addi %mul3A_2, %add3A_46 : i32
    %dma_wait3A = arith.constant 400 : i32
    %dma_wait3A_48 = arith.constant 0 : i32
    %dma_wait3A_49 = tpu.memref_slice %arg6[%dma_wait3A, %dma_wait3A_48] : memref<800x64xf32, #tpu.memory_space<vmem>> -> memref<200x64xf32, #tpu.memory_space<vmem>>
    %dma_wait3A_50 = arith.constant 0 : i32
    %dma_wait3A_51 = arith.constant 0 : i32
    %dma_wait3A_52 = tpu.memref_slice %arg4[%add3A_47, %dma_wait3A_50, %dma_wait3A_51] : memref<16384x200x128xf32, #tpu.memory_space<hbm>> -> memref<1x200x64xf32, #tpu.memory_space<hbm>>
    %dma_wait3A_53 = tpu.memref_squeeze %dma_wait3A_52 : memref<1x200x64xf32, #tpu.memory_space<hbm>> -> memref<200x64xf32, #tpu.memory_space<hbm>>
    %dma_wait3A_54 = arith.constant 0 : i32
    %dma_wait3A_55 = arith.constant 0 : i32
    %dma_wait3A_56 = tpu.memref_slice %arg4[%add3A_47, %dma_wait3A_54, %dma_wait3A_55] : memref<16384x200x128xf32, #tpu.memory_space<hbm>> -> memref<1x200x64xf32, #tpu.memory_space<hbm>>
    %dma_wait3A_57 = tpu.memref_squeeze %dma_wait3A_56 : memref<1x200x64xf32, #tpu.memory_space<hbm>> -> memref<200x64xf32, #tpu.memory_space<hbm>>
    %dma_wait3A_58 = arith.constant 400 : i32
    %dma_wait3A_59 = arith.constant 0 : i32
    %dma_wait3A_60 = tpu.memref_slice %arg6[%dma_wait3A_58, %dma_wait3A_59] : memref<800x64xf32, #tpu.memory_space<vmem>> -> memref<200x64xf32, #tpu.memory_space<vmem>>
    tpu.wait_dma2 semaphore(%arg13 : memref<!tpu.dma_semaphore, #tpu.memory_space<semaphore_mem>>) src(%dma_wait3A_60 : memref<200x64xf32, #tpu.memory_space<vmem>>) dst(%dma_wait3A_57 : memref<200x64xf32, #tpu.memory_space<hbm>>)
    %add3A_61 = arith.constant 511 : i32
    %add3A_62 = arith.addi %mul3A_2, %add3A_61 : i32
    %dma_wait3A_63 = arith.constant 600 : i32
    %dma_wait3A_64 = arith.constant 0 : i32
    %dma_wait3A_65 = tpu.memref_slice %arg6[%dma_wait3A_63, %dma_wait3A_64] : memref<800x64xf32, #tpu.memory_space<vmem>> -> memref<200x64xf32, #tpu.memory_space<vmem>>
    %dma_wait3A_66 = arith.constant 0 : i32
    %dma_wait3A_67 = arith.constant 0 : i32
    %dma_wait3A_68 = tpu.memref_slice %arg4[%add3A_62, %dma_wait3A_66, %dma_wait3A_67] : memref<16384x200x128xf32, #tpu.memory_space<hbm>> -> memref<1x200x64xf32, #tpu.memory_space<hbm>>
    %dma_wait3A_69 = tpu.memref_squeeze %dma_wait3A_68 : memref<1x200x64xf32, #tpu.memory_space<hbm>> -> memref<200x64xf32, #tpu.memory_space<hbm>>
    %dma_wait3A_70 = arith.constant 0 : i32
    %dma_wait3A_71 = arith.constant 0 : i32
    %dma_wait3A_72 = tpu.memref_slice %arg4[%add3A_62, %dma_wait3A_70, %dma_wait3A_71] : memref<16384x200x128xf32, #tpu.memory_space<hbm>> -> memref<1x200x64xf32, #tpu.memory_space<hbm>>
    %dma_wait3A_73 = tpu.memref_squeeze %dma_wait3A_72 : memref<1x200x64xf32, #tpu.memory_space<hbm>> -> memref<200x64xf32, #tpu.memory_space<hbm>>
    %dma_wait3A_74 = arith.constant 600 : i32
    %dma_wait3A_75 = arith.constant 0 : i32
    %dma_wait3A_76 = tpu.memref_slice %arg6[%dma_wait3A_74, %dma_wait3A_75] : memref<800x64xf32, #tpu.memory_space<vmem>> -> memref<200x64xf32, #tpu.memory_space<vmem>>
    tpu.wait_dma2 semaphore(%arg14 : memref<!tpu.dma_semaphore, #tpu.memory_space<semaphore_mem>>) src(%dma_wait3A_76 : memref<200x64xf32, #tpu.memory_space<vmem>>) dst(%dma_wait3A_73 : memref<200x64xf32, #tpu.memory_space<hbm>>)
    return
  }
}

</mosaic_0001>

<sc_bundles>
// kernel: _run.3.cloned.1.call-start
scs
__scs_entry_jumppad:
0x0: {  	(pc) =	sbr.rel $0x88, $3  }
0x1: {  	(tag) =	ssettag $0x0;
	lr =	simm.s32 $0x1  }
0x2: {  	[smem:$0x3F9F] =	sst lr;
	_ =	strace $0xD0000000  }
0x3: {  	_ = 	snop  }
0x4: {  	_ = 	snop  }
0x5: {  	_ = 	snop  }
0x6: {  	_ = 	snop  }
0x7: {  	_ = 	snop  }
__scs_overlays_trampoline_lowered:
0x8: {  	[smem:$0x3FAE] =	sst s0  }
0x9: {  	[smem:$0x3FAF] =	sst s1  }
0xa: {  	[smem:$0x3FB0] =	sst s2  }
0xb: {  	[smem:$0x3FB1] =	sst s3  }
0xc: {  	[smem:$0x3FB2] =	sst s4  }
0xd: {  	[smem:$0x3FB3] =	sst s5  }
0xe: {  	[smem:$0x3FB4] =	sst s6  }
0xf: {  	[smem:$0x3FB5] =	sst s7  }
0x10: {  	[smem:$0x3FB6] =	sst s8  }
0x11: {  	[smem:$0x3FB7] =	sst s9;
	s0 =	simm.s32 @!p0 $0x0  }
0x12: {  	s1 =	sld [smem:$0x3F9D];
	s0 =	simm.s32 @p0 $0x1  }
0x13: {  	[smem:$0x3FB8] =	sst s0;
	s0 =	simm.s32 @!p1 $0x0  }
0x14: {  	s2 =	sld [smem:$0x3F9C];
	s0 =	simm.s32 @p1 $0x1  }
0x15: {  	[smem:$0x3FB9] =	sst s0;
	s0 =	simm.s32 @!p2 $0x0  }
0x16: {  	s3 =	sld [smem:$0x3FDB];
	s0 =	simm.s32 @p2 $0x1  }
0x17: {  	s4 =	simm.s32 $0x1BF5;
	[smem:$0x3FBB] =	sst s0  }
0x18: {  	s0 =	sld [smem:$0x3F9E];
	_ =	swait.ge [sflag:s4], $0x0  }
0x19: {  	s7 =	sld [smem:$0x3F9F]  }
0x1a: {  	s8 =	sadd.s32 $0xFFFFE003, lr  }
0x1b: {  	s9 =	sadd.s32 $0xFFFFFEF7, lr;
	s5 =	simm.s32 $0xFFFFFFFF;
	p2 =	slt.u32 s8, $0xFFFFF086  }
0x1c: {  	p1 =	slt.u32 s9, $0xF7A;
	s5 =	simm.s32 @!p2 $0x0  }
0x1d: {  	s5 =	simm.s32 @p1 $0x1;
	p0 =	seq.s32 s7, s2  }
0x1e: {  	s7 =	smul.u32 @!p0 $0xF7A, s2;
	p2 =	seq.s32 @!p0 s5, $0x0  }
0x1f: {  	s9 =	smul.u32 $0xF7A, s1;
	s8 =	simm.s32 @!p0 $0x1BF5;
	p2 =	por !p2, p0  }
0x20: {  	[sflag:s8] =	ssyncset.s32 @!p0 $0xFFFFF086;
	s6 =	sadd.s32 @!p0 s3, s7;
	s7 =	simm.s32 @!p0 $0x108  }
0x21: {  	s3 =	sadd.s32 s3, s9;
	s6 =	sadd.s32 @!p0 $0x88, s6;
	s7 =	simm.s32 @p2 $0x1082  }
0x22: {  	[simem:s7], [sflag:s8] =	dma.local @!p0 [hbm:s6], $0xF7A  }
0x23: {  	s9 =	sor.u32 $0xD0000000, s2;
	s6 =	simm.s32 $0x108;
	_ =	swait.ge @!p0 [sflag:s8], $0x0  }
0x24: {  	s3 =	sadd.s32 $0x88, s3;
	s6 =	simm.s32 @!p1 $0x1082;
	[sflag:s4] =	ssyncset.s32 $0xFFFFF086  }
0x25: {  	[simem:s6], [sflag:s4] =	dma.local [hbm:s3], $0xF7A  }
0x26: {  	[smem:$0x3F9F] =	sst s1;
	(tag) =	ssettag s2;
	_ =	strace s9  }
0x27: {  	s1 =	sld [smem:$0x3FAF]  }
0x28: {  	s2 =	sld [smem:$0x3FB0]  }
0x29: {  	s4 =	sld [smem:$0x3FB2]  }
0x2a: {  	p0 =	seq.s32 s5, $0x0;
	s5 =	sld [smem:$0x3FB3]  }
0x2b: {  	s6 =	sld [smem:$0x3FB4]  }
0x2c: {  	s7 =	sld [smem:$0x3FB5]  }
0x2d: {  	s3 =	simm.s32 $0x108;
	s8 =	sld [smem:$0x3FB6]  }
0x2e: {  	s3 =	simm.s32 @!p0 $0x1082;
	s9 =	sld [smem:$0x3FB7]  }
0x2f: {  	lr =	sadd.s32 s0, s3;
	s0 =	sld [smem:$0x3FAE]  }
0x30: {  	s3 =	sld [smem:$0x3FB1]  }
0x31: {  	[smem:$0x3FBA] =	sst s10  }
0x32: {  	s10 =	sld [smem:$0x3FB8];
	_ =	sdelay $0x3  }
0x33: {  	p0 =	seq.s32 s10, $0x1;
	s10 =	sld [smem:$0x3FBA];
	_ =	sdelay $0x3  }
0x34: {  	[smem:$0x3FBA] =	sst s10  }
0x35: {  	s10 =	sld [smem:$0x3FB9];
	_ =	sdelay $0x3  }
0x36: {  	p1 =	seq.s32 s10, $0x1;
	s10 =	sld [smem:$0x3FBA];
	_ =	sdelay $0x3  }
0x37: {  	[smem:$0x3FBA] =	sst s10  }
0x38: {  	s10 =	sld [smem:$0x3FBB]  }
0x39: {  	_ = 	snop;
	(pc) =	sbr.ind lr, $3  }
0x3a: {  	_ = 	snop  }
0x3b: {  	_ = 	snop  }
0x3c: {  	p2 =	seq.s32 s10, $0x1;
	s10 =	sld [smem:$0x3FBA]  }
0x3d: {  	_ =	shalt  }
0x3e: {  	_ =	shalt  }
0x3f: {  	_ =	shalt  }
0x40: {  	_ =	shalt  }
0x41: {  	_ =	shalt  }
0x42: {  	_ =	shalt  }
0x43: {  	_ =	shalt  }
0x44: {  	_ =	shalt  }
0x45: {  	_ =	shalt  }
0x46: {  	_ =	shalt  }
0x47: {  	_ =	shalt  }
0x48: {  	_ =	shalt  }
0x49: {  	_ =	shalt  }
0x4a: {  	_ =	shalt  }
0x4b: {  	_ =	shalt  }
0x4c: {  	_ =	shalt  }
0x4d: {  	_ =	shalt  }
0x4e: {  	_ =	shalt  }
0x4f: {  	_ =	shalt  }
0x50: {  	_ =	shalt  }
0x51: {  	_ =	shalt  }
0x52: {  	_ =	shalt  }
0x53: {  	_ =	shalt  }
0x54: {  	_ =	shalt  }
0x55: {  	_ =	shalt  }
0x56: {  	_ =	shalt  }
0x57: {  	_ =	shalt  }
0x58: {  	_ =	shalt  }
0x59: {  	_ =	shalt  }
0x5a: {  	_ =	shalt  }
0x5b: {  	_ =	shalt  }
0x5c: {  	_ =	shalt  }
0x5d: {  	_ =	shalt  }
0x5e: {  	_ =	shalt  }
0x5f: {  	_ =	shalt  }
0x60: {  	_ =	shalt  }
0x61: {  	_ =	shalt  }
0x62: {  	_ =	shalt  }
0x63: {  	_ =	shalt  }
0x64: {  	_ =	shalt  }
0x65: {  	_ =	shalt  }
0x66: {  	_ =	shalt  }
0x67: {  	_ =	shalt  }
0x68: {  	_ =	shalt  }
0x69: {  	_ =	shalt  }
0x6a: {  	_ =	shalt  }
0x6b: {  	_ =	shalt  }
0x6c: {  	_ =	shalt  }
0x6d: {  	_ =	shalt  }
0x6e: {  	_ =	shalt  }
0x6f: {  	_ =	shalt  }
0x70: {  	_ =	shalt  }
0x71: {  	_ =	shalt  }
0x72: {  	_ =	shalt  }
0x73: {  	_ =	shalt  }
0x74: {  	_ =	shalt  }
0x75: {  	_ =	shalt  }
0x76: {  	_ =	shalt  }
0x77: {  	_ =	shalt  }
0x78: {  	_ =	shalt  }
0x79: {  	_ =	shalt  }
0x7a: {  	_ =	shalt  }
0x7b: {  	_ =	shalt  }
0x7c: {  	_ =	shalt  }
0x7d: {  	_ =	shalt  }
0x7e: {  	_ =	shalt  }
0x7f: {  	_ =	shalt  }
0x80: {  	_ =	shalt  }
0x81: {  	_ =	shalt  }
0x82: {  	_ =	shalt  }
0x83: {  	_ =	shalt  }
0x84: {  	_ =	shalt  }
0x85: {  	_ =	shalt  }
0x86: {  	_ =	shalt  }
0x87: {  	_ =	shalt  }
.Lfunc_end0:
.L_simem_size_0:
called_computation_lowered:
.L_overlay_start_0:
0x88: {  	s2 =	sld [smem:$0x3FD9]  }
0x89: {  	s3 =	sld [smem:$0x3FFE];
	_ =	sdelay $0x1  }
0x8a: {  	s1 =	srdreg.scid  }
0x8b: {  	s0 =	sand.u32 $0x1, s1  }
0x8c: {  	s17 =	sshll.u32 s0, $0xA;
	s2 =	sadd.s32 s3, s2  }
0x8d: {  	s2 =	sadd.s32 s2, s17  }
0x8e: {  	[smem:$0x3FC6] =	sst s2  }
0x8f: {  	_ = 	snop  }
0x90: {  	s2 =	sld [smem:$0x3FC9]  }
0x91: {  	s18 =	sld [smem:$0x3FD0];
	(tm) =	ssettm $0x1  }
0x92: {  	s4 =	sld [smem:$0x3FFB];
	_ =	sdelay $0x3  }
0x93: {  	_ =	strace s4  }
0x94: {  	s4 =	sld [smem:$0x3FFC];
	_ =	sdelay $0x3  }
0x95: {  	_ =	strace s4  }
0x96: {  	s4 =	sld [smem:$0x3FFD];
	_ =	sdelay $0x3  }
0x97: {  	_ =	strace s4  }
0x98: {  	_ =	strace $0x8FFFFFFF  }
0x99: {  	s19 =	sld [smem:$0x3FDB];
	_ =	sdelay $0x1  }
0x9a: {  	s5 =	simm.s32 $_scs_section_size  }
0x9b: {  	s6 =	simm.s32 $_size__tile_overlayer_lowered;
	s7 =	simm.s32 $_tile_overlayer_lowered  }
0x9c: {  	s22 =	simm.s32 $0x1BFF;
	s21 =	sshll.u32 s7, $0x1;
	s4 =	sadd.s32 s5, s19  }
0x9d: {  	s8 =	simm.s32 $0x0;
	s20 =	sshll.u32 s6, $0x1;
	s6 =	sadd.s32 s21, s4  }
0x9e: {  	[timem:s8], [sflag:s22] =	dma.local [hbm:s6], s20  }
0x9f: {  	_ =	swait.ge [sflag:s22], s20  }
0xa0: {  	s5 =	ssub.s32 $0x0, s20;
	[sflag:s22] =	ssyncset.done $0x0  }
0xa1: {  	[sflag:s22] =	ssyncadd.s32 s5;
	_ =	sdelay $0x1  }
0xa2: {  	s23 =	simm.s32 $0x1B8B  }
0xa3: {  	_ =	swait.ge [sflag:s23], $0x1  }
0xa4: {  	[sflag:s23] =	ssyncset.done $0x0  }
0xa5: {  	s25 =	simm.s32 $0x1B8E;
	s24 =	sld [smem:$0x3FFE];
	[sflag:s23] =	ssyncadd.s32 $0xFFFFFFFF  }
0xa6: {  	s26 =	simm.s32 $execute0_lowered;
	[smem:$0x3FD2] =	sst s25  }
0xa7: {  	s6 =	sshll.u32 s26, $0x1;
	_ =	strace $0x80000046;
	[dreg:$0x1] =	wrdreg $0xFFFFFFFF  }
0xa8: {  	s28 =	simm.s32 $_size_execute0_lowered;
	s4 =	sadd.s32 s4, s6;
	[dreg:$0x0] =	wrdreg $0x0  }
0xa9: {  	s6 =	sshll.u32 s28, $0x1;
	[dreg:$0x2] =	wrdreg s4  }
0xaa: {  	[dreg:$0x3] =	wrdreg s6  }
0xab: {  	[dreg:$0x4] =	wrdreg $0xC0  }
0xac: {  	_ =	task [dreg:s8], $0x5FFFF  }
0xad: {  	[dreg:$0x1] =	wrdreg $0xFFFFFFFF  }
0xae: {  	[dreg:$0x0] =	wrdreg $0x60  }
0xaf: {  	[dreg:$0x2] =	wrdreg s2  }
0xb0: {  	[dreg:$0x3] =	wrdreg s24  }
0xb1: {  	[dreg:$0x4] =	wrdreg s18  }
0xb2: {  	[dreg:$0x5] =	wrdreg $0x9  }
0xb3: {  	_ =	task.clear_ibuf [dreg:s8], $0x6FFFF;
	_ =	strace $0x90000046  }
0xb4: {  	s29 =	simm.s32 $0x9;
	_ =	strace $0x80000048  }
0xb5: {  	_ =	swait.ge [sflag:s29], $0x1  }
0xb6: {  	[sflag:s29] =	ssyncadd.s32 $0xFFFFFFFF  }
0xb7: {  	_ =	strace $0x90000048  }
0xb8: {  	_ =	sfence  }
0xb9: {  	s30 =	sld [smem:$0x0];
	_ =	sdelay $0x2  }
0xba: {  	s31 =	sshll.u32 s1, $0xD;
	s1 =	sshrl.u32 s1, $0x2  }
0xbb: {  	s3 =	sand.u32 $0x4000, s31;
	s1 =	sadd.s32 s1, s30  }
0xbc: {  	s0 =	sor.u32 s3, s0;
	s1 =	sshll.u32 s1, $0x11  }
0xbd: {  	s0 =	sor.u32 s1, s0  }
0xbe: {  	s0 =	sadd.s32 $0x8F2B, s0  }
0xbf: {  	[sflag:s0] =	ssyncadd.remote.s32 $0x1  }
0xc0: {  	_ =	sfence.sel $0xFFFF  }
0xc1: {  	[dreg:$0x0] =	wrdreg $0xFFFFFFFF;
	(pc) =	sbr.abs _section_cstart, $3  }
0xc2: {  	[dreg:$0x1] =	wrdreg $0xFFFFFFFF  }
0xc3: {  	_ =	task.clear_ibuf [dreg:s8], $0x2FFFF;
	_ =	strace $0x9FFFFFFF  }
0xc4: {  	(tm) =	ssettm $0x7FFFFFFF  }
0xc5: {  	_ =	shalt  }
tec
execute0_lowered:
.L_overlay_start_1:
0x0: {  	(tag) =	ssettag $0x1  }
0x1: {  	s1 =	rddreg [dreg:$0x0]  }
0x2: {  	s0 =	rddreg [dreg:$0x1];
	s2 =	srdreg.scid  }
0x3: {  	s4 =	stileid.u32;
	s3 =	rddreg [dreg:$0x2];
	s12 =	simm.s32 $0x9  }
0x4: {  	s13 =	simm.s32 $0x80;
	s14 =	simm.s32 $0x320;
	s15 =	simm.s32 $0x48  }
0x5: {  	s18 =	simm.s32 $0x3520;
	s21 =	simm.s32 $0x190;
	s22 =	simm.s32 $0x6720  }
0x6: {  	s25 =	simm.s32 $0x1;
	s26 =	simm.s32 $0x40;
	s28 =	simm.s32 $0x258  }
0x7: {  	s29 =	simm.s32 $0x9920;
	s16 =	simm.s32 $0x3;
	s19 =	simm.s32 $0x6  }
0x8: {  	s20 =	simm.s32 $0x4;
	s2 =	sand.u32 $0x1, s2;
	s5 =	sshll.u32 s4, $0x1  }
0x9: {  	s11 =	simm.s32 $0x0;
	s4 =	simm.s32 $0x0;
	s6 =	sor.u32 s2, s5  }
0xa: {  	[smem:$0x7FF] =	sst s4;
	s2 =	ssub.s32 $0x2, s2;
	s7 =	smul.u32 $0x3200, s6  }
0xb: {  	s5 =	sadd.s32 $0x400, s0;
	_ =	strace $0x80000047;
	s30 =	sshrl.u32 s2, $0x1  }
0xc: {  	s0 =	ssub.s32 s2, s30;
	s2 =	simm.s32 $0x2;
	s8 =	sadd.s32 s1, s7  }
0xd: {  	s7 =	sshll.u32 s6, $0x9;
	s0 =	smax.u32 s0, $0x1;
	[dreg:$0x4] =	wrdreg s8  }
0xe: {  	s31 =	sadd.s32 $0x19, s8;
	s9 =	sor.u32 $0x4, s7;
	[dreg:$0x6] =	wrdreg s0  }
0xf: {  	s10 =	sor.u32 $0x5, s7;
	s0 =	simm.s32 $0x5;
	[dreg:$0x5] =	wrdreg s31  }
.LBB2_1:
0x10: {  	[dreg:$0x7] =	wrdreg s11  }
0x11: {  	s6 =	rddreg [dreg:$0x4]  }
0x12: {  	[tilespmem:s4], [sflag:$0x9] =	stream.linear.gather [hbm4b:s6+s4], $0xC8, $0x38;
	[tilespmem:$0xCB20] =	vst v63  }
0x13: {  	_ =	swait.ge [sflag:s12], $0xC8  }
0x14: {  	[sflag:s12] =	ssyncset.done $0x0  }
0x15: {  	[sflag:s12] =	ssyncadd.s32 $0xFFFFFF38  }
0x16: {  	[tilespmem:s14], [sflag:$0x1] =	stream.indirect.gather [hbm4b:s5+s13], $0x40, s4, s13, $0xb8;
	[tilespmem:$0xCB20] =	vst v63  }
0x17: {  	s23 =	simm.s32 $0x2320  }
0x18: {  	[tilespmem:s23], [sflag:$0x1] =	stream.indirect.gather [hbm4b:s5+s15], $0x40, s13, s15, $0xb8;
	[tilespmem:$0xCB20] =	vst v63  }
0x19: {  	s8 =	simm.s32 $0xC8;
	s24 =	rddreg [dreg:$0x5]  }
0x1a: {  	[tilespmem:s8], [sflag:$0x9] =	stream.linear.gather [hbm4b:s24+s4], $0xC8, $0x38;
	[tilespmem:$0xCB20] =	vst v63  }
0x1b: {  	_ =	swait.ge [sflag:s12], $0xC8  }
0x1c: {  	[sflag:s12] =	ssyncset.done $0x0  }
0x1d: {  	[sflag:s12] =	ssyncadd.s32 $0xFFFFFF38  }
0x1e: {  	[tilespmem:s18], [sflag:$0x2] =	stream.indirect.gather [hbm4b:s5+s13], $0x40, s8, s13, $0xb8;
	[tilespmem:$0xCB20] =	vst v63  }
0x1f: {  	s30 =	simm.s32 $0x148;
	s31 =	simm.s32 $0x5520;
	s6 =	simm.s32 $0x0  }
0x20: {  	[tilespmem:s31], [sflag:$0x2] =	stream.indirect.gather [hbm4b:s5+s15], $0x40, s30, s15, $0xb8;
	[tilespmem:$0xCB20] =	vst v63  }
.LBB2_2:
0x21: {  	s17 =	sshll.u32 s6, $0x2  }
0x22: {  	p0 =	seq.s32 s6, $0x0;
	s8 =	sor.u32 s17, s7  }
0x23: {  	s23 =	simm.s32 @!p0 $0x7;
	s11 =	sor.u32 $0x2, s8  }
0x24: {  	_ =	swait.ge @!p0 [sflag:s23], $0x3200;
	s24 =	smul.u32 $0x19, s11  }
0x25: {  	[sflag:s23] =	ssyncset.done @!p0 $0x0  }
0x26: {  	[sflag:s23] =	ssyncadd.s32 @!p0 $0xFFFFCE00;
	s31 =	sadd.s32 s1, s24  }
0x27: {  	[tilespmem:s21], [sflag:$0x9] =	stream.linear.gather [hbm4b:s31+s4], $0xC8, $0x38;
	[tilespmem:$0xCB20] =	vst v63  }
0x28: {  	_ =	swait.ge [sflag:s12], $0xC8  }
0x29: {  	[sflag:s12] =	ssyncset.done $0x0  }
0x2a: {  	[sflag:s12] =	ssyncadd.s32 $0xFFFFFF38  }
0x2b: {  	[tilespmem:s22], [sflag:$0x3] =	stream.indirect.gather [hbm4b:s5+s13], $0x40, s21, s13, $0xb8;
	[tilespmem:$0xCB20] =	vst v63  }
0x2c: {  	s24 =	simm.s32 $0x210;
	s31 =	simm.s32 $0x8720  }
0x2d: {  	[tilespmem:s31], [sflag:$0x3] =	stream.indirect.gather [hbm4b:s5+s15], $0x40, s24, s15, $0xb8;
	[tilespmem:$0xCB20] =	vst v63  }
0x2e: {  	_ =	swait.ge [sflag:s25], $0x2000  }
0x2f: {  	[sflag:s25] =	ssyncset.done $0x0  }
0x30: {  	[sflag:s25] =	ssyncadd.s32 $0xFFFFE000  }
0x31: {  	_ =	swait.ge [sflag:s25], $0x1200  }
0x32: {  	[sflag:s25] =	ssyncset.done $0x0  }
0x33: {  	s23 =	simm.s32 $0x420;
	[sflag:s25] =	ssyncadd.s32 $0xFFFFEE00  }
0x34: {  	v0 =	vld [tilespmem:s23+$0xFFFFFF00]  }
0x35: {  	v1 =	vld [tilespmem:s23+$0xFFFFFF10]  }
0x36: {  	v2 =	vld [tilespmem:s23+$0xFFFFFF20]  }
0x37: {  	v3 =	vld [tilespmem:s23+$0xFFFFFF30]  }
0x38: {  	v4 =	vld [tilespmem:s23+$0xFFFFFF40]  }
0x39: {  	v5 =	vld [tilespmem:s23+$0xFFFFFF50];
	v0 =	vmul.f32 $1.250000000e-01, v0  }
0x3a: {  	v6 =	vld [tilespmem:s23+$0xFFFFFF60];
	v1 =	vmul.f32 $1.250000000e-01, v1  }
0x3b: {  	[tilespmem:s23+$0xFFFFFF00] =	vst v0;
	v0 =	vmul.f32 $1.250000000e-01, v2;
	v2 =	vld [tilespmem:s23+$0xFFFFFF70]  }
0x3c: {  	[tilespmem:s23+$0xFFFFFF10] =	vst v1;
	v1 =	vmul.f32 $1.250000000e-01, v3;
	v3 =	vld [tilespmem:s23+$0xFFFFFF80]  }
0x3d: {  	[tilespmem:s23+$0xFFFFFF20] =	vst v0;
	v0 =	vmul.f32 $1.250000000e-01, v4;
	v4 =	vld [tilespmem:s23+$0xFFFFFF90]  }
0x3e: {  	[tilespmem:s23+$0xFFFFFF30] =	vst v1;
	v1 =	vmul.f32 $1.250000000e-01, v5;
	v5 =	vld [tilespmem:s23+$0xFFFFFFA0]  }
0x3f: {  	[tilespmem:s23+$0xFFFFFF40] =	vst v0;
	v0 =	vmul.f32 $1.250000000e-01, v6;
	v6 =	vld [tilespmem:s23+$0xFFFFFFB0]  }
0x40: {  	[tilespmem:s23+$0xFFFFFF50] =	vst v1;
	v1 =	vmul.f32 $1.250000000e-01, v2;
	v2 =	vld [tilespmem:s23+$0xFFFFFFC0]  }
0x41: {  	[tilespmem:s23+$0xFFFFFF60] =	vst v0;
	v0 =	vmul.f32 $1.250000000e-01, v3;
	v3 =	vld [tilespmem:s23+$0xFFFFFFD0]  }
0x42: {  	[tilespmem:s23+$0xFFFFFF70] =	vst v1;
	v1 =	vmul.f32 $1.250000000e-01, v4;
	v4 =	vld [tilespmem:s23+$0xFFFFFFE0]  }
0x43: {  	[tilespmem:s23+$0xFFFFFF80] =	vst v0;
	v0 =	vmul.f32 $1.250000000e-01, v5;
	v5 =	vld [tilespmem:s23+$0x0]  }
0x44: {  	[tilespmem:s23+$0xFFFFFF90] =	vst v1;
	v1 =	vmul.f32 $1.250000000e-01, v6;
	v6 =	vld [tilespmem:s23+$0x10]  }
0x45: {  	[tilespmem:s23+$0xFFFFFFA0] =	vst v0;
	v0 =	vmul.f32 $1.250000000e-01, v2;
	v2 =	vld [tilespmem:s23+$0x20]  }
0x46: {  	[tilespmem:s23+$0xFFFFFFB0] =	vst v1;
	v1 =	vmul.f32 $1.250000000e-01, v3;
	v3 =	vld [tilespmem:s23+$0x30]  }
0x47: {  	[tilespmem:s23+$0xFFFFFFC0] =	vst v0;
	v0 =	vmul.f32 $1.250000000e-01, v4;
	v4 =	vld [tilespmem:s23+$0x40]  }
0x48: {  	[tilespmem:s23+$0xFFFFFFD0] =	vst v1;
	v1 =	vmul.f32 $1.250000000e-01, v5;
	v5 =	vld [tilespmem:s23+$0x50]  }
0x49: {  	[tilespmem:s23+$0xFFFFFFE0] =	vst v0;
	v0 =	vmul.f32 $1.250000000e-01, v6;
	v6 =	vld [tilespmem:s23+$0x60]  }
0x4a: {  	[tilespmem:s23+$0x0] =	vst v1;
	v1 =	vmul.f32 $1.250000000e-01, v2;
	v2 =	vld [tilespmem:s23+$0x70]  }
0x4b: {  	[tilespmem:s23+$0x10] =	vst v0;
	v0 =	vmul.f32 $1.250000000e-01, v3;
	v3 =	vld [tilespmem:s23+$0x80]  }
0x4c: {  	[tilespmem:s23+$0x20] =	vst v1;
	v1 =	vmul.f32 $1.250000000e-01, v4;
	v4 =	vld [tilespmem:s23+$0x90]  }
0x4d: {  	[tilespmem:s23+$0x30] =	vst v0;
	v0 =	vmul.f32 $1.250000000e-01, v5;
	v5 =	vld [tilespmem:s23+$0xA0]  }
0x4e: {  	[tilespmem:s23+$0x40] =	vst v1;
	v1 =	vmul.f32 $1.250000000e-01, v6;
	v6 =	vld [tilespmem:s23+$0xB0]  }
0x4f: {  	[tilespmem:s23+$0x50] =	vst v0;
	v2 =	vmul.f32 $1.250000000e-01, v2;
	v0 =	vld [tilespmem:s23+$0xC0]  }
0x50: {  	[tilespmem:s23+$0x60] =	vst v1;
	v3 =	vmul.f32 $1.250000000e-01, v3;
	v1 =	vld [tilespmem:s23+$0xD0]  }
0x51: {  	[tilespmem:s23+$0x70] =	vst v2;
	v7 =	vmul.f32 $1.250000000e-01, v4;
	v2 =	vld [tilespmem:s23+$0xE0]  }
0x52: {  	[tilespmem:s23+$0x80] =	vst v3;
	v3 =	vld [tilespmem:s23+$0xF0];
	v5 =	vmul.f32 $1.250000000e-01, v5  }
0x53: {  	s30 =	simm.s32 $0x620;
	s24 =	simm.s32 $0x0;
	v4 =	vld [tilespmem:s23+$0xFFFFFFF0];
	[tilespmem:s23+$0x90] =	vst v7;
	v6 =	vmul.f32 $1.250000000e-01, v6  }
.LBB2_3:
0x54: {  	v7 =	vld [tilespmem:s30+$0xFFFFFF00];
	[tilespmem:s23+$0xA0] =	vst v5;
	v0 =	vmul.f32 $1.250000000e-01, v0  }
0x55: {  	v5 =	vld [tilespmem:s30+$0xFFFFFF10];
	[tilespmem:s23+$0xB0] =	vst v6;
	v1 =	vmul.f32 $1.250000000e-01, v1  }
0x56: {  	v6 =	vld [tilespmem:s30+$0xFFFFFF20];
	[tilespmem:s23+$0xC0] =	vst v0;
	v0 =	vmul.f32 $1.250000000e-01, v2  }
0x57: {  	v2 =	vld [tilespmem:s30+$0xFFFFFF30];
	[tilespmem:s23+$0xD0] =	vst v1;
	v1 =	vmul.f32 $1.250000000e-01, v3  }
0x58: {  	v3 =	vld [tilespmem:s30+$0xFFFFFF40];
	v4 =	vmul.f32 $1.250000000e-01, v4;
	[tilespmem:s23+$0xE0] =	vst v0  }
0x59: {  	v0 =	vmul.f32 $1.250000000e-01, v7;
	v7 =	vld [tilespmem:s30+$0xFFFFFF50];
	[tilespmem:s23+$0xF0] =	vst v1  }
0x5a: {  	v1 =	vmul.f32 $1.250000000e-01, v5;
	v5 =	vld [tilespmem:s30+$0xFFFFFF60];
	[tilespmem:s23+$0xFFFFFFF0] =	vst v4;
	s23 =	smov.u32 s30  }
0x5b: {  	[tilespmem:s30+$0xFFFFFF00] =	vst v0;
	v0 =	vmul.f32 $1.250000000e-01, v6;
	v4 =	vld [tilespmem:s30+$0xFFFFFF70]  }
0x5c: {  	[tilespmem:s30+$0xFFFFFF10] =	vst v1;
	v1 =	vmul.f32 $1.250000000e-01, v2;
	v2 =	vld [tilespmem:s30+$0xFFFFFF80]  }
0x5d: {  	[tilespmem:s30+$0xFFFFFF20] =	vst v0;
	v0 =	vmul.f32 $1.250000000e-01, v3;
	v3 =	vld [tilespmem:s30+$0xFFFFFF90]  }
0x5e: {  	[tilespmem:s30+$0xFFFFFF30] =	vst v1;
	v1 =	vmul.f32 $1.250000000e-01, v7;
	v6 =	vld [tilespmem:s30+$0xFFFFFFA0]  }
0x5f: {  	[tilespmem:s30+$0xFFFFFF40] =	vst v0;
	v0 =	vmul.f32 $1.250000000e-01, v5;
	v5 =	vld [tilespmem:s30+$0xFFFFFFB0]  }
0x60: {  	[tilespmem:s30+$0xFFFFFF50] =	vst v1;
	v1 =	vmul.f32 $1.250000000e-01, v4;
	v4 =	vld [tilespmem:s30+$0xFFFFFFC0]  }
0x61: {  	[tilespmem:s30+$0xFFFFFF60] =	vst v0;
	v0 =	vmul.f32 $1.250000000e-01, v2;
	v2 =	vld [tilespmem:s30+$0xFFFFFFD0]  }
0x62: {  	[tilespmem:s30+$0xFFFFFF70] =	vst v1;
	v1 =	vmul.f32 $1.250000000e-01, v3;
	v3 =	vld [tilespmem:s30+$0xFFFFFFE0]  }
0x63: {  	[tilespmem:s30+$0xFFFFFF80] =	vst v0;
	v0 =	vmul.f32 $1.250000000e-01, v6;
	v6 =	vld [tilespmem:s30+$0x0]  }
0x64: {  	[tilespmem:s30+$0xFFFFFF90] =	vst v1;
	v1 =	vmul.f32 $1.250000000e-01, v5;
	v5 =	vld [tilespmem:s30+$0x10]  }
0x65: {  	[tilespmem:s30+$0xFFFFFFA0] =	vst v0;
	v0 =	vmul.f32 $1.250000000e-01, v4;
	v4 =	vld [tilespmem:s30+$0x20]  }
0x66: {  	[tilespmem:s30+$0xFFFFFFB0] =	vst v1;
	v1 =	vmul.f32 $1.250000000e-01, v2;
	v2 =	vld [tilespmem:s30+$0x30]  }
0x67: {  	[tilespmem:s30+$0xFFFFFFC0] =	vst v0;
	v0 =	vmul.f32 $1.250000000e-01, v3;
	v3 =	vld [tilespmem:s30+$0x40]  }
0x68: {  	[tilespmem:s30+$0xFFFFFFD0] =	vst v1;
	v1 =	vmul.f32 $1.250000000e-01, v6;
	v6 =	vld [tilespmem:s30+$0x50]  }
0x69: {  	[tilespmem:s30+$0xFFFFFFE0] =	vst v0;
	v0 =	vmul.f32 $1.250000000e-01, v5;
	v5 =	vld [tilespmem:s30+$0x60]  }
0x6a: {  	[tilespmem:s30+$0x0] =	vst v1;
	v1 =	vmul.f32 $1.250000000e-01, v4;
	v4 =	vld [tilespmem:s30+$0x70]  }
0x6b: {  	[tilespmem:s30+$0x10] =	vst v0;
	v0 =	vmul.f32 $1.250000000e-01, v2;
	v2 =	vld [tilespmem:s30+$0x80]  }
0x6c: {  	[tilespmem:s30+$0x20] =	vst v1;
	v1 =	vmul.f32 $1.250000000e-01, v3;
	v3 =	vld [tilespmem:s30+$0x90]  }
0x6d: {  	s24 =	sadd.s32 $0x8, s24;
	[tilespmem:s30+$0x30] =	vst v0;
	v0 =	vmul.f32 $1.250000000e-01, v6;
	v6 =	vld [tilespmem:s30+$0xA0]  }
0x6e: {  	p1 =	slt.u32 s24, $0xC0;
	[tilespmem:s30+$0x40] =	vst v1;
	v1 =	vmul.f32 $1.250000000e-01, v5;
	v7 =	vld [tilespmem:s30+$0xB0]  }
.Ltmp0:
0x6f: {  	[tilespmem:s30+$0x50] =	vst v0;
	v4 =	vmul.f32 $1.250000000e-01, v4;
	v0 =	vld [tilespmem:s30+$0xC0];
	(pc) =	sbr.rel @p1 .LBB2_3-.Ltmp0, $4  }
0x70: {  	[tilespmem:s30+$0x60] =	vst v1;
	v5 =	vmul.f32 $1.250000000e-01, v2;
	v1 =	vld [tilespmem:s30+$0xD0]  }
0x71: {  	[tilespmem:s30+$0x70] =	vst v4;
	v8 =	vmul.f32 $1.250000000e-01, v3;
	v2 =	vld [tilespmem:s30+$0xE0]  }
0x72: {  	[tilespmem:s30+$0x80] =	vst v5;
	v5 =	vmul.f32 $1.250000000e-01, v6;
	v3 =	vld [tilespmem:s30+$0xF0]  }
0x73: {  	s30 =	sadd.s32 $0x200, s30;
	v4 =	vld [tilespmem:s23+$0xFFFFFFF0];
	[tilespmem:s23+$0x90] =	vst v8;
	v6 =	vmul.f32 $1.250000000e-01, v7  }
0x74: {  	[tilespmem:s23+$0xA0] =	vst v5;
	v0 =	vmul.f32 $1.250000000e-01, v0  }
0x75: {  	[tilespmem:s23+$0xB0] =	vst v6;
	v1 =	vmul.f32 $1.250000000e-01, v1  }
0x76: {  	[tilespmem:s23+$0xC0] =	vst v0;
	v0 =	vmul.f32 $1.250000000e-01, v2  }
0x77: {  	s24 =	sadd.s32 s7, s17;
	[tilespmem:s23+$0xD0] =	vst v1;
	v1 =	vmul.f32 $1.250000000e-01, v3  }
0x78: {  	s24 =	smul.u32 $0xC80, s24;
	v2 =	vmul.f32 $1.250000000e-01, v4;
	[tilespmem:s23+$0xE0] =	vst v0  }
0x79: {  	[tilespmem:s23+$0xF0] =	vst v1  }
0x7a: {  	s8 =	sor.u32 $0x3, s8;
	s24 =	sadd.s32 s3, s24;
	[tilespmem:s23+$0xFFFFFFF0] =	vst v2;
	s23 =	simm.s32 @!p0 $0x8  }
0x7b: {  	[hbm4b:s24+s26] =	stream.strided.scatter [tilespmem:s14], [sflag:$0x5], $0x3200, s13, s26, $0x38;
	[tilespmem:$0xCB20] =	vst v63  }
0x7c: {  	s24 =	smul.u32 $0x19, s8;
	_ =	swait.ge @!p0 [sflag:s23], $0x3200  }
0x7d: {  	[sflag:s23] =	ssyncset.done @!p0 $0x0  }
0x7e: {  	s24 =	sadd.s32 s1, s24;
	[sflag:s23] =	ssyncadd.s32 @!p0 $0xFFFFCE00  }
0x7f: {  	[tilespmem:s28], [sflag:$0x9] =	stream.linear.gather [hbm4b:s24+s4], $0xC8, $0x38;
	[tilespmem:$0xCB20] =	vst v63  }
0x80: {  	_ =	swait.ge [sflag:s12], $0xC8  }
0x81: {  	[sflag:s12] =	ssyncset.done $0x0  }
0x82: {  	[sflag:s12] =	ssyncadd.s32 $0xFFFFFF38  }
0x83: {  	[tilespmem:s29], [sflag:$0x4] =	stream.indirect.gather [hbm4b:s5+s13], $0x40, s28, s13, $0xb8;
	[tilespmem:$0xCB20] =	vst v63  }
0x84: {  	s23 =	simm.s32 $0x2D8;
	s24 =	simm.s32 $0xB920  }
0x85: {  	[tilespmem:s24], [sflag:$0x4] =	stream.indirect.gather [hbm4b:s5+s15], $0x40, s23, s15, $0xb8;
	[tilespmem:$0xCB20] =	vst v63  }
0x86: {  	_ =	swait.ge [sflag:s2], $0x2000  }
0x87: {  	[sflag:s2] =	ssyncset.done $0x0  }
0x88: {  	[sflag:s2] =	ssyncadd.s32 $0xFFFFE000  }
0x89: {  	_ =	swait.ge [sflag:s2], $0x1200  }
0x8a: {  	[sflag:s2] =	ssyncset.done $0x0  }
0x8b: {  	s23 =	simm.s32 $0x3710;
	[sflag:s2] =	ssyncadd.s32 $0xFFFFEE00  }
0x8c: {  	v0 =	vld [tilespmem:s23+$0xFFFFFE10]  }
0x8d: {  	v1 =	vld [tilespmem:s23+$0xFFFFFE20]  }
0x8e: {  	v2 =	vld [tilespmem:s23+$0xFFFFFE30]  }
0x8f: {  	v3 =	vld [tilespmem:s23+$0xFFFFFE40]  }
0x90: {  	v4 =	vld [tilespmem:s23+$0xFFFFFE50]  }
0x91: {  	v5 =	vld [tilespmem:s23+$0xFFFFFE60];
	v0 =	vmul.f32 $1.250000000e-01, v0  }
0x92: {  	v6 =	vld [tilespmem:s23+$0xFFFFFE70];
	v1 =	vmul.f32 $1.250000000e-01, v1  }
0x93: {  	[tilespmem:s23+$0xFFFFFE10] =	vst v0;
	v0 =	vmul.f32 $1.250000000e-01, v2;
	v2 =	vld [tilespmem:s23+$0xFFFFFE80]  }
0x94: {  	[tilespmem:s23+$0xFFFFFE20] =	vst v1;
	v1 =	vmul.f32 $1.250000000e-01, v3;
	v3 =	vld [tilespmem:s23+$0xFFFFFE90]  }
0x95: {  	[tilespmem:s23+$0xFFFFFE30] =	vst v0;
	v0 =	vmul.f32 $1.250000000e-01, v4;
	v4 =	vld [tilespmem:s23+$0xFFFFFEA0]  }
0x96: {  	[tilespmem:s23+$0xFFFFFE40] =	vst v1;
	v1 =	vmul.f32 $1.250000000e-01, v5;
	v5 =	vld [tilespmem:s23+$0xFFFFFEB0]  }
0x97: {  	[tilespmem:s23+$0xFFFFFE50] =	vst v0;
	v0 =	vmul.f32 $1.250000000e-01, v6;
	v6 =	vld [tilespmem:s23+$0xFFFFFEC0]  }
0x98: {  	[tilespmem:s23+$0xFFFFFE60] =	vst v1;
	v1 =	vmul.f32 $1.250000000e-01, v2;
	v2 =	vld [tilespmem:s23+$0xFFFFFED0]  }
0x99: {  	[tilespmem:s23+$0xFFFFFE70] =	vst v0;
	v0 =	vmul.f32 $1.250000000e-01, v3;
	v3 =	vld [tilespmem:s23+$0xFFFFFEE0]  }
0x9a: {  	[tilespmem:s23+$0xFFFFFE80] =	vst v1;
	v1 =	vmul.f32 $1.250000000e-01, v4;
	v4 =	vld [tilespmem:s23+$0xFFFFFEF0]  }
0x9b: {  	[tilespmem:s23+$0xFFFFFE90] =	vst v0;
	v0 =	vmul.f32 $1.250000000e-01, v5;
	v5 =	vld [tilespmem:s23+$0xFFFFFF00]  }
0x9c: {  	[tilespmem:s23+$0xFFFFFEA0] =	vst v1;
	v1 =	vmul.f32 $1.250000000e-01, v6;
	v6 =	vld [tilespmem:s23+$0xFFFFFF10]  }
0x9d: {  	[tilespmem:s23+$0xFFFFFEB0] =	vst v0;
	v0 =	vmul.f32 $1.250000000e-01, v2;
	v2 =	vld [tilespmem:s23+$0xFFFFFF20]  }
0x9e: {  	[tilespmem:s23+$0xFFFFFEC0] =	vst v1;
	v1 =	vmul.f32 $1.250000000e-01, v3;
	v3 =	vld [tilespmem:s23+$0xFFFFFF30]  }
0x9f: {  	[tilespmem:s23+$0xFFFFFED0] =	vst v0;
	v0 =	vmul.f32 $1.250000000e-01, v4;
	v4 =	vld [tilespmem:s23+$0xFFFFFF40]  }
0xa0: {  	[tilespmem:s23+$0xFFFFFEE0] =	vst v1;
	v1 =	vmul.f32 $1.250000000e-01, v5;
	v5 =	vld [tilespmem:s23+$0xFFFFFF50]  }
0xa1: {  	[tilespmem:s23+$0xFFFFFEF0] =	vst v0;
	v0 =	vmul.f32 $1.250000000e-01, v6;
	v6 =	vld [tilespmem:s23+$0xFFFFFF60]  }
0xa2: {  	[tilespmem:s23+$0xFFFFFF00] =	vst v1;
	v1 =	vmul.f32 $1.250000000e-01, v2;
	v2 =	vld [tilespmem:s23+$0xFFFFFF70]  }
0xa3: {  	[tilespmem:s23+$0xFFFFFF10] =	vst v0;
	v0 =	vmul.f32 $1.250000000e-01, v3;
	v3 =	vld [tilespmem:s23+$0xFFFFFF80]  }
0xa4: {  	[tilespmem:s23+$0xFFFFFF20] =	vst v1;
	v1 =	vmul.f32 $1.250000000e-01, v4;
	v4 =	vld [tilespmem:s23+$0xFFFFFF90]  }
0xa5: {  	[tilespmem:s23+$0xFFFFFF30] =	vst v0;
	v0 =	vmul.f32 $1.250000000e-01, v5;
	v5 =	vld [tilespmem:s23+$0xFFFFFFA0]  }
0xa6: {  	[tilespmem:s23+$0xFFFFFF40] =	vst v1;
	v1 =	vmul.f32 $1.250000000e-01, v6;
	v6 =	vld [tilespmem:s23+$0xFFFFFFB0]  }
0xa7: {  	[tilespmem:s23+$0xFFFFFF50] =	vst v0;
	v2 =	vmul.f32 $1.250000000e-01, v2;
	v0 =	vld [tilespmem:s23+$0xFFFFFFC0]  }
0xa8: {  	[tilespmem:s23+$0xFFFFFF60] =	vst v1;
	v3 =	vmul.f32 $1.250000000e-01, v3;
	v1 =	vld [tilespmem:s23+$0xFFFFFFD0]  }
0xa9: {  	[tilespmem:s23+$0xFFFFFF70] =	vst v2;
	v4 =	vmul.f32 $1.250000000e-01, v4;
	v2 =	vld [tilespmem:s23+$0xFFFFFFE0]  }
0xaa: {  	[tilespmem:s23+$0xFFFFFF80] =	vst v3;
	v3 =	vld [tilespmem:s23+$0x0];
	v5 =	vmul.f32 $1.250000000e-01, v5  }
0xab: {  	s30 =	simm.s32 $0x0;
	s31 =	simm.s32 $0x3910;
	s24 =	sor.u32 $0x1, s17;
	[tilespmem:s23+$0xFFFFFF90] =	vst v4;
	v6 =	vmul.f32 $1.250000000e-01, v6;
	v4 =	vld [tilespmem:s23+$0xFFFFFFF0]  }
.LBB2_5:
0xac: {  	v7 =	vld [tilespmem:s31+$0xFFFFFE10];
	[tilespmem:s23+$0xFFFFFFA0] =	vst v5;
	v0 =	vmul.f32 $1.250000000e-01, v0  }
0xad: {  	v5 =	vld [tilespmem:s31+$0xFFFFFE20];
	[tilespmem:s23+$0xFFFFFFB0] =	vst v6;
	v1 =	vmul.f32 $1.250000000e-01, v1  }
0xae: {  	v6 =	vld [tilespmem:s31+$0xFFFFFE30];
	[tilespmem:s23+$0xFFFFFFC0] =	vst v0;
	v0 =	vmul.f32 $1.250000000e-01, v2  }
0xaf: {  	v2 =	vld [tilespmem:s31+$0xFFFFFE40];
	[tilespmem:s23+$0xFFFFFFD0] =	vst v1;
	v1 =	vmul.f32 $1.250000000e-01, v3  }
0xb0: {  	v3 =	vld [tilespmem:s31+$0xFFFFFE50];
	[tilespmem:s23+$0xFFFFFFE0] =	vst v0;
	v0 =	vmul.f32 $1.250000000e-01, v4  }
0xb1: {  	v4 =	vmul.f32 $1.250000000e-01, v7;
	v7 =	vld [tilespmem:s31+$0xFFFFFE60];
	[tilespmem:s23+$0x0] =	vst v1  }
0xb2: {  	v1 =	vmul.f32 $1.250000000e-01, v5;
	v5 =	vld [tilespmem:s31+$0xFFFFFE70];
	[tilespmem:s23+$0xFFFFFFF0] =	vst v0;
	s23 =	smov.u32 s31  }
0xb3: {  	[tilespmem:s31+$0xFFFFFE10] =	vst v4;
	v0 =	vmul.f32 $1.250000000e-01, v6;
	v4 =	vld [tilespmem:s31+$0xFFFFFE80]  }
0xb4: {  	[tilespmem:s31+$0xFFFFFE20] =	vst v1;
	v1 =	vmul.f32 $1.250000000e-01, v2;
	v2 =	vld [tilespmem:s31+$0xFFFFFE90]  }
0xb5: {  	[tilespmem:s31+$0xFFFFFE30] =	vst v0;
	v0 =	vmul.f32 $1.250000000e-01, v3;
	v3 =	vld [tilespmem:s31+$0xFFFFFEA0]  }
0xb6: {  	[tilespmem:s31+$0xFFFFFE40] =	vst v1;
	v1 =	vmul.f32 $1.250000000e-01, v7;
	v6 =	vld [tilespmem:s31+$0xFFFFFEB0]  }
0xb7: {  	[tilespmem:s31+$0xFFFFFE50] =	vst v0;
	v0 =	vmul.f32 $1.250000000e-01, v5;
	v5 =	vld [tilespmem:s31+$0xFFFFFEC0]  }
0xb8: {  	[tilespmem:s31+$0xFFFFFE60] =	vst v1;
	v1 =	vmul.f32 $1.250000000e-01, v4;
	v4 =	vld [tilespmem:s31+$0xFFFFFED0]  }
0xb9: {  	[tilespmem:s31+$0xFFFFFE70] =	vst v0;
	v0 =	vmul.f32 $1.250000000e-01, v2;
	v2 =	vld [tilespmem:s31+$0xFFFFFEE0]  }
0xba: {  	[tilespmem:s31+$0xFFFFFE80] =	vst v1;
	v1 =	vmul.f32 $1.250000000e-01, v3;
	v3 =	vld [tilespmem:s31+$0xFFFFFEF0]  }
0xbb: {  	[tilespmem:s31+$0xFFFFFE90] =	vst v0;
	v0 =	vmul.f32 $1.250000000e-01, v6;
	v6 =	vld [tilespmem:s31+$0xFFFFFF00]  }
0xbc: {  	[tilespmem:s31+$0xFFFFFEA0] =	vst v1;
	v1 =	vmul.f32 $1.250000000e-01, v5;
	v5 =	vld [tilespmem:s31+$0xFFFFFF10]  }
0xbd: {  	[tilespmem:s31+$0xFFFFFEB0] =	vst v0;
	v0 =	vmul.f32 $1.250000000e-01, v4;
	v4 =	vld [tilespmem:s31+$0xFFFFFF20]  }
0xbe: {  	[tilespmem:s31+$0xFFFFFEC0] =	vst v1;
	v1 =	vmul.f32 $1.250000000e-01, v2;
	v2 =	vld [tilespmem:s31+$0xFFFFFF30]  }
0xbf: {  	[tilespmem:s31+$0xFFFFFED0] =	vst v0;
	v0 =	vmul.f32 $1.250000000e-01, v3;
	v3 =	vld [tilespmem:s31+$0xFFFFFF40]  }
0xc0: {  	[tilespmem:s31+$0xFFFFFEE0] =	vst v1;
	v1 =	vmul.f32 $1.250000000e-01, v6;
	v6 =	vld [tilespmem:s31+$0xFFFFFF50]  }
0xc1: {  	[tilespmem:s31+$0xFFFFFEF0] =	vst v0;
	v0 =	vmul.f32 $1.250000000e-01, v5;
	v5 =	vld [tilespmem:s31+$0xFFFFFF60]  }
0xc2: {  	[tilespmem:s31+$0xFFFFFF00] =	vst v1;
	v1 =	vmul.f32 $1.250000000e-01, v4;
	v4 =	vld [tilespmem:s31+$0xFFFFFF70]  }
0xc3: {  	[tilespmem:s31+$0xFFFFFF10] =	vst v0;
	v0 =	vmul.f32 $1.250000000e-01, v2;
	v2 =	vld [tilespmem:s31+$0xFFFFFF80]  }
0xc4: {  	[tilespmem:s31+$0xFFFFFF20] =	vst v1;
	v1 =	vmul.f32 $1.250000000e-01, v3;
	v3 =	vld [tilespmem:s31+$0xFFFFFF90]  }
0xc5: {  	s30 =	sadd.s32 $0x8, s30;
	[tilespmem:s31+$0xFFFFFF30] =	vst v0;
	v0 =	vmul.f32 $1.250000000e-01, v6;
	v6 =	vld [tilespmem:s31+$0xFFFFFFA0]  }
0xc6: {  	p0 =	slt.u32 s30, $0xC0;
	[tilespmem:s31+$0xFFFFFF40] =	vst v1;
	v1 =	vmul.f32 $1.250000000e-01, v5;
	v7 =	vld [tilespmem:s31+$0xFFFFFFB0]  }
.Ltmp1:
0xc7: {  	[tilespmem:s31+$0xFFFFFF50] =	vst v0;
	v4 =	vmul.f32 $1.250000000e-01, v4;
	v0 =	vld [tilespmem:s31+$0xFFFFFFC0];
	(pc) =	sbr.rel @p0 .LBB2_5-.Ltmp1, $4  }
0xc8: {  	[tilespmem:s31+$0xFFFFFF60] =	vst v1;
	v5 =	vmul.f32 $1.250000000e-01, v2;
	v1 =	vld [tilespmem:s31+$0xFFFFFFD0]  }
0xc9: {  	[tilespmem:s31+$0xFFFFFF70] =	vst v4;
	v4 =	vmul.f32 $1.250000000e-01, v3;
	v2 =	vld [tilespmem:s31+$0xFFFFFFE0]  }
0xca: {  	[tilespmem:s31+$0xFFFFFF80] =	vst v5;
	v5 =	vmul.f32 $1.250000000e-01, v6;
	v3 =	vld [tilespmem:s31+$0x0]  }
0xcb: {  	s31 =	sadd.s32 $0x200, s31;
	[tilespmem:s23+$0xFFFFFF90] =	vst v4;
	v6 =	vmul.f32 $1.250000000e-01, v7;
	v4 =	vld [tilespmem:s23+$0xFFFFFFF0]  }
0xcc: {  	[tilespmem:s23+$0xFFFFFFA0] =	vst v5;
	v0 =	vmul.f32 $1.250000000e-01, v0  }
0xcd: {  	[tilespmem:s23+$0xFFFFFFB0] =	vst v6;
	v1 =	vmul.f32 $1.250000000e-01, v1  }
0xce: {  	[tilespmem:s23+$0xFFFFFFC0] =	vst v0;
	v0 =	vmul.f32 $1.250000000e-01, v2  }
0xcf: {  	s24 =	sadd.s32 s7, s24;
	[tilespmem:s23+$0xFFFFFFD0] =	vst v1;
	v1 =	vmul.f32 $1.250000000e-01, v3  }
0xd0: {  	s24 =	smul.u32 $0xC80, s24;
	[tilespmem:s23+$0xFFFFFFE0] =	vst v0;
	v0 =	vmul.f32 $1.250000000e-01, v4  }
0xd1: {  	p0 =	seq.s32 s6, $0x7F;
	[tilespmem:s23+$0x0] =	vst v1  }
0xd2: {  	s31 =	sadd.s32 s3, s24;
	[tilespmem:s23+$0xFFFFFFF0] =	vst v0;
	s23 =	sadd.s32 @!p0 s17, s9  }
0xd3: {  	[hbm4b:s31+s26] =	stream.strided.scatter [tilespmem:s18], [sflag:$0x6], $0x3200, s13, s26, $0x38;
	[tilespmem:$0xCB20] =	vst v63  }
0xd4: {  	s23 =	smul.u32 @!p0 $0x19, s23;
	_ =	swait.ge [sflag:s0], $0x3200  }
0xd5: {  	[sflag:s0] =	ssyncset.done $0x0  }
0xd6: {  	s24 =	simm.s32 @!p0 $0x0;
	s23 =	sadd.s32 @!p0 s1, s23;
	[sflag:s0] =	ssyncadd.s32 $0xFFFFCE00  }
0xd7: {  	[tilespmem:s24], [sflag:$0x9] =	stream.linear.gather @!p0 [hbm4b:s23+s24], $0xC8, $0x38;
	[tilespmem:$0xCB20] =	vst v63  }
0xd8: {  	s23 =	simm.s32 @!p0 $0x9  }
0xd9: {  	_ =	swait.ge @!p0 [sflag:s23], $0xC8  }
0xda: {  	[sflag:s23] =	ssyncset.done @!p0 $0x0  }
0xdb: {  	s30 =	simm.s32 @!p0 $0x320;
	[sflag:s23] =	ssyncadd.s32 @!p0 $0xFFFFFF38;
	s23 =	simm.s32 @!p0 $0x80  }
0xdc: {  	[tilespmem:s30], [sflag:$0x1] =	stream.indirect.gather @!p0 [hbm4b:s5+s23], $0x40, s24, s23, $0xb8;
	[tilespmem:$0xCB20] =	vst v63  }
0xdd: {  	s24 =	simm.s32 @!p0 $0x48;
	s30 =	simm.s32 @!p0 $0x2320  }
0xde: {  	[tilespmem:s30], [sflag:$0x1] =	stream.indirect.gather @!p0 [hbm4b:s5+s24], $0x40, s23, s24, $0xb8;
	[tilespmem:$0xCB20] =	vst v63  }
0xdf: {  	_ =	swait.ge [sflag:s16], $0x2000  }
0xe0: {  	[sflag:s16] =	ssyncset.done $0x0  }
0xe1: {  	[sflag:s16] =	ssyncadd.s32 $0xFFFFE000  }
0xe2: {  	_ =	swait.ge [sflag:s16], $0x1200  }
0xe3: {  	[sflag:s16] =	ssyncset.done $0x0  }
0xe4: {  	s23 =	simm.s32 $0x6720;
	[sflag:s16] =	ssyncadd.s32 $0xFFFFEE00  }
0xe5: {  	v0 =	vld [tilespmem:s23+$0x1A0]  }
0xe6: {  	v1 =	vld [tilespmem:s23+$0xA0]  }
0xe7: {  	v2 =	vld [tilespmem:s23+$0x90]  }
0xe8: {  	v3 =	vld [tilespmem:s23+$0x80]  }
0xe9: {  	v4 =	vld [tilespmem:s23+$0xB0]  }
0xea: {  	v5 =	vld [tilespmem:s23+$0x70]  }
0xeb: {  	v6 =	vld [tilespmem:s23+$0xC0]  }
0xec: {  	v12 =	vld [tilespmem:s23+$0x60]  }
0xed: {  	v7 =	vld [tilespmem:s23+$0xD0]  }
0xee: {  	v8 =	vld [tilespmem:s23+$0xE0]  }
0xef: {  	v9 =	vld [tilespmem:s23+$0x1D0]  }
0xf0: {  	v10 =	vld [tilespmem:s23+$0x1E0]  }
0xf1: {  	v11 =	vld [tilespmem:s23+$0x0]  }
0xf2: {  	v13 =	vld [tilespmem:s23+$0xF0]  }
0xf3: {  	v14 =	vld [tilespmem:s23+$0x100];
	v0 =	vmul.f32 $1.250000000e-01, v0  }
0xf4: {  	v15 =	vld [tilespmem:s23+$0x110];
	v9 =	vmul.f32 $1.250000000e-01, v9  }
0xf5: {  	v16 =	vld [tilespmem:s23+$0x120];
	v17 =	vmul.f32 $1.250000000e-01, v8;
	[tilespmem:s23+$0x1A0] =	vst v0  }
0xf6: {  	v18 =	vld [tilespmem:s23+$0x30];
	v6 =	vmul.f32 $1.250000000e-01, v6;
	[tilespmem:s23+$0x1D0] =	vst v9  }
0xf7: {  	v21 =	vld [tilespmem:s23+$0x1B0];
	v0 =	vmul.f32 $1.250000000e-01, v10;
	[tilespmem:s23+$0xE0] =	vst v17  }
0xf8: {  	v10 =	vmul.f32 $1.250000000e-01, v11;
	v11 =	vld [tilespmem:s23+$0x130];
	[tilespmem:s23+$0xC0] =	vst v6  }
0xf9: {  	v9 =	vmul.f32 $1.250000000e-01, v13;
	v13 =	vld [tilespmem:s23+$0x140];
	[tilespmem:s23+$0x1E0] =	vst v0  }
0xfa: {  	[tilespmem:s23+$0x0] =	vst v10;
	v0 =	vmul.f32 $1.250000000e-01, v14;
	v10 =	vld [tilespmem:s23+$0x150]  }
0xfb: {  	[tilespmem:s23+$0xF0] =	vst v9;
	v9 =	vmul.f32 $1.250000000e-01, v15;
	v14 =	vld [tilespmem:s23+$0x1F0]  }
0xfc: {  	v19 =	vld [tilespmem:s23+$0x20];
	v8 =	vmul.f32 $1.250000000e-01, v1;
	[tilespmem:s23+$0x100] =	vst v0;
	v0 =	vmul.f32 $1.250000000e-01, v16  }
0xfd: {  	v20 =	vld [tilespmem:s23+$0x10];
	v1 =	vmul.f32 $1.250000000e-01, v18;
	[tilespmem:s23+$0x110] =	vst v9;
	v9 =	vmul.f32 $1.250000000e-01, v11  }
0xfe: {  	v6 =	vmul.f32 $1.250000000e-01, v21;
	v15 =	vld [tilespmem:s23+$0x50];
	[tilespmem:s23+$0x120] =	vst v0;
	v0 =	vmul.f32 $1.250000000e-01, v13  }
0xff: {  	v16 =	vld [tilespmem:s23+$0x40];
	v13 =	vmul.f32 $1.250000000e-01, v7;
	[tilespmem:s23+$0x130] =	vst v9;
	v7 =	vmul.f32 $1.250000000e-01, v10  }
0x100: {  	v11 =	vld [tilespmem:s23+$0x190];
	v9 =	vmul.f32 $1.250000000e-01, v2;
	[tilespmem:s23+$0x140] =	vst v0;
	v0 =	vmul.f32 $1.250000000e-01, v14  }
0x101: {  	[tilespmem:s23+$0x150] =	vst v7;
	v7 =	vmul.f32 $1.250000000e-01, v5;
	v5 =	vmul.f32 $1.250000000e-01, v12;
	v12 =	vld [tilespmem:s23+$0x1C0]  }
0x102: {  	v10 =	vmul.f32 $1.250000000e-01, v3;
	v14 =	vmul.f32 $1.250000000e-01, v4;
	[tilespmem:s23+$0xD0] =	vst v13;
	v13 =	vld [tilespmem:s23+$0x180]  }
0x103: {  	v3 =	vmul.f32 $1.250000000e-01, v15;
	v15 =	vld [tilespmem:s23+$0x170];
	v2 =	vmul.f32 $1.250000000e-01, v20;
	[tilespmem:s23+$0x1F0] =	vst v0  }
0x104: {  	s24 =	simm.s32 $0x0;
	s30 =	simm.s32 $0x6920;
	v4 =	vmul.f32 $1.250000000e-01, v19;
	v0 =	vmul.f32 $1.250000000e-01, v16;
	[tilespmem:s23+$0xB0] =	vst v14;
	v14 =	vld [tilespmem:s23+$0x160]  }
.LBB2_7:
0x105: {  	v16 =	vld [tilespmem:s30+$0x1A0];
	s24 =	sadd.s32 $0x8, s24;
	[tilespmem:s23+$0xA0] =	vst v8;
	v8 =	vmul.f32 $1.250000000e-01, v11  }
0x106: {  	v11 =	vld [tilespmem:s30+$0xA0];
	p1 =	slt.u32 s24, $0xC0;
	[tilespmem:s23+$0x90] =	vst v9;
	v9 =	vmul.f32 $1.250000000e-01, v12  }
0x107: {  	v12 =	vld [tilespmem:s30+$0x90];
	[tilespmem:s23+$0x80] =	vst v10;
	v10 =	vmul.f32 $1.250000000e-01, v13  }
0x108: {  	v13 =	vld [tilespmem:s30+$0x80];
	v15 =	vmul.f32 $1.250000000e-01, v15;
	[tilespmem:s23+$0x1C0] =	vst v9  }
0x109: {  	v9 =	vld [tilespmem:s30+$0xB0];
	[tilespmem:s23+$0x70] =	vst v7;
	v7 =	vmul.f32 $1.250000000e-01, v14  }
0x10a: {  	v14 =	vld [tilespmem:s30+$0x70];
	v16 =	vmul.f32 $1.250000000e-01, v16;
	[tilespmem:s23+$0x180] =	vst v10  }
0x10b: {  	v10 =	vld [tilespmem:s30+$0xC0];
	[tilespmem:s23+$0x60] =	vst v5  }
0x10c: {  	v5 =	vld [tilespmem:s30+$0x60];
	[tilespmem:s23+$0x170] =	vst v15  }
0x10d: {  	v15 =	vld [tilespmem:s30+$0xD0];
	[tilespmem:s23+$0x50] =	vst v3  }
0x10e: {  	v3 =	vld [tilespmem:s30+$0xE0];
	[tilespmem:s23+$0x160] =	vst v7  }
0x10f: {  	v7 =	vld [tilespmem:s30+$0x1D0];
	[tilespmem:s23+$0x40] =	vst v0  }
0x110: {  	v0 =	vld [tilespmem:s30+$0x1E0];
	[tilespmem:s23+$0x30] =	vst v1  }
0x111: {  	v1 =	vld [tilespmem:s30+$0x0];
	[tilespmem:s23+$0x20] =	vst v4  }
0x112: {  	v4 =	vld [tilespmem:s30+$0xF0];
	[tilespmem:s23+$0x190] =	vst v8  }
0x113: {  	v8 =	vld [tilespmem:s30+$0x100];
	[tilespmem:s23+$0x10] =	vst v2  }
0x114: {  	v2 =	vld [tilespmem:s30+$0x110];
	v7 =	vmul.f32 $1.250000000e-01, v7;
	[tilespmem:s23+$0x1B0] =	vst v6;
	s23 =	smov.u32 s30  }
0x115: {  	v6 =	vld [tilespmem:s30+$0x120];
	[tilespmem:s30+$0x1A0] =	vst v16;
	v0 =	vmul.f32 $1.250000000e-01, v0  }
0x116: {  	v16 =	vmul.f32 $1.250000000e-01, v3;
	v1 =	vmul.f32 $1.250000000e-01, v1;
	v3 =	vld [tilespmem:s30+$0x130];
	[tilespmem:s30+$0x1D0] =	vst v7  }
0x117: {  	v15 =	vmul.f32 $1.250000000e-01, v15;
	v4 =	vmul.f32 $1.250000000e-01, v4;
	v7 =	vld [tilespmem:s30+$0x140];
	[tilespmem:s30+$0x1E0] =	vst v0  }
0x118: {  	v17 =	vmul.f32 $1.250000000e-01, v10;
	[tilespmem:s30+$0x0] =	vst v1;
	v0 =	vmul.f32 $1.250000000e-01, v8;
	v1 =	vld [tilespmem:s30+$0x150]  }
0x119: {  	v18 =	vmul.f32 $1.250000000e-01, v9;
	[tilespmem:s30+$0xF0] =	vst v4;
	v2 =	vmul.f32 $1.250000000e-01, v2;
	v4 =	vld [tilespmem:s30+$0x1F0]  }
0x11a: {  	v8 =	vmul.f32 $1.250000000e-01, v11;
	v19 =	vld [tilespmem:s30+$0x50];
	[tilespmem:s30+$0x100] =	vst v0;
	v0 =	vmul.f32 $1.250000000e-01, v6  }
0x11b: {  	v9 =	vmul.f32 $1.250000000e-01, v12;
	v6 =	vld [tilespmem:s30+$0x40];
	[tilespmem:s30+$0x110] =	vst v2;
	v2 =	vmul.f32 $1.250000000e-01, v3  }
0x11c: {  	v10 =	vmul.f32 $1.250000000e-01, v13;
	v12 =	vld [tilespmem:s30+$0x30];
	[tilespmem:s30+$0x120] =	vst v0;
	v0 =	vmul.f32 $1.250000000e-01, v7  }
0x11d: {  	v7 =	vmul.f32 $1.250000000e-01, v14;
	v13 =	vld [tilespmem:s30+$0x20];
	[tilespmem:s30+$0x130] =	vst v2;
	v1 =	vmul.f32 $1.250000000e-01, v1  }
0x11e: {  	v5 =	vmul.f32 $1.250000000e-01, v5;
	v2 =	vld [tilespmem:s30+$0x10];
	[tilespmem:s30+$0x140] =	vst v0;
	v4 =	vmul.f32 $1.250000000e-01, v4  }
0x11f: {  	v3 =	vmul.f32 $1.250000000e-01, v19;
	[tilespmem:s30+$0x150] =	vst v1;
	v19 =	vld [tilespmem:s30+$0x1B0]  }
.Ltmp2:
0x120: {  	v0 =	vmul.f32 $1.250000000e-01, v6;
	v11 =	vld [tilespmem:s30+$0x190];
	[tilespmem:s30+$0x1F0] =	vst v4;
	(pc) =	sbr.rel @p1 .LBB2_7-.Ltmp2, $4  }
0x121: {  	v1 =	vmul.f32 $1.250000000e-01, v12;
	[tilespmem:s30+$0xE0] =	vst v16;
	v12 =	vld [tilespmem:s30+$0x1C0]  }
0x122: {  	v4 =	vmul.f32 $1.250000000e-01, v13;
	[tilespmem:s30+$0xD0] =	vst v15;
	v13 =	vld [tilespmem:s30+$0x180]  }
0x123: {  	v2 =	vmul.f32 $1.250000000e-01, v2;
	[tilespmem:s30+$0xC0] =	vst v17;
	v15 =	vld [tilespmem:s30+$0x170]  }
0x124: {  	s30 =	sadd.s32 $0x200, s30;
	[tilespmem:s23+$0xB0] =	vst v18;
	v14 =	vld [tilespmem:s23+$0x160];
	v6 =	vmul.f32 $1.250000000e-01, v19  }
0x125: {  	[tilespmem:s23+$0xA0] =	vst v8  }
0x126: {  	[tilespmem:s23+$0x90] =	vst v9  }
0x127: {  	[tilespmem:s23+$0x80] =	vst v10  }
0x128: {  	[tilespmem:s23+$0x70] =	vst v7  }
0x129: {  	[tilespmem:s23+$0x60] =	vst v5  }
0x12a: {  	[tilespmem:s23+$0x50] =	vst v3  }
0x12b: {  	[tilespmem:s23+$0x40] =	vst v0  }
0x12c: {  	[tilespmem:s23+$0x30] =	vst v1  }
0x12d: {  	[tilespmem:s23+$0x20] =	vst v4  }
0x12e: {  	v0 =	vmul.f32 $1.250000000e-01, v11;
	[tilespmem:s23+$0x10] =	vst v2  }
0x12f: {  	v8 =	vmul.f32 $1.250000000e-01, v12;
	[tilespmem:s23+$0x1B0] =	vst v6  }
0x130: {  	v9 =	vmul.f32 $1.250000000e-01, v13;
	[tilespmem:s23+$0x190] =	vst v0  }
0x131: {  	[tilespmem:s23+$0x1C0] =	vst v8;
	v7 =	vmul.f32 $1.250000000e-01, v15  }
0x132: {  	s11 =	smul.u32 $0xC80, s11;
	[tilespmem:s23+$0x180] =	vst v9;
	v5 =	vmul.f32 $1.250000000e-01, v14  }
0x133: {  	[tilespmem:s23+$0x170] =	vst v7  }
0x134: {  	s11 =	sadd.s32 s3, s11;
	[tilespmem:s23+$0x160] =	vst v5  }
0x135: {  	[hbm4b:s11+s26] =	stream.strided.scatter [tilespmem:s22], [sflag:$0x7], $0x3200, s13, s26, $0x38;
	[tilespmem:$0xCB20] =	vst v63  }
0x136: {  	s11 =	sadd.s32 @!p0 s17, s10  }
0x137: {  	_ =	swait.ge [sflag:s19], $0x3200;
	s11 =	smul.u32 @!p0 $0x19, s11  }
0x138: {  	s23 =	simm.s32 @!p0 $0xC8;
	[sflag:s19] =	ssyncset.done $0x0  }
0x139: {  	s17 =	simm.s32 @!p0 $0x0;
	[sflag:s19] =	ssyncadd.s32 $0xFFFFCE00;
	s11 =	sadd.s32 @!p0 s1, s11  }
0x13a: {  	[tilespmem:s23], [sflag:$0x9] =	stream.linear.gather @!p0 [hbm4b:s11+s17], $0xC8, $0x38;
	[tilespmem:$0xCB20] =	vst v63  }
0x13b: {  	s11 =	simm.s32 @!p0 $0x9  }
0x13c: {  	_ =	swait.ge @!p0 [sflag:s11], $0xC8  }
0x13d: {  	[sflag:s11] =	ssyncset.done @!p0 $0x0  }
0x13e: {  	s17 =	simm.s32 @!p0 $0x3520;
	[sflag:s11] =	ssyncadd.s32 @!p0 $0xFFFFFF38;
	s11 =	simm.s32 @!p0 $0x80  }
0x13f: {  	[tilespmem:s17], [sflag:$0x2] =	stream.indirect.gather @!p0 [hbm4b:s5+s11], $0x40, s23, s11, $0xb8;
	[tilespmem:$0xCB20] =	vst v63  }
0x140: {  	s11 =	simm.s32 @!p0 $0x48;
	s17 =	simm.s32 @!p0 $0x148;
	s23 =	simm.s32 @!p0 $0x5520  }
0x141: {  	[tilespmem:s23], [sflag:$0x2] =	stream.indirect.gather @!p0 [hbm4b:s5+s11], $0x40, s17, s11, $0xb8;
	[tilespmem:$0xCB20] =	vst v63  }
0x142: {  	_ =	swait.ge [sflag:s20], $0x2000  }
0x143: {  	[sflag:s20] =	ssyncset.done $0x0  }
0x144: {  	[sflag:s20] =	ssyncadd.s32 $0xFFFFE000  }
0x145: {  	_ =	swait.ge [sflag:s20], $0x1200  }
0x146: {  	[sflag:s20] =	ssyncset.done $0x0  }
0x147: {  	s11 =	simm.s32 $0x9920;
	[sflag:s20] =	ssyncadd.s32 $0xFFFFEE00  }
0x148: {  	v0 =	vld [tilespmem:s11+$0x1A0]  }
0x149: {  	v1 =	vld [tilespmem:s11+$0xA0]  }
0x14a: {  	v2 =	vld [tilespmem:s11+$0x90]  }
0x14b: {  	v3 =	vld [tilespmem:s11+$0x80]  }
0x14c: {  	v4 =	vld [tilespmem:s11+$0xB0]  }
0x14d: {  	v5 =	vld [tilespmem:s11+$0x70]  }
0x14e: {  	v6 =	vld [tilespmem:s11+$0xC0]  }
0x14f: {  	v12 =	vld [tilespmem:s11+$0x60]  }
0x150: {  	v7 =	vld [tilespmem:s11+$0xD0]  }
0x151: {  	v8 =	vld [tilespmem:s11+$0xE0]  }
0x152: {  	v9 =	vld [tilespmem:s11+$0x1D0]  }
0x153: {  	v10 =	vld [tilespmem:s11+$0x1E0]  }
0x154: {  	v11 =	vld [tilespmem:s11+$0x0]  }
0x155: {  	v13 =	vld [tilespmem:s11+$0xF0]  }
0x156: {  	v14 =	vld [tilespmem:s11+$0x100];
	v0 =	vmul.f32 $1.250000000e-01, v0  }
0x157: {  	v15 =	vld [tilespmem:s11+$0x110];
	v9 =	vmul.f32 $1.250000000e-01, v9  }
0x158: {  	v16 =	vld [tilespmem:s11+$0x120];
	v17 =	vmul.f32 $1.250000000e-01, v8;
	[tilespmem:s11+$0x1A0] =	vst v0  }
0x159: {  	v18 =	vld [tilespmem:s11+$0x30];
	v6 =	vmul.f32 $1.250000000e-01, v6;
	[tilespmem:s11+$0x1D0] =	vst v9  }
0x15a: {  	v21 =	vld [tilespmem:s11+$0x1B0];
	v0 =	vmul.f32 $1.250000000e-01, v10;
	[tilespmem:s11+$0xE0] =	vst v17  }
0x15b: {  	v10 =	vmul.f32 $1.250000000e-01, v11;
	v11 =	vld [tilespmem:s11+$0x130];
	[tilespmem:s11+$0xC0] =	vst v6  }
0x15c: {  	v9 =	vmul.f32 $1.250000000e-01, v13;
	v13 =	vld [tilespmem:s11+$0x140];
	[tilespmem:s11+$0x1E0] =	vst v0  }
0x15d: {  	[tilespmem:s11+$0x0] =	vst v10;
	v0 =	vmul.f32 $1.250000000e-01, v14;
	v10 =	vld [tilespmem:s11+$0x150]  }
0x15e: {  	[tilespmem:s11+$0xF0] =	vst v9;
	v9 =	vmul.f32 $1.250000000e-01, v15;
	v14 =	vld [tilespmem:s11+$0x1F0]  }
0x15f: {  	v19 =	vld [tilespmem:s11+$0x20];
	v8 =	vmul.f32 $1.250000000e-01, v1;
	[tilespmem:s11+$0x100] =	vst v0;
	v0 =	vmul.f32 $1.250000000e-01, v16  }
0x160: {  	v20 =	vld [tilespmem:s11+$0x10];
	v1 =	vmul.f32 $1.250000000e-01, v18;
	[tilespmem:s11+$0x110] =	vst v9;
	v9 =	vmul.f32 $1.250000000e-01, v11  }
0x161: {  	v6 =	vmul.f32 $1.250000000e-01, v21;
	v15 =	vld [tilespmem:s11+$0x50];
	[tilespmem:s11+$0x120] =	vst v0;
	v0 =	vmul.f32 $1.250000000e-01, v13  }
0x162: {  	v16 =	vld [tilespmem:s11+$0x40];
	v13 =	vmul.f32 $1.250000000e-01, v7;
	[tilespmem:s11+$0x130] =	vst v9;
	v7 =	vmul.f32 $1.250000000e-01, v10  }
0x163: {  	v11 =	vld [tilespmem:s11+$0x190];
	v9 =	vmul.f32 $1.250000000e-01, v2;
	[tilespmem:s11+$0x140] =	vst v0;
	v0 =	vmul.f32 $1.250000000e-01, v14  }
0x164: {  	[tilespmem:s11+$0x150] =	vst v7;
	v7 =	vmul.f32 $1.250000000e-01, v5;
	v5 =	vmul.f32 $1.250000000e-01, v12;
	v12 =	vld [tilespmem:s11+$0x1C0]  }
0x165: {  	v10 =	vmul.f32 $1.250000000e-01, v3;
	v14 =	vmul.f32 $1.250000000e-01, v4;
	[tilespmem:s11+$0xD0] =	vst v13;
	v13 =	vld [tilespmem:s11+$0x180]  }
0x166: {  	v3 =	vmul.f32 $1.250000000e-01, v15;
	v15 =	vld [tilespmem:s11+$0x170];
	v2 =	vmul.f32 $1.250000000e-01, v20;
	[tilespmem:s11+$0x1F0] =	vst v0  }
0x167: {  	s17 =	simm.s32 $0x0;
	s23 =	simm.s32 $0x9B20;
	v4 =	vmul.f32 $1.250000000e-01, v19;
	v0 =	vmul.f32 $1.250000000e-01, v16;
	[tilespmem:s11+$0xB0] =	vst v14;
	v14 =	vld [tilespmem:s11+$0x160]  }
.LBB2_9:
0x168: {  	v16 =	vld [tilespmem:s23+$0x1A0];
	s17 =	sadd.s32 $0x8, s17;
	[tilespmem:s11+$0xA0] =	vst v8;
	v8 =	vmul.f32 $1.250000000e-01, v11  }
0x169: {  	v11 =	vld [tilespmem:s23+$0xA0];
	p0 =	slt.u32 s17, $0xC0;
	[tilespmem:s11+$0x90] =	vst v9;
	v9 =	vmul.f32 $1.250000000e-01, v12  }
0x16a: {  	v12 =	vld [tilespmem:s23+$0x90];
	[tilespmem:s11+$0x80] =	vst v10;
	v10 =	vmul.f32 $1.250000000e-01, v13  }
0x16b: {  	v13 =	vld [tilespmem:s23+$0x80];
	v15 =	vmul.f32 $1.250000000e-01, v15;
	[tilespmem:s11+$0x1C0] =	vst v9  }
0x16c: {  	v9 =	vld [tilespmem:s23+$0xB0];
	[tilespmem:s11+$0x70] =	vst v7;
	v7 =	vmul.f32 $1.250000000e-01, v14  }
0x16d: {  	v14 =	vld [tilespmem:s23+$0x70];
	v16 =	vmul.f32 $1.250000000e-01, v16;
	[tilespmem:s11+$0x180] =	vst v10  }
0x16e: {  	v10 =	vld [tilespmem:s23+$0xC0];
	[tilespmem:s11+$0x60] =	vst v5  }
0x16f: {  	v5 =	vld [tilespmem:s23+$0x60];
	[tilespmem:s11+$0x170] =	vst v15  }
0x170: {  	v15 =	vld [tilespmem:s23+$0xD0];
	[tilespmem:s11+$0x50] =	vst v3  }
0x171: {  	v3 =	vld [tilespmem:s23+$0xE0];
	[tilespmem:s11+$0x160] =	vst v7  }
0x172: {  	v7 =	vld [tilespmem:s23+$0x1D0];
	[tilespmem:s11+$0x40] =	vst v0  }
0x173: {  	v0 =	vld [tilespmem:s23+$0x1E0];
	[tilespmem:s11+$0x30] =	vst v1  }
0x174: {  	v1 =	vld [tilespmem:s23+$0x0];
	[tilespmem:s11+$0x20] =	vst v4  }
0x175: {  	v4 =	vld [tilespmem:s23+$0xF0];
	[tilespmem:s11+$0x190] =	vst v8  }
0x176: {  	v8 =	vld [tilespmem:s23+$0x100];
	[tilespmem:s11+$0x10] =	vst v2  }
0x177: {  	v2 =	vld [tilespmem:s23+$0x110];
	v7 =	vmul.f32 $1.250000000e-01, v7;
	[tilespmem:s11+$0x1B0] =	vst v6;
	s11 =	smov.u32 s23  }
0x178: {  	v6 =	vld [tilespmem:s23+$0x120];
	[tilespmem:s23+$0x1A0] =	vst v16;
	v0 =	vmul.f32 $1.250000000e-01, v0  }
0x179: {  	v16 =	vmul.f32 $1.250000000e-01, v3;
	v1 =	vmul.f32 $1.250000000e-01, v1;
	v3 =	vld [tilespmem:s23+$0x130];
	[tilespmem:s23+$0x1D0] =	vst v7  }
0x17a: {  	v15 =	vmul.f32 $1.250000000e-01, v15;
	v4 =	vmul.f32 $1.250000000e-01, v4;
	v7 =	vld [tilespmem:s23+$0x140];
	[tilespmem:s23+$0x1E0] =	vst v0  }
0x17b: {  	v17 =	vmul.f32 $1.250000000e-01, v10;
	[tilespmem:s23+$0x0] =	vst v1;
	v0 =	vmul.f32 $1.250000000e-01, v8;
	v1 =	vld [tilespmem:s23+$0x150]  }
0x17c: {  	v18 =	vmul.f32 $1.250000000e-01, v9;
	[tilespmem:s23+$0xF0] =	vst v4;
	v2 =	vmul.f32 $1.250000000e-01, v2;
	v4 =	vld [tilespmem:s23+$0x1F0]  }
0x17d: {  	v8 =	vmul.f32 $1.250000000e-01, v11;
	v19 =	vld [tilespmem:s23+$0x50];
	[tilespmem:s23+$0x100] =	vst v0;
	v0 =	vmul.f32 $1.250000000e-01, v6  }
0x17e: {  	v9 =	vmul.f32 $1.250000000e-01, v12;
	v6 =	vld [tilespmem:s23+$0x40];
	[tilespmem:s23+$0x110] =	vst v2;
	v2 =	vmul.f32 $1.250000000e-01, v3  }
0x17f: {  	v10 =	vmul.f32 $1.250000000e-01, v13;
	v12 =	vld [tilespmem:s23+$0x30];
	[tilespmem:s23+$0x120] =	vst v0;
	v0 =	vmul.f32 $1.250000000e-01, v7  }
0x180: {  	v7 =	vmul.f32 $1.250000000e-01, v14;
	v13 =	vld [tilespmem:s23+$0x20];
	[tilespmem:s23+$0x130] =	vst v2;
	v1 =	vmul.f32 $1.250000000e-01, v1  }
0x181: {  	v5 =	vmul.f32 $1.250000000e-01, v5;
	v2 =	vld [tilespmem:s23+$0x10];
	[tilespmem:s23+$0x140] =	vst v0;
	v4 =	vmul.f32 $1.250000000e-01, v4  }
0x182: {  	v3 =	vmul.f32 $1.250000000e-01, v19;
	[tilespmem:s23+$0x150] =	vst v1;
	v19 =	vld [tilespmem:s23+$0x1B0]  }
.Ltmp3:
0x183: {  	v0 =	vmul.f32 $1.250000000e-01, v6;
	v11 =	vld [tilespmem:s23+$0x190];
	[tilespmem:s23+$0x1F0] =	vst v4;
	(pc) =	sbr.rel @p0 .LBB2_9-.Ltmp3, $4  }
0x184: {  	v1 =	vmul.f32 $1.250000000e-01, v12;
	[tilespmem:s23+$0xE0] =	vst v16;
	v12 =	vld [tilespmem:s23+$0x1C0]  }
0x185: {  	v4 =	vmul.f32 $1.250000000e-01, v13;
	[tilespmem:s23+$0xD0] =	vst v15;
	v13 =	vld [tilespmem:s23+$0x180]  }
0x186: {  	v2 =	vmul.f32 $1.250000000e-01, v2;
	[tilespmem:s23+$0xC0] =	vst v17;
	v15 =	vld [tilespmem:s23+$0x170]  }
0x187: {  	s23 =	sadd.s32 $0x200, s23;
	[tilespmem:s11+$0xB0] =	vst v18;
	v14 =	vld [tilespmem:s11+$0x160];
	v6 =	vmul.f32 $1.250000000e-01, v19  }
0x188: {  	[tilespmem:s11+$0xA0] =	vst v8  }
0x189: {  	[tilespmem:s11+$0x90] =	vst v9  }
0x18a: {  	[tilespmem:s11+$0x80] =	vst v10  }
0x18b: {  	[tilespmem:s11+$0x70] =	vst v7  }
0x18c: {  	[tilespmem:s11+$0x60] =	vst v5  }
0x18d: {  	[tilespmem:s11+$0x50] =	vst v3  }
0x18e: {  	[tilespmem:s11+$0x40] =	vst v0  }
0x18f: {  	[tilespmem:s11+$0x30] =	vst v1  }
0x190: {  	[tilespmem:s11+$0x20] =	vst v4  }
0x191: {  	v63 =	vmul.f32 $1.250000000e-01, v11;
	[tilespmem:s11+$0x10] =	vst v2  }
0x192: {  	s6 =	sadd.s32 $0x1, s6;
	v59 =	vmul.f32 $1.250000000e-01, v12;
	[tilespmem:s11+$0x1B0] =	vst v6  }
0x193: {  	p0 =	sne.s32 s6, $0x80;
	v60 =	vmul.f32 $1.250000000e-01, v13;
	[tilespmem:s11+$0x190] =	vst v63  }
.Ltmp4:
0x194: {  	[tilespmem:s11+$0x1C0] =	vst v59;
	v61 =	vmul.f32 $1.250000000e-01, v15;
	(pc) =	sbr.rel @p0 .LBB2_2-.Ltmp4, $4  }
0x195: {  	s8 =	smul.u32 $0xC80, s8;
	[tilespmem:s11+$0x180] =	vst v60;
	v62 =	vmul.f32 $1.250000000e-01, v14  }
0x196: {  	[tilespmem:s11+$0x170] =	vst v61  }
0x197: {  	s8 =	sadd.s32 s3, s8;
	[tilespmem:s11+$0x160] =	vst v62  }
0x198: {  	[hbm4b:s8+s26] =	stream.strided.scatter [tilespmem:s29], [sflag:$0x8], $0x3200, s13, s26, $0x38;
	[tilespmem:$0xCB20] =	vst v63  }
0x199: {  	s6 =	simm.s32 $0x7  }
0x19a: {  	_ =	swait.ge [sflag:s6], $0x3200  }
0x19b: {  	[sflag:s6] =	ssyncset.done $0x0  }
0x19c: {  	s8 =	simm.s32 $0x8;
	[sflag:s6] =	ssyncadd.s32 $0xFFFFCE00  }
0x19d: {  	_ =	swait.ge [sflag:s8], $0x3200  }
0x19e: {  	s11 =	rddreg [dreg:$0x7]  }
0x19f: {  	s31 =	rddreg [dreg:$0x6];
	s11 =	sadd.s32 $0x1, s11  }
0x1a0: {  	p0 =	sne.s32 s11, s31  }
.Ltmp5:
0x1a1: {  	_ = 	snop;
	(pc) =	sbr.rel @p0 .LBB2_1-.Ltmp5, $3  }
0x1a2: {  	_ =	sdelay $0x1  }
0x1a3: {  	[sflag:s8] =	ssyncset.done $0x0  }
0x1a4: {  	[sflag:s8] =	ssyncadd.s32 $0xFFFFCE00  }
0x1a5: {  	_ =	sfence.sel $0x180000  }
0x1a6: {  	[bflag:$0x0] =	sbarrier.arrive $0xFFFF  }
0x1a7: {  	_ =	strace $0x90000047  }
0x1a8: {  	s0 =	stileid.u32;
	[bflag:$0x2] =	sbarrier.arrive $0xFFFF  }
0x1a9: {  	p0 =	sne.s32 s0, $0x0;
	s0 =	rddreg [dreg:$0x3]  }
0x1aa: {  	s0 =	sadd.s32 @!p0 $0x100000, s0  }
0x1ab: {  	[sflag:s0] =	ssyncadd.tile.s32 @!p0 $0x1;
	_ =	shalt  }
.Lfunc_end2:
_tile_overlayer_lowered:
.L_overlay_start_2:
0x1ac: {  	(tag) =	ssettag $0x2  }
0x1ad: {  	s0 =	rddreg [dreg:$0x0];
	s2 =	stileid.u32  }
0x1ae: {  	s1 =	rddreg [dreg:$0x1];
	p0 =	sne.s32 s2, $0x0  }
0x1af: {  	s3 =	rddreg [dreg:$0x2];
	[bflag:$0x3] =	sbarrier.arrive $0xFFFF;
	s2 =	simm.s32 @!p0 $0x1C09  }
0x1b0: {  	[timem:s3], [sflag:s2] =	dma.local @!p0 [hbm:s0], s1  }
0x1b1: {  	s0 =	simm.s32 @!p0 $0x9  }
0x1b2: {  	_ =	swait.ge @!p0 [sflag:s0], s1  }
0x1b3: {  	s1 =	ssub.s32 @!p0 $0x0, s1;
	[sflag:s0] =	ssyncset.done @!p0 $0x0  }
0x1b4: {  	[sflag:s0] =	ssyncadd.s32 @!p0 s1  }
0x1b5: {  	[bflag:$0x3] =	sbarrier.arrive $0xFFFF  }
0x1b6: {  	_ =	shalt  }

</sc_bundles>
